<compile_context>
chip_gen: v7x
topology: tpu7x:2x2x1
jax: 0.10.2.dev20260603
libtpu: 0.0.44.dev20260713+nightly
codegen_flags: <defaults>
</compile_context>

<pallas_src>
import functools

import jax
import jax.numpy as jnp
from jax import lax
from jax.experimental import pallas as pl
from jax.experimental.pallas import tpu as pltpu
from jax.experimental.pallas import tpu_sc as plsc

NUM_ANNOTATORS = 100000
LATENT_DIMS = 16
BATCH = 16384

_NUM_CORES = 2
_NUM_SUBCORES = 16
_NW = _NUM_CORES * _NUM_SUBCORES
_B_PER_W = BATCH // _NW
_FULL_BLOCKS = NUM_ANNOTATORS // 128
_TAIL_START = _FULL_BLOCKS * 128
_PITCH = _TAIL_START + 128
_BLK_PER_SUB = 98
_RING = 24
_DELAY = 20


@functools.partial(
    pl.kernel,
    mesh=plsc.VectorSubcoreMesh(core_axis_name="c", subcore_axis_name="s"),
    out_type=jax.ShapeDtypeStruct((LATENT_DIMS, BATCH), jnp.float32),
    scratch_types=[
        pltpu.VMEM((_B_PER_W,), jnp.int32),
        [pltpu.VMEM((4 * _B_PER_W,), jnp.float32) for _ in range(2)],
        pltpu.VMEM((_RING * 8, 128), jnp.float32),
        pltpu.VMEM_SHARED((LATENT_DIMS * _PITCH,), jnp.float32),
        pltpu.SemaphoreType.DMA,
        pltpu.SemaphoreType.DMA,
        pltpu.SemaphoreType.DMA,
    ],
)
def _gather_sc(idx_hbm, zt3_hbm, tail_hbm, outT_hbm, idx_v, words2,
               bounce_v, table_sh, sem_in, sem_out, sem):
    sid = lax.axis_index("s")
    wid = sid * _NUM_CORES + lax.axis_index("c")
    base = wid * _B_PER_W
    jb = lax.bitwise_and(sid, jnp.int32(1))
    s8 = lax.shift_right_logical(sid, 1)
    flat_jb = jb * (8 * _PITCH)

    pltpu.sync_copy(idx_hbm.at[pl.ds(base, _B_PER_W)], idx_v)

    def blk(t):
        return lax.min(s8 * _BLK_PER_SUB + t, jnp.int32(_FULL_BLOCKS - 1))

    def stage(t, _):
        @pl.when(t >= _DELAY)
        def _():
            u = t - _DELAY
            ku = lax.rem(u, jnp.int32(_RING))
            pltpu.make_async_copy(zt3_hbm.at[0, :, pl.ds(0, 128)],
                                  bounce_v.at[pl.ds(0, 8), :],
                                  sem_in).wait()
            b128 = blk(u) * 128
            for r in range(8):
                pltpu.async_copy(
                    bounce_v.at[ku * 8 + r],
                    table_sh.at[pl.ds(flat_jb + r * _PITCH + b128, 128)],
                    sem_out)

        @pl.when(t < _BLK_PER_SUB)
        def _():
            k = lax.rem(t, jnp.int32(_RING))

            @pl.when(t >= _RING)
            def _():
                pltpu.make_async_copy(zt3_hbm.at[0, :, pl.ds(0, 128)],
                                      bounce_v.at[pl.ds(0, 8), :],
                                      sem_out).wait()

            pltpu.async_copy(zt3_hbm.at[jb, :, pl.ds(blk(t) * 128, 128)],
                             bounce_v.at[pl.ds(k * 8, 8), :], sem_in)
        return 0

    lax.fori_loop(0, _BLK_PER_SUB + _DELAY, stage, 0)

    for _ in range(_RING):
        pltpu.make_async_copy(zt3_hbm.at[0, :, pl.ds(0, 128)],
                              bounce_v.at[pl.ds(0, 8), :], sem_out).wait()

    for h in range(2):
        @pl.when(sid == h)
        def _(h=h):
            pltpu.sync_copy(tail_hbm.at[pl.ds(h * 8, 8), :],
                            bounce_v.at[pl.ds(0, 8), :])
            tds = [
                pltpu.async_copy(
                    bounce_v.at[r],
                    table_sh.at[pl.ds((h * 8 + r) * _PITCH + _TAIL_START,
                                      128)],
                    sem_out)
                for r in range(8)
            ]
            for d in tds:
                d.wait()

    plsc.subcore_barrier()

    outw = [None, None]
    for w in range(4):
        buf = words2[w % 2]
        if outw[w % 2] is not None:
            for d in outw[w % 2]:
                d.wait()
        gs = [
            pltpu.async_copy(
                table_sh.at[pl.ds((4 * w + k) * _PITCH, _PITCH)].at[idx_v],
                buf.at[pl.ds(k * _B_PER_W, _B_PER_W)],
                sem)
            for k in range(4)
        ]
        for g in gs:
            g.wait()
        outw[w % 2] = [
            pltpu.async_copy(
                buf.at[pl.ds(k * _B_PER_W, _B_PER_W)],
                outT_hbm.at[4 * w + k, pl.ds(base, _B_PER_W)],
                sem_out)
            for k in range(4)
        ]
    for ds_ in outw:
        for d in ds_:
            d.wait()


def kernel(annotator, z_vecs):
    zt3 = z_vecs.T.reshape(2, 8, NUM_ANNOTATORS)
    tail = jnp.pad(z_vecs.T[:, _TAIL_START:],
                   ((0, 0), (0, _PITCH - NUM_ANNOTATORS)))
    outT = _gather_sc(annotator.astype(jnp.int32), zt3, tail)
    return outT.T

# --- scband reference (transcript-rebuilt; emitter-appended) ---
"""Pipeline reference for scband-latent-variable-936302870772 (READ-ONLY COPY).

The authoritative reference and input builder live on the scoring server;
editing this copy changes nothing except your own understanding.
"""

import jax, jax.numpy as jnp
import numpy as np

NUM_ANNOTATORS = 100000
LATENT_DIMS = 16
INIT_SIGMA = 8.0
BATCH = 16384


def setup_inputs(seed: int = 0) -> dict:
    key = jax.random.key(seed)
    k1, k2 = jax.random.split(key)
    annotator = jax.random.randint(k1, (BATCH,), 0, NUM_ANNOTATORS, dtype=jnp.int64 if jax.config.jax_enable_x64 else jnp.int32).astype(jnp.int32)
    # learned parameter: the latent table z_vecs, init ~ N(0,1)*init_sigma
    z_vecs = jax.random.normal(k2, (NUM_ANNOTATORS, LATENT_DIMS), dtype=jnp.float32) * INIT_SIGMA
    return {"annotator": annotator, "z_vecs": z_vecs}


def reference(annotator, z_vecs):
    # Faithful translation of LatentVariable.forward: for each index i,
    # z[i] = z_vecs[annotator[i]] -> a row gather from the parameter table.
    annotator = annotator.astype(jnp.int32)
    z = jnp.take(z_vecs, annotator, axis=0)
    return z

if __name__ == "__main__":
    import jax
    _d = setup_inputs()
    print(jax.jit(kernel)(*tuple(_d.values())))

</pallas_src>

<mosaic_0001>
#map = affine_map<(d0, d1) -> (0)>
#map1 = affine_map<(d0, d1) -> (0, 0, 0)>
#map2 = affine_map<(d0, d1) -> (0, 0)>
module attributes {stable_mosaic.version = 14 : i64} {
  func.func @_gather_sc(%arg0: i32, %arg1: i32, %arg2: memref<16384xi32, #tpu.memory_space<hbm>>, %arg3: memref<2x8x100000xf32, #tpu.memory_space<hbm>>, %arg4: memref<16x128xf32, #tpu.memory_space<hbm>>, %arg5: memref<16x16384xf32, #tpu.memory_space<hbm>>, %arg6: memref<512xi32, #tpu.memory_space<vmem>>, %arg7: memref<2048xf32, #tpu.memory_space<vmem>>, %arg8: memref<2048xf32, #tpu.memory_space<vmem>>, %arg9: memref<192x128xf32, #tpu.memory_space<vmem>>, %arg10: memref<1601536xf32, #tpu.memory_space<vmem_shared>>, %arg11: memref<!tpu.dma_semaphore, #tpu.memory_space<semaphore_mem>>, %arg12: memref<!tpu.dma_semaphore, #tpu.memory_space<semaphore_mem>>, %arg13: memref<!tpu.dma_semaphore, #tpu.memory_space<semaphore_mem>>) attributes {dimension_semantics = [#tpu.dimension_semantics<core_parallel>, #tpu.dimension_semantics<subcore_parallel>], iteration_bounds = array<i64: 2, 16>, scalar_prefetch = 0 : i64, scratch_operands = 8 : i64, tpu.core_type = #tpu.core_type<sc_vector_subcore>, window_params = [{transform_indices = #map}, {transform_indices = #map1}, {transform_indices = #map2}, {transform_indices = #map2}]} {
    %mul3A = arith.constant 2 : i32
    %mul3A_0 = arith.muli %arg1, %mul3A : i32
    %add3A = arith.addi %mul3A_0, %arg0 : i32
    %mul3A_1 = arith.constant 512 : i32
    %mul3A_2 = arith.muli %add3A, %mul3A_1 : i32
    %and3A = arith.constant 1 : i32
    %and3A_3 = arith.andi %arg1, %and3A : i32
    %shift_right_logical3A = arith.constant 1 : i32
    %shift_right_logical3A_4 = arith.shrui %arg1, %shift_right_logical3A : i32
    %mul3A_5 = arith.constant 800768 : i32
    %mul3A_6 = arith.muli %and3A_3, %mul3A_5 : i32
    "tpu.region"() ({
      %run_scoped3A = tpu.sem_alloc : memref<!tpu.dma_semaphore, #tpu.memory_space<semaphore_mem>>
      %dma_start3A_858 = tpu.memref_slice %arg2[%mul3A_2] : memref<16384xi32, #tpu.memory_space<hbm>> -> memref<512xi32, #tpu.memory_space<hbm>>
      %dma_start3A_859 = tpu.memref_slice %arg2[%mul3A_2] : memref<16384xi32, #tpu.memory_space<hbm>> -> memref<512xi32, #tpu.memory_space<hbm>>
      tpu.enqueue_dma source(%dma_start3A_859 : memref<512xi32, #tpu.memory_space<hbm>>) target(%arg6 : memref<512xi32, #tpu.memory_space<vmem>>) target_semaphore(%run_scoped3A : memref<!tpu.dma_semaphore, #tpu.memory_space<semaphore_mem>>)
      %dma_wait3A_860 = tpu.memref_slice %arg2[%mul3A_2] : memref<16384xi32, #tpu.memory_space<hbm>> -> memref<512xi32, #tpu.memory_space<hbm>>
      %dma_wait3A_861 = tpu.memref_slice %arg2[%mul3A_2] : memref<16384xi32, #tpu.memory_space<hbm>> -> memref<512xi32, #tpu.memory_space<hbm>>
      tpu.wait_dma2 semaphore(%run_scoped3A : memref<!tpu.dma_semaphore, #tpu.memory_space<semaphore_mem>>) src(%dma_wait3A_861 : memref<512xi32, #tpu.memory_space<hbm>>) dst(%arg6 : memref<512xi32, #tpu.memory_space<vmem>>)
      tpu.yield
    }) : () -> ()
    %scan3A = arith.constant 0 : i32
    %scan3A_7 = arith.constant 0 : i32
    %scan3A_8 = arith.constant 118 : i32
    %scan3A_9 = arith.addi %scan3A_7, %scan3A_8 : i32
    %scan3A_10 = arith.constant 1 : i32
    %scan3A_11 = scf.for %scan3A_858 = %scan3A_7 to %scan3A_9 step %scan3A_10 iter_args(%scan3A_859 = %scan3A) -> (i32)  : i32 {
      %ge3A = arith.constant 20 : i32
      %ge3A_860 = arith.cmpi sge, %scan3A_858, %ge3A : i32
      %convert_element_type3A_861 = arith.extui %ge3A_860 : i1 to i32
      %cond3A_862 = arith.constant 0 : i32
      %cond3A_863 = arith.cmpi ne, %convert_element_type3A_861, %cond3A_862 : i32
      scf.if %cond3A_863 {
        %sub3A = arith.constant 20 : i32
        %sub3A_869 = arith.subi %scan3A_858, %sub3A : i32
        %rem3A = arith.constant 24 : i32
        %rem3A_870 = arith.remsi %sub3A_869, %rem3A : i32
        %dma_wait3A_871 = arith.constant 0 : i32
        %dma_wait3A_872 = arith.constant 0 : i32
        %dma_wait3A_873 = arith.constant 0 : i32
        %dma_wait3A_874 = tpu.memref_slice %arg9[%dma_wait3A_872, %dma_wait3A_873] : memref<192x128xf32, #tpu.memory_space<vmem>> -> memref<8x128xf32, #tpu.memory_space<vmem>>
        %dma_wait3A_875 = arith.constant 0 : i32
        %dma_wait3A_876 = arith.constant 0 : i32
        %dma_wait3A_877 = tpu.memref_slice %arg3[%dma_wait3A_871, %dma_wait3A_875, %dma_wait3A_876] : memref<2x8x100000xf32, #tpu.memory_space<hbm>> -> memref<1x8x128xf32, #tpu.memory_space<hbm>>
        %dma_wait3A_878 = tpu.memref_squeeze %dma_wait3A_877 : memref<1x8x128xf32, #tpu.memory_space<hbm>> -> memref<8x128xf32, #tpu.memory_space<hbm>>
        %dma_wait3A_879 = arith.constant 0 : i32
        %dma_wait3A_880 = arith.constant 0 : i32
        %dma_wait3A_881 = tpu.memref_slice %arg9[%dma_wait3A_879, %dma_wait3A_880] : memref<192x128xf32, #tpu.memory_space<vmem>> -> memref<8x128xf32, #tpu.memory_space<vmem>>
        %dma_wait3A_882 = arith.constant 0 : i32
        %dma_wait3A_883 = arith.constant 0 : i32
        %dma_wait3A_884 = tpu.memref_slice %arg3[%dma_wait3A_871, %dma_wait3A_882, %dma_wait3A_883] : memref<2x8x100000xf32, #tpu.memory_space<hbm>> -> memref<1x8x128xf32, #tpu.memory_space<hbm>>
        %dma_wait3A_885 = tpu.memref_squeeze %dma_wait3A_884 : memref<1x8x128xf32, #tpu.memory_space<hbm>> -> memref<8x128xf32, #tpu.memory_space<hbm>>
        tpu.wait_dma2 semaphore(%arg11 : memref<!tpu.dma_semaphore, #tpu.memory_space<semaphore_mem>>) src(%dma_wait3A_885 : memref<8x128xf32, #tpu.memory_space<hbm>>) dst(%dma_wait3A_881 : memref<8x128xf32, #tpu.memory_space<vmem>>)
        %mul3A_886 = arith.constant 98 : i32
        %mul3A_887 = arith.muli %shift_right_logical3A_4, %mul3A_886 : i32
        %add3A_888 = arith.addi %mul3A_887, %sub3A_869 : i32
        %min3A = arith.constant 780 : i32
        %min3A_889 = arith.minsi %add3A_888, %min3A : i32
        %mul3A_890 = arith.constant 128 : i32
        %mul3A_891 = arith.muli %min3A_889, %mul3A_890 : i32
        %mul3A_892 = arith.constant 8 : i32
        %mul3A_893 = arith.muli %rem3A_870, %mul3A_892 : i32
        %add3A_894 = arith.constant 0 : i32
        %add3A_895 = arith.addi %mul3A_893, %add3A_894 : i32
        %add3A_896 = arith.constant 0 : i32
        %add3A_897 = arith.addi %mul3A_6, %add3A_896 : i32
        %add3A_898 = arith.addi %add3A_897, %mul3A_891 : i32
        %dma_start3A_899 = arith.constant 0 : i32
        %dma_start3A_900 = tpu.memref_slice %arg9[%add3A_895, %dma_start3A_899] : memref<192x128xf32, #tpu.memory_space<vmem>> -> memref<1x128xf32, #tpu.memory_space<vmem>>
        %dma_start3A_901 = tpu.memref_squeeze %dma_start3A_900 : memref<1x128xf32, #tpu.memory_space<vmem>> -> memref<128xf32, #tpu.memory_space<vmem>>
        %dma_start3A_902 = tpu.memref_slice %arg10[%add3A_898] : memref<1601536xf32, #tpu.memory_space<vmem_shared>> -> memref<128xf32, #tpu.memory_space<vmem_shared>>
        %dma_start3A_903 = tpu.memref_slice %arg10[%add3A_898] : memref<1601536xf32, #tpu.memory_space<vmem_shared>> -> memref<128xf32, #tpu.memory_space<vmem_shared>>
        %dma_start3A_904 = arith.constant 0 : i32
        %dma_start3A_905 = tpu.memref_slice %arg9[%add3A_895, %dma_start3A_904] : memref<192x128xf32, #tpu.memory_space<vmem>> -> memref<1x128xf32, #tpu.memory_space<vmem>>
        %dma_start3A_906 = tpu.memref_squeeze %dma_start3A_905 : memref<1x128xf32, #tpu.memory_space<vmem>> -> memref<128xf32, #tpu.memory_space<vmem>>
        tpu.enqueue_dma source(%dma_start3A_906 : memref<128xf32, #tpu.memory_space<vmem>>) target(%dma_start3A_903 : memref<128xf32, #tpu.memory_space<vmem_shared>>) target_semaphore(%arg12 : memref<!tpu.dma_semaphore, #tpu.memory_space<semaphore_mem>>)
        %mul3A_907 = arith.constant 8 : i32
        %mul3A_908 = arith.muli %rem3A_870, %mul3A_907 : i32
        %add3A_909 = arith.constant 1 : i32
        %add3A_910 = arith.addi %mul3A_908, %add3A_909 : i32
        %add3A_911 = arith.constant 100096 : i32
        %add3A_912 = arith.addi %mul3A_6, %add3A_911 : i32
        %add3A_913 = arith.addi %add3A_912, %mul3A_891 : i32
        %dma_start3A_914 = arith.constant 0 : i32
        %dma_start3A_915 = tpu.memref_slice %arg9[%add3A_910, %dma_start3A_914] : memref<192x128xf32, #tpu.memory_space<vmem>> -> memref<1x128xf32, #tpu.memory_space<vmem>>
        %dma_start3A_916 = tpu.memref_squeeze %dma_start3A_915 : memref<1x128xf32, #tpu.memory_space<vmem>> -> memref<128xf32, #tpu.memory_space<vmem>>
        %dma_start3A_917 = tpu.memref_slice %arg10[%add3A_913] : memref<1601536xf32, #tpu.memory_space<vmem_shared>> -> memref<128xf32, #tpu.memory_space<vmem_shared>>
        %dma_start3A_918 = tpu.memref_slice %arg10[%add3A_913] : memref<1601536xf32, #tpu.memory_space<vmem_shared>> -> memref<128xf32, #tpu.memory_space<vmem_shared>>
        %dma_start3A_919 = arith.constant 0 : i32
        %dma_start3A_920 = tpu.memref_slice %arg9[%add3A_910, %dma_start3A_919] : memref<192x128xf32, #tpu.memory_space<vmem>> -> memref<1x128xf32, #tpu.memory_space<vmem>>
        %dma_start3A_921 = tpu.memref_squeeze %dma_start3A_920 : memref<1x128xf32, #tpu.memory_space<vmem>> -> memref<128xf32, #tpu.memory_space<vmem>>
        tpu.enqueue_dma source(%dma_start3A_921 : memref<128xf32, #tpu.memory_space<vmem>>) target(%dma_start3A_918 : memref<128xf32, #tpu.memory_space<vmem_shared>>) target_semaphore(%arg12 : memref<!tpu.dma_semaphore, #tpu.memory_space<semaphore_mem>>)
        %mul3A_922 = arith.constant 8 : i32
        %mul3A_923 = arith.muli %rem3A_870, %mul3A_922 : i32
        %add3A_924 = arith.constant 2 : i32
        %add3A_925 = arith.addi %mul3A_923, %add3A_924 : i32
        %add3A_926 = arith.constant 200192 : i32
        %add3A_927 = arith.addi %mul3A_6, %add3A_926 : i32
        %add3A_928 = arith.addi %add3A_927, %mul3A_891 : i32
        %dma_start3A_929 = arith.constant 0 : i32
        %dma_start3A_930 = tpu.memref_slice %arg9[%add3A_925, %dma_start3A_929] : memref<192x128xf32, #tpu.memory_space<vmem>> -> memref<1x128xf32, #tpu.memory_space<vmem>>
        %dma_start3A_931 = tpu.memref_squeeze %dma_start3A_930 : memref<1x128xf32, #tpu.memory_space<vmem>> -> memref<128xf32, #tpu.memory_space<vmem>>
        %dma_start3A_932 = tpu.memref_slice %arg10[%add3A_928] : memref<1601536xf32, #tpu.memory_space<vmem_shared>> -> memref<128xf32, #tpu.memory_space<vmem_shared>>
        %dma_start3A_933 = tpu.memref_slice %arg10[%add3A_928] : memref<1601536xf32, #tpu.memory_space<vmem_shared>> -> memref<128xf32, #tpu.memory_space<vmem_shared>>
        %dma_start3A_934 = arith.constant 0 : i32
        %dma_start3A_935 = tpu.memref_slice %arg9[%add3A_925, %dma_start3A_934] : memref<192x128xf32, #tpu.memory_space<vmem>> -> memref<1x128xf32, #tpu.memory_space<vmem>>
        %dma_start3A_936 = tpu.memref_squeeze %dma_start3A_935 : memref<1x128xf32, #tpu.memory_space<vmem>> -> memref<128xf32, #tpu.memory_space<vmem>>
        tpu.enqueue_dma source(%dma_start3A_936 : memref<128xf32, #tpu.memory_space<vmem>>) target(%dma_start3A_933 : memref<128xf32, #tpu.memory_space<vmem_shared>>) target_semaphore(%arg12 : memref<!tpu.dma_semaphore, #tpu.memory_space<semaphore_mem>>)
        %mul3A_937 = arith.constant 8 : i32
        %mul3A_938 = arith.muli %rem3A_870, %mul3A_937 : i32
        %add3A_939 = arith.constant 3 : i32
        %add3A_940 = arith.addi %mul3A_938, %add3A_939 : i32
        %add3A_941 = arith.constant 300288 : i32
        %add3A_942 = arith.addi %mul3A_6, %add3A_941 : i32
        %add3A_943 = arith.addi %add3A_942, %mul3A_891 : i32
        %dma_start3A_944 = arith.constant 0 : i32
        %dma_start3A_945 = tpu.memref_slice %arg9[%add3A_940, %dma_start3A_944] : memref<192x128xf32, #tpu.memory_space<vmem>> -> memref<1x128xf32, #tpu.memory_space<vmem>>
        %dma_start3A_946 = tpu.memref_squeeze %dma_start3A_945 : memref<1x128xf32, #tpu.memory_space<vmem>> -> memref<128xf32, #tpu.memory_space<vmem>>
        %dma_start3A_947 = tpu.memref_slice %arg10[%add3A_943] : memref<1601536xf32, #tpu.memory_space<vmem_shared>> -> memref<128xf32, #tpu.memory_space<vmem_shared>>
        %dma_start3A_948 = tpu.memref_slice %arg10[%add3A_943] : memref<1601536xf32, #tpu.memory_space<vmem_shared>> -> memref<128xf32, #tpu.memory_space<vmem_shared>>
        %dma_start3A_949 = arith.constant 0 : i32
        %dma_start3A_950 = tpu.memref_slice %arg9[%add3A_940, %dma_start3A_949] : memref<192x128xf32, #tpu.memory_space<vmem>> -> memref<1x128xf32, #tpu.memory_space<vmem>>
        %dma_start3A_951 = tpu.memref_squeeze %dma_start3A_950 : memref<1x128xf32, #tpu.memory_space<vmem>> -> memref<128xf32, #tpu.memory_space<vmem>>
        tpu.enqueue_dma source(%dma_start3A_951 : memref<128xf32, #tpu.memory_space<vmem>>) target(%dma_start3A_948 : memref<128xf32, #tpu.memory_space<vmem_shared>>) target_semaphore(%arg12 : memref<!tpu.dma_semaphore, #tpu.memory_space<semaphore_mem>>)
        %mul3A_952 = arith.constant 8 : i32
        %mul3A_953 = arith.muli %rem3A_870, %mul3A_952 : i32
        %add3A_954 = arith.constant 4 : i32
        %add3A_955 = arith.addi %mul3A_953, %add3A_954 : i32
        %add3A_956 = arith.constant 400384 : i32
        %add3A_957 = arith.addi %mul3A_6, %add3A_956 : i32
        %add3A_958 = arith.addi %add3A_957, %mul3A_891 : i32
        %dma_start3A_959 = arith.constant 0 : i32
        %dma_start3A_960 = tpu.memref_slice %arg9[%add3A_955, %dma_start3A_959] : memref<192x128xf32, #tpu.memory_space<vmem>> -> memref<1x128xf32, #tpu.memory_space<vmem>>
        %dma_start3A_961 = tpu.memref_squeeze %dma_start3A_960 : memref<1x128xf32, #tpu.memory_space<vmem>> -> memref<128xf32, #tpu.memory_space<vmem>>
        %dma_start3A_962 = tpu.memref_slice %arg10[%add3A_958] : memref<1601536xf32, #tpu.memory_space<vmem_shared>> -> memref<128xf32, #tpu.memory_space<vmem_shared>>
        %dma_start3A_963 = tpu.memref_slice %arg10[%add3A_958] : memref<1601536xf32, #tpu.memory_space<vmem_shared>> -> memref<128xf32, #tpu.memory_space<vmem_shared>>
        %dma_start3A_964 = arith.constant 0 : i32
        %dma_start3A_965 = tpu.memref_slice %arg9[%add3A_955, %dma_start3A_964] : memref<192x128xf32, #tpu.memory_space<vmem>> -> memref<1x128xf32, #tpu.memory_space<vmem>>
        %dma_start3A_966 = tpu.memref_squeeze %dma_start3A_965 : memref<1x128xf32, #tpu.memory_space<vmem>> -> memref<128xf32, #tpu.memory_space<vmem>>
        tpu.enqueue_dma source(%dma_start3A_966 : memref<128xf32, #tpu.memory_space<vmem>>) target(%dma_start3A_963 : memref<128xf32, #tpu.memory_space<vmem_shared>>) target_semaphore(%arg12 : memref<!tpu.dma_semaphore, #tpu.memory_space<semaphore_mem>>)
        %mul3A_967 = arith.constant 8 : i32
        %mul3A_968 = arith.muli %rem3A_870, %mul3A_967 : i32
        %add3A_969 = arith.constant 5 : i32
        %add3A_970 = arith.addi %mul3A_968, %add3A_969 : i32
        %add3A_971 = arith.constant 500480 : i32
        %add3A_972 = arith.addi %mul3A_6, %add3A_971 : i32
        %add3A_973 = arith.addi %add3A_972, %mul3A_891 : i32
        %dma_start3A_974 = arith.constant 0 : i32
        %dma_start3A_975 = tpu.memref_slice %arg9[%add3A_970, %dma_start3A_974] : memref<192x128xf32, #tpu.memory_space<vmem>> -> memref<1x128xf32, #tpu.memory_space<vmem>>
        %dma_start3A_976 = tpu.memref_squeeze %dma_start3A_975 : memref<1x128xf32, #tpu.memory_space<vmem>> -> memref<128xf32, #tpu.memory_space<vmem>>
        %dma_start3A_977 = tpu.memref_slice %arg10[%add3A_973] : memref<1601536xf32, #tpu.memory_space<vmem_shared>> -> memref<128xf32, #tpu.memory_space<vmem_shared>>
        %dma_start3A_978 = tpu.memref_slice %arg10[%add3A_973] : memref<1601536xf32, #tpu.memory_space<vmem_shared>> -> memref<128xf32, #tpu.memory_space<vmem_shared>>
        %dma_start3A_979 = arith.constant 0 : i32
        %dma_start3A_980 = tpu.memref_slice %arg9[%add3A_970, %dma_start3A_979] : memref<192x128xf32, #tpu.memory_space<vmem>> -> memref<1x128xf32, #tpu.memory_space<vmem>>
        %dma_start3A_981 = tpu.memref_squeeze %dma_start3A_980 : memref<1x128xf32, #tpu.memory_space<vmem>> -> memref<128xf32, #tpu.memory_space<vmem>>
        tpu.enqueue_dma source(%dma_start3A_981 : memref<128xf32, #tpu.memory_space<vmem>>) target(%dma_start3A_978 : memref<128xf32, #tpu.memory_space<vmem_shared>>) target_semaphore(%arg12 : memref<!tpu.dma_semaphore, #tpu.memory_space<semaphore_mem>>)
        %mul3A_982 = arith.constant 8 : i32
        %mul3A_983 = arith.muli %rem3A_870, %mul3A_982 : i32
        %add3A_984 = arith.constant 6 : i32
        %add3A_985 = arith.addi %mul3A_983, %add3A_984 : i32
        %add3A_986 = arith.constant 600576 : i32
        %add3A_987 = arith.addi %mul3A_6, %add3A_986 : i32
        %add3A_988 = arith.addi %add3A_987, %mul3A_891 : i32
        %dma_start3A_989 = arith.constant 0 : i32
        %dma_start3A_990 = tpu.memref_slice %arg9[%add3A_985, %dma_start3A_989] : memref<192x128xf32, #tpu.memory_space<vmem>> -> memref<1x128xf32, #tpu.memory_space<vmem>>
        %dma_start3A_991 = tpu.memref_squeeze %dma_start3A_990 : memref<1x128xf32, #tpu.memory_space<vmem>> -> memref<128xf32, #tpu.memory_space<vmem>>
        %dma_start3A_992 = tpu.memref_slice %arg10[%add3A_988] : memref<1601536xf32, #tpu.memory_space<vmem_shared>> -> memref<128xf32, #tpu.memory_space<vmem_shared>>
        %dma_start3A_993 = tpu.memref_slice %arg10[%add3A_988] : memref<1601536xf32, #tpu.memory_space<vmem_shared>> -> memref<128xf32, #tpu.memory_space<vmem_shared>>
        %dma_start3A_994 = arith.constant 0 : i32
        %dma_start3A_995 = tpu.memref_slice %arg9[%add3A_985, %dma_start3A_994] : memref<192x128xf32, #tpu.memory_space<vmem>> -> memref<1x128xf32, #tpu.memory_space<vmem>>
        %dma_start3A_996 = tpu.memref_squeeze %dma_start3A_995 : memref<1x128xf32, #tpu.memory_space<vmem>> -> memref<128xf32, #tpu.memory_space<vmem>>
        tpu.enqueue_dma source(%dma_start3A_996 : memref<128xf32, #tpu.memory_space<vmem>>) target(%dma_start3A_993 : memref<128xf32, #tpu.memory_space<vmem_shared>>) target_semaphore(%arg12 : memref<!tpu.dma_semaphore, #tpu.memory_space<semaphore_mem>>)
        %mul3A_997 = arith.constant 8 : i32
        %mul3A_998 = arith.muli %rem3A_870, %mul3A_997 : i32
        %add3A_999 = arith.constant 7 : i32
        %add3A_1000 = arith.addi %mul3A_998, %add3A_999 : i32
        %add3A_1001 = arith.constant 700672 : i32
        %add3A_1002 = arith.addi %mul3A_6, %add3A_1001 : i32
        %add3A_1003 = arith.addi %add3A_1002, %mul3A_891 : i32
        %dma_start3A_1004 = arith.constant 0 : i32
        %dma_start3A_1005 = tpu.memref_slice %arg9[%add3A_1000, %dma_start3A_1004] : memref<192x128xf32, #tpu.memory_space<vmem>> -> memref<1x128xf32, #tpu.memory_space<vmem>>
        %dma_start3A_1006 = tpu.memref_squeeze %dma_start3A_1005 : memref<1x128xf32, #tpu.memory_space<vmem>> -> memref<128xf32, #tpu.memory_space<vmem>>
        %dma_start3A_1007 = tpu.memref_slice %arg10[%add3A_1003] : memref<1601536xf32, #tpu.memory_space<vmem_shared>> -> memref<128xf32, #tpu.memory_space<vmem_shared>>
        %dma_start3A_1008 = tpu.memref_slice %arg10[%add3A_1003] : memref<1601536xf32, #tpu.memory_space<vmem_shared>> -> memref<128xf32, #tpu.memory_space<vmem_shared>>
        %dma_start3A_1009 = arith.constant 0 : i32
        %dma_start3A_1010 = tpu.memref_slice %arg9[%add3A_1000, %dma_start3A_1009] : memref<192x128xf32, #tpu.memory_space<vmem>> -> memref<1x128xf32, #tpu.memory_space<vmem>>
        %dma_start3A_1011 = tpu.memref_squeeze %dma_start3A_1010 : memref<1x128xf32, #tpu.memory_space<vmem>> -> memref<128xf32, #tpu.memory_space<vmem>>
        tpu.enqueue_dma source(%dma_start3A_1011 : memref<128xf32, #tpu.memory_space<vmem>>) target(%dma_start3A_1008 : memref<128xf32, #tpu.memory_space<vmem_shared>>) target_semaphore(%arg12 : memref<!tpu.dma_semaphore, #tpu.memory_space<semaphore_mem>>)
      } else {
      }
      %lt3A = arith.constant 98 : i32
      %lt3A_864 = arith.cmpi slt, %scan3A_858, %lt3A : i32
      %convert_element_type3A_865 = arith.extui %lt3A_864 : i1 to i32
      %cond3A_866 = arith.constant 0 : i32
      %cond3A_867 = arith.cmpi ne, %convert_element_type3A_865, %cond3A_866 : i32
      scf.if %cond3A_867 {
        %rem3A = arith.constant 24 : i32
        %rem3A_869 = arith.remsi %scan3A_858, %rem3A : i32
        %ge3A_870 = arith.constant 24 : i32
        %ge3A_871 = arith.cmpi sge, %scan3A_858, %ge3A_870 : i32
        %convert_element_type3A_872 = arith.extui %ge3A_871 : i1 to i32
        %cond3A_873 = arith.constant 0 : i32
        %cond3A_874 = arith.cmpi ne, %convert_element_type3A_872, %cond3A_873 : i32
        scf.if %cond3A_874 {
          %dma_wait3A_893 = arith.constant 0 : i32
          %dma_wait3A_894 = arith.constant 0 : i32
          %dma_wait3A_895 = arith.constant 0 : i32
          %dma_wait3A_896 = tpu.memref_slice %arg9[%dma_wait3A_894, %dma_wait3A_895] : memref<192x128xf32, #tpu.memory_space<vmem>> -> memref<8x128xf32, #tpu.memory_space<vmem>>
          %dma_wait3A_897 = arith.constant 0 : i32
          %dma_wait3A_898 = arith.constant 0 : i32
          %dma_wait3A_899 = tpu.memref_slice %arg3[%dma_wait3A_893, %dma_wait3A_897, %dma_wait3A_898] : memref<2x8x100000xf32, #tpu.memory_space<hbm>> -> memref<1x8x128xf32, #tpu.memory_space<hbm>>
          %dma_wait3A_900 = tpu.memref_squeeze %dma_wait3A_899 : memref<1x8x128xf32, #tpu.memory_space<hbm>> -> memref<8x128xf32, #tpu.memory_space<hbm>>
          %dma_wait3A_901 = arith.constant 0 : i32
          %dma_wait3A_902 = arith.constant 0 : i32
          %dma_wait3A_903 = tpu.memref_slice %arg9[%dma_wait3A_901, %dma_wait3A_902] : memref<192x128xf32, #tpu.memory_space<vmem>> -> memref<8x128xf32, #tpu.memory_space<vmem>>
          %dma_wait3A_904 = arith.constant 0 : i32
          %dma_wait3A_905 = arith.constant 0 : i32
          %dma_wait3A_906 = tpu.memref_slice %arg3[%dma_wait3A_893, %dma_wait3A_904, %dma_wait3A_905] : memref<2x8x100000xf32, #tpu.memory_space<hbm>> -> memref<1x8x128xf32, #tpu.memory_space<hbm>>
          %dma_wait3A_907 = tpu.memref_squeeze %dma_wait3A_906 : memref<1x8x128xf32, #tpu.memory_space<hbm>> -> memref<8x128xf32, #tpu.memory_space<hbm>>
          tpu.wait_dma2 semaphore(%arg12 : memref<!tpu.dma_semaphore, #tpu.memory_space<semaphore_mem>>) src(%dma_wait3A_907 : memref<8x128xf32, #tpu.memory_space<hbm>>) dst(%dma_wait3A_903 : memref<8x128xf32, #tpu.memory_space<vmem>>)
        } else {
        }
        %mul3A_875 = arith.constant 98 : i32
        %mul3A_876 = arith.muli %shift_right_logical3A_4, %mul3A_875 : i32
        %add3A_877 = arith.addi %mul3A_876, %scan3A_858 : i32
        %min3A = arith.constant 780 : i32
        %min3A_878 = arith.minsi %add3A_877, %min3A : i32
        %mul3A_879 = arith.constant 128 : i32
        %mul3A_880 = arith.muli %min3A_878, %mul3A_879 : i32
        %mul3A_881 = arith.constant 8 : i32
        %mul3A_882 = arith.muli %rem3A_869, %mul3A_881 : i32
        %dma_start3A_883 = arith.constant 0 : i32
        %dma_start3A_884 = tpu.memref_slice %arg9[%mul3A_882, %dma_start3A_883] : memref<192x128xf32, #tpu.memory_space<vmem>> -> memref<8x128xf32, #tpu.memory_space<vmem>>
        %dma_start3A_885 = arith.constant 0 : i32
        %dma_start3A_886 = tpu.memref_slice %arg3[%and3A_3, %dma_start3A_885, %mul3A_880] : memref<2x8x100000xf32, #tpu.memory_space<hbm>> -> memref<1x8x128xf32, #tpu.memory_space<hbm>>
        %dma_start3A_887 = tpu.memref_squeeze %dma_start3A_886 : memref<1x8x128xf32, #tpu.memory_space<hbm>> -> memref<8x128xf32, #tpu.memory_space<hbm>>
        %dma_start3A_888 = arith.constant 0 : i32
        %dma_start3A_889 = tpu.memref_slice %arg9[%mul3A_882, %dma_start3A_888] : memref<192x128xf32, #tpu.memory_space<vmem>> -> memref<8x128xf32, #tpu.memory_space<vmem>>
        %dma_start3A_890 = arith.constant 0 : i32
        %dma_start3A_891 = tpu.memref_slice %arg3[%and3A_3, %dma_start3A_890, %mul3A_880] : memref<2x8x100000xf32, #tpu.memory_space<hbm>> -> memref<1x8x128xf32, #tpu.memory_space<hbm>>
        %dma_start3A_892 = tpu.memref_squeeze %dma_start3A_891 : memref<1x8x128xf32, #tpu.memory_space<hbm>> -> memref<8x128xf32, #tpu.memory_space<hbm>>
        tpu.enqueue_dma source(%dma_start3A_892 : memref<8x128xf32, #tpu.memory_space<hbm>>) target(%dma_start3A_889 : memref<8x128xf32, #tpu.memory_space<vmem>>) target_semaphore(%arg11 : memref<!tpu.dma_semaphore, #tpu.memory_space<semaphore_mem>>)
      } else {
      }
      %scan3A_868 = arith.constant 0 : i32
      scf.yield %scan3A_868 : i32
    }
    %scan3A_12 = arith.constant 118 : i32
    %dma_wait3A = arith.constant 0 : i32
    %dma_wait3A_13 = arith.constant 0 : i32
    %dma_wait3A_14 = arith.constant 0 : i32
    %dma_wait3A_15 = tpu.memref_slice %arg9[%dma_wait3A_13, %dma_wait3A_14] : memref<192x128xf32, #tpu.memory_space<vmem>> -> memref<8x128xf32, #tpu.memory_space<vmem>>
    %dma_wait3A_16 = arith.constant 0 : i32
    %dma_wait3A_17 = arith.constant 0 : i32
    %dma_wait3A_18 = tpu.memref_slice %arg3[%dma_wait3A, %dma_wait3A_16, %dma_wait3A_17] : memref<2x8x100000xf32, #tpu.memory_space<hbm>> -> memref<1x8x128xf32, #tpu.memory_space<hbm>>
    %dma_wait3A_19 = tpu.memref_squeeze %dma_wait3A_18 : memref<1x8x128xf32, #tpu.memory_space<hbm>> -> memref<8x128xf32, #tpu.memory_space<hbm>>
    %dma_wait3A_20 = arith.constant 0 : i32
    %dma_wait3A_21 = arith.constant 0 : i32
    %dma_wait3A_22 = tpu.memref_slice %arg9[%dma_wait3A_20, %dma_wait3A_21] : memref<192x128xf32, #tpu.memory_space<vmem>> -> memref<8x128xf32, #tpu.memory_space<vmem>>
    %dma_wait3A_23 = arith.constant 0 : i32
    %dma_wait3A_24 = arith.constant 0 : i32
    %dma_wait3A_25 = tpu.memref_slice %arg3[%dma_wait3A, %dma_wait3A_23, %dma_wait3A_24] : memref<2x8x100000xf32, #tpu.memory_space<hbm>> -> memref<1x8x128xf32, #tpu.memory_space<hbm>>
    %dma_wait3A_26 = tpu.memref_squeeze %dma_wait3A_25 : memref<1x8x128xf32, #tpu.memory_space<hbm>> -> memref<8x128xf32, #tpu.memory_space<hbm>>
    tpu.wait_dma2 semaphore(%arg12 : memref<!tpu.dma_semaphore, #tpu.memory_space<semaphore_mem>>) src(%dma_wait3A_26 : memref<8x128xf32, #tpu.memory_space<hbm>>) dst(%dma_wait3A_22 : memref<8x128xf32, #tpu.memory_space<vmem>>)
    %dma_wait3A_27 = arith.constant 0 : i32
    %dma_wait3A_28 = arith.constant 0 : i32
    %dma_wait3A_29 = arith.constant 0 : i32
    %dma_wait3A_30 = tpu.memref_slice %arg9[%dma_wait3A_28, %dma_wait3A_29] : memref<192x128xf32, #tpu.memory_space<vmem>> -> memref<8x128xf32, #tpu.memory_space<vmem>>
    %dma_wait3A_31 = arith.constant 0 : i32
    %dma_wait3A_32 = arith.constant 0 : i32
    %dma_wait3A_33 = tpu.memref_slice %arg3[%dma_wait3A_27, %dma_wait3A_31, %dma_wait3A_32] : memref<2x8x100000xf32, #tpu.memory_space<hbm>> -> memref<1x8x128xf32, #tpu.memory_space<hbm>>
    %dma_wait3A_34 = tpu.memref_squeeze %dma_wait3A_33 : memref<1x8x128xf32, #tpu.memory_space<hbm>> -> memref<8x128xf32, #tpu.memory_space<hbm>>
    %dma_wait3A_35 = arith.constant 0 : i32
    %dma_wait3A_36 = arith.constant 0 : i32
    %dma_wait3A_37 = tpu.memref_slice %arg9[%dma_wait3A_35, %dma_wait3A_36] : memref<192x128xf32, #tpu.memory_space<vmem>> -> memref<8x128xf32, #tpu.memory_space<vmem>>
    %dma_wait3A_38 = arith.constant 0 : i32
    %dma_wait3A_39 = arith.constant 0 : i32
    %dma_wait3A_40 = tpu.memref_slice %arg3[%dma_wait3A_27, %dma_wait3A_38, %dma_wait3A_39] : memref<2x8x100000xf32, #tpu.memory_space<hbm>> -> memref<1x8x128xf32, #tpu.memory_space<hbm>>
    %dma_wait3A_41 = tpu.memref_squeeze %dma_wait3A_40 : memref<1x8x128xf32, #tpu.memory_space<hbm>> -> memref<8x128xf32, #tpu.memory_space<hbm>>
    tpu.wait_dma2 semaphore(%arg12 : memref<!tpu.dma_semaphore, #tpu.memory_space<semaphore_mem>>) src(%dma_wait3A_41 : memref<8x128xf32, #tpu.memory_space<hbm>>) dst(%dma_wait3A_37 : memref<8x128xf32, #tpu.memory_space<vmem>>)
    %dma_wait3A_42 = arith.constant 0 : i32
    %dma_wait3A_43 = arith.constant 0 : i32
    %dma_wait3A_44 = arith.constant 0 : i32
    %dma_wait3A_45 = tpu.memref_slice %arg9[%dma_wait3A_43, %dma_wait3A_44] : memref<192x128xf32, #tpu.memory_space<vmem>> -> memref<8x128xf32, #tpu.memory_space<vmem>>
    %dma_wait3A_46 = arith.constant 0 : i32
    %dma_wait3A_47 = arith.constant 0 : i32
    %dma_wait3A_48 = tpu.memref_slice %arg3[%dma_wait3A_42, %dma_wait3A_46, %dma_wait3A_47] : memref<2x8x100000xf32, #tpu.memory_space<hbm>> -> memref<1x8x128xf32, #tpu.memory_space<hbm>>
    %dma_wait3A_49 = tpu.memref_squeeze %dma_wait3A_48 : memref<1x8x128xf32, #tpu.memory_space<hbm>> -> memref<8x128xf32, #tpu.memory_space<hbm>>
    %dma_wait3A_50 = arith.constant 0 : i32
    %dma_wait3A_51 = arith.constant 0 : i32
    %dma_wait3A_52 = tpu.memref_slice %arg9[%dma_wait3A_50, %dma_wait3A_51] : memref<192x128xf32, #tpu.memory_space<vmem>> -> memref<8x128xf32, #tpu.memory_space<vmem>>
    %dma_wait3A_53 = arith.constant 0 : i32
    %dma_wait3A_54 = arith.constant 0 : i32
    %dma_wait3A_55 = tpu.memref_slice %arg3[%dma_wait3A_42, %dma_wait3A_53, %dma_wait3A_54] : memref<2x8x100000xf32, #tpu.memory_space<hbm>> -> memref<1x8x128xf32, #tpu.memory_space<hbm>>
    %dma_wait3A_56 = tpu.memref_squeeze %dma_wait3A_55 : memref<1x8x128xf32, #tpu.memory_space<hbm>> -> memref<8x128xf32, #tpu.memory_space<hbm>>
    tpu.wait_dma2 semaphore(%arg12 : memref<!tpu.dma_semaphore, #tpu.memory_space<semaphore_mem>>) src(%dma_wait3A_56 : memref<8x128xf32, #tpu.memory_space<hbm>>) dst(%dma_wait3A_52 : memref<8x128xf32, #tpu.memory_space<vmem>>)
    %dma_wait3A_57 = arith.constant 0 : i32
    %dma_wait3A_58 = arith.constant 0 : i32
    %dma_wait3A_59 = arith.constant 0 : i32
    %dma_wait3A_60 = tpu.memref_slice %arg9[%dma_wait3A_58, %dma_wait3A_59] : memref<192x128xf32, #tpu.memory_space<vmem>> -> memref<8x128xf32, #tpu.memory_space<vmem>>
    %dma_wait3A_61 = arith.constant 0 : i32
    %dma_wait3A_62 = arith.constant 0 : i32
    %dma_wait3A_63 = tpu.memref_slice %arg3[%dma_wait3A_57, %dma_wait3A_61, %dma_wait3A_62] : memref<2x8x100000xf32, #tpu.memory_space<hbm>> -> memref<1x8x128xf32, #tpu.memory_space<hbm>>
    %dma_wait3A_64 = tpu.memref_squeeze %dma_wait3A_63 : memref<1x8x128xf32, #tpu.memory_space<hbm>> -> memref<8x128xf32, #tpu.memory_space<hbm>>
    %dma_wait3A_65 = arith.constant 0 : i32
    %dma_wait3A_66 = arith.constant 0 : i32
    %dma_wait3A_67 = tpu.memref_slice %arg9[%dma_wait3A_65, %dma_wait3A_66] : memref<192x128xf32, #tpu.memory_space<vmem>> -> memref<8x128xf32, #tpu.memory_space<vmem>>
    %dma_wait3A_68 = arith.constant 0 : i32
    %dma_wait3A_69 = arith.constant 0 : i32
    %dma_wait3A_70 = tpu.memref_slice %arg3[%dma_wait3A_57, %dma_wait3A_68, %dma_wait3A_69] : memref<2x8x100000xf32, #tpu.memory_space<hbm>> -> memref<1x8x128xf32, #tpu.memory_space<hbm>>
    %dma_wait3A_71 = tpu.memref_squeeze %dma_wait3A_70 : memref<1x8x128xf32, #tpu.memory_space<hbm>> -> memref<8x128xf32, #tpu.memory_space<hbm>>
    tpu.wait_dma2 semaphore(%arg12 : memref<!tpu.dma_semaphore, #tpu.memory_space<semaphore_mem>>) src(%dma_wait3A_71 : memref<8x128xf32, #tpu.memory_space<hbm>>) dst(%dma_wait3A_67 : memref<8x128xf32, #tpu.memory_space<vmem>>)
    %dma_wait3A_72 = arith.constant 0 : i32
    %dma_wait3A_73 = arith.constant 0 : i32
    %dma_wait3A_74 = arith.constant 0 : i32
    %dma_wait3A_75 = tpu.memref_slice %arg9[%dma_wait3A_73, %dma_wait3A_74] : memref<192x128xf32, #tpu.memory_space<vmem>> -> memref<8x128xf32, #tpu.memory_space<vmem>>
    %dma_wait3A_76 = arith.constant 0 : i32
    %dma_wait3A_77 = arith.constant 0 : i32
    %dma_wait3A_78 = tpu.memref_slice %arg3[%dma_wait3A_72, %dma_wait3A_76, %dma_wait3A_77] : memref<2x8x100000xf32, #tpu.memory_space<hbm>> -> memref<1x8x128xf32, #tpu.memory_space<hbm>>
    %dma_wait3A_79 = tpu.memref_squeeze %dma_wait3A_78 : memref<1x8x128xf32, #tpu.memory_space<hbm>> -> memref<8x128xf32, #tpu.memory_space<hbm>>
    %dma_wait3A_80 = arith.constant 0 : i32
    %dma_wait3A_81 = arith.constant 0 : i32
    %dma_wait3A_82 = tpu.memref_slice %arg9[%dma_wait3A_80, %dma_wait3A_81] : memref<192x128xf32, #tpu.memory_space<vmem>> -> memref<8x128xf32, #tpu.memory_space<vmem>>
    %dma_wait3A_83 = arith.constant 0 : i32
    %dma_wait3A_84 = arith.constant 0 : i32
    %dma_wait3A_85 = tpu.memref_slice %arg3[%dma_wait3A_72, %dma_wait3A_83, %dma_wait3A_84] : memref<2x8x100000xf32, #tpu.memory_space<hbm>> -> memref<1x8x128xf32, #tpu.memory_space<hbm>>
    %dma_wait3A_86 = tpu.memref_squeeze %dma_wait3A_85 : memref<1x8x128xf32, #tpu.memory_space<hbm>> -> memref<8x128xf32, #tpu.memory_space<hbm>>
    tpu.wait_dma2 semaphore(%arg12 : memref<!tpu.dma_semaphore, #tpu.memory_space<semaphore_mem>>) src(%dma_wait3A_86 : memref<8x128xf32, #tpu.memory_space<hbm>>) dst(%dma_wait3A_82 : memref<8x128xf32, #tpu.memory_space<vmem>>)
    %dma_wait3A_87 = arith.constant 0 : i32
    %dma_wait3A_88 = arith.constant 0 : i32
    %dma_wait3A_89 = arith.constant 0 : i32
    %dma_wait3A_90 = tpu.memref_slice %arg9[%dma_wait3A_88, %dma_wait3A_89] : memref<192x128xf32, #tpu.memory_space<vmem>> -> memref<8x128xf32, #tpu.memory_space<vmem>>
    %dma_wait3A_91 = arith.constant 0 : i32
    %dma_wait3A_92 = arith.constant 0 : i32
    %dma_wait3A_93 = tpu.memref_slice %arg3[%dma_wait3A_87, %dma_wait3A_91, %dma_wait3A_92] : memref<2x8x100000xf32, #tpu.memory_space<hbm>> -> memref<1x8x128xf32, #tpu.memory_space<hbm>>
    %dma_wait3A_94 = tpu.memref_squeeze %dma_wait3A_93 : memref<1x8x128xf32, #tpu.memory_space<hbm>> -> memref<8x128xf32, #tpu.memory_space<hbm>>
    %dma_wait3A_95 = arith.constant 0 : i32
    %dma_wait3A_96 = arith.constant 0 : i32
    %dma_wait3A_97 = tpu.memref_slice %arg9[%dma_wait3A_95, %dma_wait3A_96] : memref<192x128xf32, #tpu.memory_space<vmem>> -> memref<8x128xf32, #tpu.memory_space<vmem>>
    %dma_wait3A_98 = arith.constant 0 : i32
    %dma_wait3A_99 = arith.constant 0 : i32
    %dma_wait3A_100 = tpu.memref_slice %arg3[%dma_wait3A_87, %dma_wait3A_98, %dma_wait3A_99] : memref<2x8x100000xf32, #tpu.memory_space<hbm>> -> memref<1x8x128xf32, #tpu.memory_space<hbm>>
    %dma_wait3A_101 = tpu.memref_squeeze %dma_wait3A_100 : memref<1x8x128xf32, #tpu.memory_space<hbm>> -> memref<8x128xf32, #tpu.memory_space<hbm>>
    tpu.wait_dma2 semaphore(%arg12 : memref<!tpu.dma_semaphore, #tpu.memory_space<semaphore_mem>>) src(%dma_wait3A_101 : memref<8x128xf32, #tpu.memory_space<hbm>>) dst(%dma_wait3A_97 : memref<8x128xf32, #tpu.memory_space<vmem>>)
    %dma_wait3A_102 = arith.constant 0 : i32
    %dma_wait3A_103 = arith.constant 0 : i32
    %dma_wait3A_104 = arith.constant 0 : i32
    %dma_wait3A_105 = tpu.memref_slice %arg9[%dma_wait3A_103, %dma_wait3A_104] : memref<192x128xf32, #tpu.memory_space<vmem>> -> memref<8x128xf32, #tpu.memory_space<vmem>>
    %dma_wait3A_106 = arith.constant 0 : i32
    %dma_wait3A_107 = arith.constant 0 : i32
    %dma_wait3A_108 = tpu.memref_slice %arg3[%dma_wait3A_102, %dma_wait3A_106, %dma_wait3A_107] : memref<2x8x100000xf32, #tpu.memory_space<hbm>> -> memref<1x8x128xf32, #tpu.memory_space<hbm>>
    %dma_wait3A_109 = tpu.memref_squeeze %dma_wait3A_108 : memref<1x8x128xf32, #tpu.memory_space<hbm>> -> memref<8x128xf32, #tpu.memory_space<hbm>>
    %dma_wait3A_110 = arith.constant 0 : i32
    %dma_wait3A_111 = arith.constant 0 : i32
    %dma_wait3A_112 = tpu.memref_slice %arg9[%dma_wait3A_110, %dma_wait3A_111] : memref<192x128xf32, #tpu.memory_space<vmem>> -> memref<8x128xf32, #tpu.memory_space<vmem>>
    %dma_wait3A_113 = arith.constant 0 : i32
    %dma_wait3A_114 = arith.constant 0 : i32
    %dma_wait3A_115 = tpu.memref_slice %arg3[%dma_wait3A_102, %dma_wait3A_113, %dma_wait3A_114] : memref<2x8x100000xf32, #tpu.memory_space<hbm>> -> memref<1x8x128xf32, #tpu.memory_space<hbm>>
    %dma_wait3A_116 = tpu.memref_squeeze %dma_wait3A_115 : memref<1x8x128xf32, #tpu.memory_space<hbm>> -> memref<8x128xf32, #tpu.memory_space<hbm>>
    tpu.wait_dma2 semaphore(%arg12 : memref<!tpu.dma_semaphore, #tpu.memory_space<semaphore_mem>>) src(%dma_wait3A_116 : memref<8x128xf32, #tpu.memory_space<hbm>>) dst(%dma_wait3A_112 : memref<8x128xf32, #tpu.memory_space<vmem>>)
    %dma_wait3A_117 = arith.constant 0 : i32
    %dma_wait3A_118 = arith.constant 0 : i32
    %dma_wait3A_119 = arith.constant 0 : i32
    %dma_wait3A_120 = tpu.memref_slice %arg9[%dma_wait3A_118, %dma_wait3A_119] : memref<192x128xf32, #tpu.memory_space<vmem>> -> memref<8x128xf32, #tpu.memory_space<vmem>>
    %dma_wait3A_121 = arith.constant 0 : i32
    %dma_wait3A_122 = arith.constant 0 : i32
    %dma_wait3A_123 = tpu.memref_slice %arg3[%dma_wait3A_117, %dma_wait3A_121, %dma_wait3A_122] : memref<2x8x100000xf32, #tpu.memory_space<hbm>> -> memref<1x8x128xf32, #tpu.memory_space<hbm>>
    %dma_wait3A_124 = tpu.memref_squeeze %dma_wait3A_123 : memref<1x8x128xf32, #tpu.memory_space<hbm>> -> memref<8x128xf32, #tpu.memory_space<hbm>>
    %dma_wait3A_125 = arith.constant 0 : i32
    %dma_wait3A_126 = arith.constant 0 : i32
    %dma_wait3A_127 = tpu.memref_slice %arg9[%dma_wait3A_125, %dma_wait3A_126] : memref<192x128xf32, #tpu.memory_space<vmem>> -> memref<8x128xf32, #tpu.memory_space<vmem>>
    %dma_wait3A_128 = arith.constant 0 : i32
    %dma_wait3A_129 = arith.constant 0 : i32
    %dma_wait3A_130 = tpu.memref_slice %arg3[%dma_wait3A_117, %dma_wait3A_128, %dma_wait3A_129] : memref<2x8x100000xf32, #tpu.memory_space<hbm>> -> memref<1x8x128xf32, #tpu.memory_space<hbm>>
    %dma_wait3A_131 = tpu.memref_squeeze %dma_wait3A_130 : memref<1x8x128xf32, #tpu.memory_space<hbm>> -> memref<8x128xf32, #tpu.memory_space<hbm>>
    tpu.wait_dma2 semaphore(%arg12 : memref<!tpu.dma_semaphore, #tpu.memory_space<semaphore_mem>>) src(%dma_wait3A_131 : memref<8x128xf32, #tpu.memory_space<hbm>>) dst(%dma_wait3A_127 : memref<8x128xf32, #tpu.memory_space<vmem>>)
    %dma_wait3A_132 = arith.constant 0 : i32
    %dma_wait3A_133 = arith.constant 0 : i32
    %dma_wait3A_134 = arith.constant 0 : i32
    %dma_wait3A_135 = tpu.memref_slice %arg9[%dma_wait3A_133, %dma_wait3A_134] : memref<192x128xf32, #tpu.memory_space<vmem>> -> memref<8x128xf32, #tpu.memory_space<vmem>>
    %dma_wait3A_136 = arith.constant 0 : i32
    %dma_wait3A_137 = arith.constant 0 : i32
    %dma_wait3A_138 = tpu.memref_slice %arg3[%dma_wait3A_132, %dma_wait3A_136, %dma_wait3A_137] : memref<2x8x100000xf32, #tpu.memory_space<hbm>> -> memref<1x8x128xf32, #tpu.memory_space<hbm>>
    %dma_wait3A_139 = tpu.memref_squeeze %dma_wait3A_138 : memref<1x8x128xf32, #tpu.memory_space<hbm>> -> memref<8x128xf32, #tpu.memory_space<hbm>>
    %dma_wait3A_140 = arith.constant 0 : i32
    %dma_wait3A_141 = arith.constant 0 : i32
    %dma_wait3A_142 = tpu.memref_slice %arg9[%dma_wait3A_140, %dma_wait3A_141] : memref<192x128xf32, #tpu.memory_space<vmem>> -> memref<8x128xf32, #tpu.memory_space<vmem>>
    %dma_wait3A_143 = arith.constant 0 : i32
    %dma_wait3A_144 = arith.constant 0 : i32
    %dma_wait3A_145 = tpu.memref_slice %arg3[%dma_wait3A_132, %dma_wait3A_143, %dma_wait3A_144] : memref<2x8x100000xf32, #tpu.memory_space<hbm>> -> memref<1x8x128xf32, #tpu.memory_space<hbm>>
    %dma_wait3A_146 = tpu.memref_squeeze %dma_wait3A_145 : memref<1x8x128xf32, #tpu.memory_space<hbm>> -> memref<8x128xf32, #tpu.memory_space<hbm>>
    tpu.wait_dma2 semaphore(%arg12 : memref<!tpu.dma_semaphore, #tpu.memory_space<semaphore_mem>>) src(%dma_wait3A_146 : memref<8x128xf32, #tpu.memory_space<hbm>>) dst(%dma_wait3A_142 : memref<8x128xf32, #tpu.memory_space<vmem>>)
    %dma_wait3A_147 = arith.constant 0 : i32
    %dma_wait3A_148 = arith.constant 0 : i32
    %dma_wait3A_149 = arith.constant 0 : i32
    %dma_wait3A_150 = tpu.memref_slice %arg9[%dma_wait3A_148, %dma_wait3A_149] : memref<192x128xf32, #tpu.memory_space<vmem>> -> memref<8x128xf32, #tpu.memory_space<vmem>>
    %dma_wait3A_151 = arith.constant 0 : i32
    %dma_wait3A_152 = arith.constant 0 : i32
    %dma_wait3A_153 = tpu.memref_slice %arg3[%dma_wait3A_147, %dma_wait3A_151, %dma_wait3A_152] : memref<2x8x100000xf32, #tpu.memory_space<hbm>> -> memref<1x8x128xf32, #tpu.memory_space<hbm>>
    %dma_wait3A_154 = tpu.memref_squeeze %dma_wait3A_153 : memref<1x8x128xf32, #tpu.memory_space<hbm>> -> memref<8x128xf32, #tpu.memory_space<hbm>>
    %dma_wait3A_155 = arith.constant 0 : i32
    %dma_wait3A_156 = arith.constant 0 : i32
    %dma_wait3A_157 = tpu.memref_slice %arg9[%dma_wait3A_155, %dma_wait3A_156] : memref<192x128xf32, #tpu.memory_space<vmem>> -> memref<8x128xf32, #tpu.memory_space<vmem>>
    %dma_wait3A_158 = arith.constant 0 : i32
    %dma_wait3A_159 = arith.constant 0 : i32
    %dma_wait3A_160 = tpu.memref_slice %arg3[%dma_wait3A_147, %dma_wait3A_158, %dma_wait3A_159] : memref<2x8x100000xf32, #tpu.memory_space<hbm>> -> memref<1x8x128xf32, #tpu.memory_space<hbm>>
    %dma_wait3A_161 = tpu.memref_squeeze %dma_wait3A_160 : memref<1x8x128xf32, #tpu.memory_space<hbm>> -> memref<8x128xf32, #tpu.memory_space<hbm>>
    tpu.wait_dma2 semaphore(%arg12 : memref<!tpu.dma_semaphore, #tpu.memory_space<semaphore_mem>>) src(%dma_wait3A_161 : memref<8x128xf32, #tpu.memory_space<hbm>>) dst(%dma_wait3A_157 : memref<8x128xf32, #tpu.memory_space<vmem>>)
    %dma_wait3A_162 = arith.constant 0 : i32
    %dma_wait3A_163 = arith.constant 0 : i32
    %dma_wait3A_164 = arith.constant 0 : i32
    %dma_wait3A_165 = tpu.memref_slice %arg9[%dma_wait3A_163, %dma_wait3A_164] : memref<192x128xf32, #tpu.memory_space<vmem>> -> memref<8x128xf32, #tpu.memory_space<vmem>>
    %dma_wait3A_166 = arith.constant 0 : i32
    %dma_wait3A_167 = arith.constant 0 : i32
    %dma_wait3A_168 = tpu.memref_slice %arg3[%dma_wait3A_162, %dma_wait3A_166, %dma_wait3A_167] : memref<2x8x100000xf32, #tpu.memory_space<hbm>> -> memref<1x8x128xf32, #tpu.memory_space<hbm>>
    %dma_wait3A_169 = tpu.memref_squeeze %dma_wait3A_168 : memref<1x8x128xf32, #tpu.memory_space<hbm>> -> memref<8x128xf32, #tpu.memory_space<hbm>>
    %dma_wait3A_170 = arith.constant 0 : i32
    %dma_wait3A_171 = arith.constant 0 : i32
    %dma_wait3A_172 = tpu.memref_slice %arg9[%dma_wait3A_170, %dma_wait3A_171] : memref<192x128xf32, #tpu.memory_space<vmem>> -> memref<8x128xf32, #tpu.memory_space<vmem>>
    %dma_wait3A_173 = arith.constant 0 : i32
    %dma_wait3A_174 = arith.constant 0 : i32
    %dma_wait3A_175 = tpu.memref_slice %arg3[%dma_wait3A_162, %dma_wait3A_173, %dma_wait3A_174] : memref<2x8x100000xf32, #tpu.memory_space<hbm>> -> memref<1x8x128xf32, #tpu.memory_space<hbm>>
    %dma_wait3A_176 = tpu.memref_squeeze %dma_wait3A_175 : memref<1x8x128xf32, #tpu.memory_space<hbm>> -> memref<8x128xf32, #tpu.memory_space<hbm>>
    tpu.wait_dma2 semaphore(%arg12 : memref<!tpu.dma_semaphore, #tpu.memory_space<semaphore_mem>>) src(%dma_wait3A_176 : memref<8x128xf32, #tpu.memory_space<hbm>>) dst(%dma_wait3A_172 : memref<8x128xf32, #tpu.memory_space<vmem>>)
    %dma_wait3A_177 = arith.constant 0 : i32
    %dma_wait3A_178 = arith.constant 0 : i32
    %dma_wait3A_179 = arith.constant 0 : i32
    %dma_wait3A_180 = tpu.memref_slice %arg9[%dma_wait3A_178, %dma_wait3A_179] : memref<192x128xf32, #tpu.memory_space<vmem>> -> memref<8x128xf32, #tpu.memory_space<vmem>>
    %dma_wait3A_181 = arith.constant 0 : i32
    %dma_wait3A_182 = arith.constant 0 : i32
    %dma_wait3A_183 = tpu.memref_slice %arg3[%dma_wait3A_177, %dma_wait3A_181, %dma_wait3A_182] : memref<2x8x100000xf32, #tpu.memory_space<hbm>> -> memref<1x8x128xf32, #tpu.memory_space<hbm>>
    %dma_wait3A_184 = tpu.memref_squeeze %dma_wait3A_183 : memref<1x8x128xf32, #tpu.memory_space<hbm>> -> memref<8x128xf32, #tpu.memory_space<hbm>>
    %dma_wait3A_185 = arith.constant 0 : i32
    %dma_wait3A_186 = arith.constant 0 : i32
    %dma_wait3A_187 = tpu.memref_slice %arg9[%dma_wait3A_185, %dma_wait3A_186] : memref<192x128xf32, #tpu.memory_space<vmem>> -> memref<8x128xf32, #tpu.memory_space<vmem>>
    %dma_wait3A_188 = arith.constant 0 : i32
    %dma_wait3A_189 = arith.constant 0 : i32
    %dma_wait3A_190 = tpu.memref_slice %arg3[%dma_wait3A_177, %dma_wait3A_188, %dma_wait3A_189] : memref<2x8x100000xf32, #tpu.memory_space<hbm>> -> memref<1x8x128xf32, #tpu.memory_space<hbm>>
    %dma_wait3A_191 = tpu.memref_squeeze %dma_wait3A_190 : memref<1x8x128xf32, #tpu.memory_space<hbm>> -> memref<8x128xf32, #tpu.memory_space<hbm>>
    tpu.wait_dma2 semaphore(%arg12 : memref<!tpu.dma_semaphore, #tpu.memory_space<semaphore_mem>>) src(%dma_wait3A_191 : memref<8x128xf32, #tpu.memory_space<hbm>>) dst(%dma_wait3A_187 : memref<8x128xf32, #tpu.memory_space<vmem>>)
    %dma_wait3A_192 = arith.constant 0 : i32
    %dma_wait3A_193 = arith.constant 0 : i32
    %dma_wait3A_194 = arith.constant 0 : i32
    %dma_wait3A_195 = tpu.memref_slice %arg9[%dma_wait3A_193, %dma_wait3A_194] : memref<192x128xf32, #tpu.memory_space<vmem>> -> memref<8x128xf32, #tpu.memory_space<vmem>>
    %dma_wait3A_196 = arith.constant 0 : i32
    %dma_wait3A_197 = arith.constant 0 : i32
    %dma_wait3A_198 = tpu.memref_slice %arg3[%dma_wait3A_192, %dma_wait3A_196, %dma_wait3A_197] : memref<2x8x100000xf32, #tpu.memory_space<hbm>> -> memref<1x8x128xf32, #tpu.memory_space<hbm>>
    %dma_wait3A_199 = tpu.memref_squeeze %dma_wait3A_198 : memref<1x8x128xf32, #tpu.memory_space<hbm>> -> memref<8x128xf32, #tpu.memory_space<hbm>>
    %dma_wait3A_200 = arith.constant 0 : i32
    %dma_wait3A_201 = arith.constant 0 : i32
    %dma_wait3A_202 = tpu.memref_slice %arg9[%dma_wait3A_200, %dma_wait3A_201] : memref<192x128xf32, #tpu.memory_space<vmem>> -> memref<8x128xf32, #tpu.memory_space<vmem>>
    %dma_wait3A_203 = arith.constant 0 : i32
    %dma_wait3A_204 = arith.constant 0 : i32
    %dma_wait3A_205 = tpu.memref_slice %arg3[%dma_wait3A_192, %dma_wait3A_203, %dma_wait3A_204] : memref<2x8x100000xf32, #tpu.memory_space<hbm>> -> memref<1x8x128xf32, #tpu.memory_space<hbm>>
    %dma_wait3A_206 = tpu.memref_squeeze %dma_wait3A_205 : memref<1x8x128xf32, #tpu.memory_space<hbm>> -> memref<8x128xf32, #tpu.memory_space<hbm>>
    tpu.wait_dma2 semaphore(%arg12 : memref<!tpu.dma_semaphore, #tpu.memory_space<semaphore_mem>>) src(%dma_wait3A_206 : memref<8x128xf32, #tpu.memory_space<hbm>>) dst(%dma_wait3A_202 : memref<8x128xf32, #tpu.memory_space<vmem>>)
    %dma_wait3A_207 = arith.constant 0 : i32
    %dma_wait3A_208 = arith.constant 0 : i32
    %dma_wait3A_209 = arith.constant 0 : i32
    %dma_wait3A_210 = tpu.memref_slice %arg9[%dma_wait3A_208, %dma_wait3A_209] : memref<192x128xf32, #tpu.memory_space<vmem>> -> memref<8x128xf32, #tpu.memory_space<vmem>>
    %dma_wait3A_211 = arith.constant 0 : i32
    %dma_wait3A_212 = arith.constant 0 : i32
    %dma_wait3A_213 = tpu.memref_slice %arg3[%dma_wait3A_207, %dma_wait3A_211, %dma_wait3A_212] : memref<2x8x100000xf32, #tpu.memory_space<hbm>> -> memref<1x8x128xf32, #tpu.memory_space<hbm>>
    %dma_wait3A_214 = tpu.memref_squeeze %dma_wait3A_213 : memref<1x8x128xf32, #tpu.memory_space<hbm>> -> memref<8x128xf32, #tpu.memory_space<hbm>>
    %dma_wait3A_215 = arith.constant 0 : i32
    %dma_wait3A_216 = arith.constant 0 : i32
    %dma_wait3A_217 = tpu.memref_slice %arg9[%dma_wait3A_215, %dma_wait3A_216] : memref<192x128xf32, #tpu.memory_space<vmem>> -> memref<8x128xf32, #tpu.memory_space<vmem>>
    %dma_wait3A_218 = arith.constant 0 : i32
    %dma_wait3A_219 = arith.constant 0 : i32
    %dma_wait3A_220 = tpu.memref_slice %arg3[%dma_wait3A_207, %dma_wait3A_218, %dma_wait3A_219] : memref<2x8x100000xf32, #tpu.memory_space<hbm>> -> memref<1x8x128xf32, #tpu.memory_space<hbm>>
    %dma_wait3A_221 = tpu.memref_squeeze %dma_wait3A_220 : memref<1x8x128xf32, #tpu.memory_space<hbm>> -> memref<8x128xf32, #tpu.memory_space<hbm>>
    tpu.wait_dma2 semaphore(%arg12 : memref<!tpu.dma_semaphore, #tpu.memory_space<semaphore_mem>>) src(%dma_wait3A_221 : memref<8x128xf32, #tpu.memory_space<hbm>>) dst(%dma_wait3A_217 : memref<8x128xf32, #tpu.memory_space<vmem>>)
    %dma_wait3A_222 = arith.constant 0 : i32
    %dma_wait3A_223 = arith.constant 0 : i32
    %dma_wait3A_224 = arith.constant 0 : i32
    %dma_wait3A_225 = tpu.memref_slice %arg9[%dma_wait3A_223, %dma_wait3A_224] : memref<192x128xf32, #tpu.memory_space<vmem>> -> memref<8x128xf32, #tpu.memory_space<vmem>>
    %dma_wait3A_226 = arith.constant 0 : i32
    %dma_wait3A_227 = arith.constant 0 : i32
    %dma_wait3A_228 = tpu.memref_slice %arg3[%dma_wait3A_222, %dma_wait3A_226, %dma_wait3A_227] : memref<2x8x100000xf32, #tpu.memory_space<hbm>> -> memref<1x8x128xf32, #tpu.memory_space<hbm>>
    %dma_wait3A_229 = tpu.memref_squeeze %dma_wait3A_228 : memref<1x8x128xf32, #tpu.memory_space<hbm>> -> memref<8x128xf32, #tpu.memory_space<hbm>>
    %dma_wait3A_230 = arith.constant 0 : i32
    %dma_wait3A_231 = arith.constant 0 : i32
    %dma_wait3A_232 = tpu.memref_slice %arg9[%dma_wait3A_230, %dma_wait3A_231] : memref<192x128xf32, #tpu.memory_space<vmem>> -> memref<8x128xf32, #tpu.memory_space<vmem>>
    %dma_wait3A_233 = arith.constant 0 : i32
    %dma_wait3A_234 = arith.constant 0 : i32
    %dma_wait3A_235 = tpu.memref_slice %arg3[%dma_wait3A_222, %dma_wait3A_233, %dma_wait3A_234] : memref<2x8x100000xf32, #tpu.memory_space<hbm>> -> memref<1x8x128xf32, #tpu.memory_space<hbm>>
    %dma_wait3A_236 = tpu.memref_squeeze %dma_wait3A_235 : memref<1x8x128xf32, #tpu.memory_space<hbm>> -> memref<8x128xf32, #tpu.memory_space<hbm>>
    tpu.wait_dma2 semaphore(%arg12 : memref<!tpu.dma_semaphore, #tpu.memory_space<semaphore_mem>>) src(%dma_wait3A_236 : memref<8x128xf32, #tpu.memory_space<hbm>>) dst(%dma_wait3A_232 : memref<8x128xf32, #tpu.memory_space<vmem>>)
    %dma_wait3A_237 = arith.constant 0 : i32
    %dma_wait3A_238 = arith.constant 0 : i32
    %dma_wait3A_239 = arith.constant 0 : i32
    %dma_wait3A_240 = tpu.memref_slice %arg9[%dma_wait3A_238, %dma_wait3A_239] : memref<192x128xf32, #tpu.memory_space<vmem>> -> memref<8x128xf32, #tpu.memory_space<vmem>>
    %dma_wait3A_241 = arith.constant 0 : i32
    %dma_wait3A_242 = arith.constant 0 : i32
    %dma_wait3A_243 = tpu.memref_slice %arg3[%dma_wait3A_237, %dma_wait3A_241, %dma_wait3A_242] : memref<2x8x100000xf32, #tpu.memory_space<hbm>> -> memref<1x8x128xf32, #tpu.memory_space<hbm>>
    %dma_wait3A_244 = tpu.memref_squeeze %dma_wait3A_243 : memref<1x8x128xf32, #tpu.memory_space<hbm>> -> memref<8x128xf32, #tpu.memory_space<hbm>>
    %dma_wait3A_245 = arith.constant 0 : i32
    %dma_wait3A_246 = arith.constant 0 : i32
    %dma_wait3A_247 = tpu.memref_slice %arg9[%dma_wait3A_245, %dma_wait3A_246] : memref<192x128xf32, #tpu.memory_space<vmem>> -> memref<8x128xf32, #tpu.memory_space<vmem>>
    %dma_wait3A_248 = arith.constant 0 : i32
    %dma_wait3A_249 = arith.constant 0 : i32
    %dma_wait3A_250 = tpu.memref_slice %arg3[%dma_wait3A_237, %dma_wait3A_248, %dma_wait3A_249] : memref<2x8x100000xf32, #tpu.memory_space<hbm>> -> memref<1x8x128xf32, #tpu.memory_space<hbm>>
    %dma_wait3A_251 = tpu.memref_squeeze %dma_wait3A_250 : memref<1x8x128xf32, #tpu.memory_space<hbm>> -> memref<8x128xf32, #tpu.memory_space<hbm>>
    tpu.wait_dma2 semaphore(%arg12 : memref<!tpu.dma_semaphore, #tpu.memory_space<semaphore_mem>>) src(%dma_wait3A_251 : memref<8x128xf32, #tpu.memory_space<hbm>>) dst(%dma_wait3A_247 : memref<8x128xf32, #tpu.memory_space<vmem>>)
    %dma_wait3A_252 = arith.constant 0 : i32
    %dma_wait3A_253 = arith.constant 0 : i32
    %dma_wait3A_254 = arith.constant 0 : i32
    %dma_wait3A_255 = tpu.memref_slice %arg9[%dma_wait3A_253, %dma_wait3A_254] : memref<192x128xf32, #tpu.memory_space<vmem>> -> memref<8x128xf32, #tpu.memory_space<vmem>>
    %dma_wait3A_256 = arith.constant 0 : i32
    %dma_wait3A_257 = arith.constant 0 : i32
    %dma_wait3A_258 = tpu.memref_slice %arg3[%dma_wait3A_252, %dma_wait3A_256, %dma_wait3A_257] : memref<2x8x100000xf32, #tpu.memory_space<hbm>> -> memref<1x8x128xf32, #tpu.memory_space<hbm>>
    %dma_wait3A_259 = tpu.memref_squeeze %dma_wait3A_258 : memref<1x8x128xf32, #tpu.memory_space<hbm>> -> memref<8x128xf32, #tpu.memory_space<hbm>>
    %dma_wait3A_260 = arith.constant 0 : i32
    %dma_wait3A_261 = arith.constant 0 : i32
    %dma_wait3A_262 = tpu.memref_slice %arg9[%dma_wait3A_260, %dma_wait3A_261] : memref<192x128xf32, #tpu.memory_space<vmem>> -> memref<8x128xf32, #tpu.memory_space<vmem>>
    %dma_wait3A_263 = arith.constant 0 : i32
    %dma_wait3A_264 = arith.constant 0 : i32
    %dma_wait3A_265 = tpu.memref_slice %arg3[%dma_wait3A_252, %dma_wait3A_263, %dma_wait3A_264] : memref<2x8x100000xf32, #tpu.memory_space<hbm>> -> memref<1x8x128xf32, #tpu.memory_space<hbm>>
    %dma_wait3A_266 = tpu.memref_squeeze %dma_wait3A_265 : memref<1x8x128xf32, #tpu.memory_space<hbm>> -> memref<8x128xf32, #tpu.memory_space<hbm>>
    tpu.wait_dma2 semaphore(%arg12 : memref<!tpu.dma_semaphore, #tpu.memory_space<semaphore_mem>>) src(%dma_wait3A_266 : memref<8x128xf32, #tpu.memory_space<hbm>>) dst(%dma_wait3A_262 : memref<8x128xf32, #tpu.memory_space<vmem>>)
    %dma_wait3A_267 = arith.constant 0 : i32
    %dma_wait3A_268 = arith.constant 0 : i32
    %dma_wait3A_269 = arith.constant 0 : i32
    %dma_wait3A_270 = tpu.memref_slice %arg9[%dma_wait3A_268, %dma_wait3A_269] : memref<192x128xf32, #tpu.memory_space<vmem>> -> memref<8x128xf32, #tpu.memory_space<vmem>>
    %dma_wait3A_271 = arith.constant 0 : i32
    %dma_wait3A_272 = arith.constant 0 : i32
    %dma_wait3A_273 = tpu.memref_slice %arg3[%dma_wait3A_267, %dma_wait3A_271, %dma_wait3A_272] : memref<2x8x100000xf32, #tpu.memory_space<hbm>> -> memref<1x8x128xf32, #tpu.memory_space<hbm>>
    %dma_wait3A_274 = tpu.memref_squeeze %dma_wait3A_273 : memref<1x8x128xf32, #tpu.memory_space<hbm>> -> memref<8x128xf32, #tpu.memory_space<hbm>>
    %dma_wait3A_275 = arith.constant 0 : i32
    %dma_wait3A_276 = arith.constant 0 : i32
    %dma_wait3A_277 = tpu.memref_slice %arg9[%dma_wait3A_275, %dma_wait3A_276] : memref<192x128xf32, #tpu.memory_space<vmem>> -> memref<8x128xf32, #tpu.memory_space<vmem>>
    %dma_wait3A_278 = arith.constant 0 : i32
    %dma_wait3A_279 = arith.constant 0 : i32
    %dma_wait3A_280 = tpu.memref_slice %arg3[%dma_wait3A_267, %dma_wait3A_278, %dma_wait3A_279] : memref<2x8x100000xf32, #tpu.memory_space<hbm>> -> memref<1x8x128xf32, #tpu.memory_space<hbm>>
    %dma_wait3A_281 = tpu.memref_squeeze %dma_wait3A_280 : memref<1x8x128xf32, #tpu.memory_space<hbm>> -> memref<8x128xf32, #tpu.memory_space<hbm>>
    tpu.wait_dma2 semaphore(%arg12 : memref<!tpu.dma_semaphore, #tpu.memory_space<semaphore_mem>>) src(%dma_wait3A_281 : memref<8x128xf32, #tpu.memory_space<hbm>>) dst(%dma_wait3A_277 : memref<8x128xf32, #tpu.memory_space<vmem>>)
    %dma_wait3A_282 = arith.constant 0 : i32
    %dma_wait3A_283 = arith.constant 0 : i32
    %dma_wait3A_284 = arith.constant 0 : i32
    %dma_wait3A_285 = tpu.memref_slice %arg9[%dma_wait3A_283, %dma_wait3A_284] : memref<192x128xf32, #tpu.memory_space<vmem>> -> memref<8x128xf32, #tpu.memory_space<vmem>>
    %dma_wait3A_286 = arith.constant 0 : i32
    %dma_wait3A_287 = arith.constant 0 : i32
    %dma_wait3A_288 = tpu.memref_slice %arg3[%dma_wait3A_282, %dma_wait3A_286, %dma_wait3A_287] : memref<2x8x100000xf32, #tpu.memory_space<hbm>> -> memref<1x8x128xf32, #tpu.memory_space<hbm>>
    %dma_wait3A_289 = tpu.memref_squeeze %dma_wait3A_288 : memref<1x8x128xf32, #tpu.memory_space<hbm>> -> memref<8x128xf32, #tpu.memory_space<hbm>>
    %dma_wait3A_290 = arith.constant 0 : i32
    %dma_wait3A_291 = arith.constant 0 : i32
    %dma_wait3A_292 = tpu.memref_slice %arg9[%dma_wait3A_290, %dma_wait3A_291] : memref<192x128xf32, #tpu.memory_space<vmem>> -> memref<8x128xf32, #tpu.memory_space<vmem>>
    %dma_wait3A_293 = arith.constant 0 : i32
    %dma_wait3A_294 = arith.constant 0 : i32
    %dma_wait3A_295 = tpu.memref_slice %arg3[%dma_wait3A_282, %dma_wait3A_293, %dma_wait3A_294] : memref<2x8x100000xf32, #tpu.memory_space<hbm>> -> memref<1x8x128xf32, #tpu.memory_space<hbm>>
    %dma_wait3A_296 = tpu.memref_squeeze %dma_wait3A_295 : memref<1x8x128xf32, #tpu.memory_space<hbm>> -> memref<8x128xf32, #tpu.memory_space<hbm>>
    tpu.wait_dma2 semaphore(%arg12 : memref<!tpu.dma_semaphore, #tpu.memory_space<semaphore_mem>>) src(%dma_wait3A_296 : memref<8x128xf32, #tpu.memory_space<hbm>>) dst(%dma_wait3A_292 : memref<8x128xf32, #tpu.memory_space<vmem>>)
    %dma_wait3A_297 = arith.constant 0 : i32
    %dma_wait3A_298 = arith.constant 0 : i32
    %dma_wait3A_299 = arith.constant 0 : i32
    %dma_wait3A_300 = tpu.memref_slice %arg9[%dma_wait3A_298, %dma_wait3A_299] : memref<192x128xf32, #tpu.memory_space<vmem>> -> memref<8x128xf32, #tpu.memory_space<vmem>>
    %dma_wait3A_301 = arith.constant 0 : i32
    %dma_wait3A_302 = arith.constant 0 : i32
    %dma_wait3A_303 = tpu.memref_slice %arg3[%dma_wait3A_297, %dma_wait3A_301, %dma_wait3A_302] : memref<2x8x100000xf32, #tpu.memory_space<hbm>> -> memref<1x8x128xf32, #tpu.memory_space<hbm>>
    %dma_wait3A_304 = tpu.memref_squeeze %dma_wait3A_303 : memref<1x8x128xf32, #tpu.memory_space<hbm>> -> memref<8x128xf32, #tpu.memory_space<hbm>>
    %dma_wait3A_305 = arith.constant 0 : i32
    %dma_wait3A_306 = arith.constant 0 : i32
    %dma_wait3A_307 = tpu.memref_slice %arg9[%dma_wait3A_305, %dma_wait3A_306] : memref<192x128xf32, #tpu.memory_space<vmem>> -> memref<8x128xf32, #tpu.memory_space<vmem>>
    %dma_wait3A_308 = arith.constant 0 : i32
    %dma_wait3A_309 = arith.constant 0 : i32
    %dma_wait3A_310 = tpu.memref_slice %arg3[%dma_wait3A_297, %dma_wait3A_308, %dma_wait3A_309] : memref<2x8x100000xf32, #tpu.memory_space<hbm>> -> memref<1x8x128xf32, #tpu.memory_space<hbm>>
    %dma_wait3A_311 = tpu.memref_squeeze %dma_wait3A_310 : memref<1x8x128xf32, #tpu.memory_space<hbm>> -> memref<8x128xf32, #tpu.memory_space<hbm>>
    tpu.wait_dma2 semaphore(%arg12 : memref<!tpu.dma_semaphore, #tpu.memory_space<semaphore_mem>>) src(%dma_wait3A_311 : memref<8x128xf32, #tpu.memory_space<hbm>>) dst(%dma_wait3A_307 : memref<8x128xf32, #tpu.memory_space<vmem>>)
    %dma_wait3A_312 = arith.constant 0 : i32
    %dma_wait3A_313 = arith.constant 0 : i32
    %dma_wait3A_314 = arith.constant 0 : i32
    %dma_wait3A_315 = tpu.memref_slice %arg9[%dma_wait3A_313, %dma_wait3A_314] : memref<192x128xf32, #tpu.memory_space<vmem>> -> memref<8x128xf32, #tpu.memory_space<vmem>>
    %dma_wait3A_316 = arith.constant 0 : i32
    %dma_wait3A_317 = arith.constant 0 : i32
    %dma_wait3A_318 = tpu.memref_slice %arg3[%dma_wait3A_312, %dma_wait3A_316, %dma_wait3A_317] : memref<2x8x100000xf32, #tpu.memory_space<hbm>> -> memref<1x8x128xf32, #tpu.memory_space<hbm>>
    %dma_wait3A_319 = tpu.memref_squeeze %dma_wait3A_318 : memref<1x8x128xf32, #tpu.memory_space<hbm>> -> memref<8x128xf32, #tpu.memory_space<hbm>>
    %dma_wait3A_320 = arith.constant 0 : i32
    %dma_wait3A_321 = arith.constant 0 : i32
    %dma_wait3A_322 = tpu.memref_slice %arg9[%dma_wait3A_320, %dma_wait3A_321] : memref<192x128xf32, #tpu.memory_space<vmem>> -> memref<8x128xf32, #tpu.memory_space<vmem>>
    %dma_wait3A_323 = arith.constant 0 : i32
    %dma_wait3A_324 = arith.constant 0 : i32
    %dma_wait3A_325 = tpu.memref_slice %arg3[%dma_wait3A_312, %dma_wait3A_323, %dma_wait3A_324] : memref<2x8x100000xf32, #tpu.memory_space<hbm>> -> memref<1x8x128xf32, #tpu.memory_space<hbm>>
    %dma_wait3A_326 = tpu.memref_squeeze %dma_wait3A_325 : memref<1x8x128xf32, #tpu.memory_space<hbm>> -> memref<8x128xf32, #tpu.memory_space<hbm>>
    tpu.wait_dma2 semaphore(%arg12 : memref<!tpu.dma_semaphore, #tpu.memory_space<semaphore_mem>>) src(%dma_wait3A_326 : memref<8x128xf32, #tpu.memory_space<hbm>>) dst(%dma_wait3A_322 : memref<8x128xf32, #tpu.memory_space<vmem>>)
    %dma_wait3A_327 = arith.constant 0 : i32
    %dma_wait3A_328 = arith.constant 0 : i32
    %dma_wait3A_329 = arith.constant 0 : i32
    %dma_wait3A_330 = tpu.memref_slice %arg9[%dma_wait3A_328, %dma_wait3A_329] : memref<192x128xf32, #tpu.memory_space<vmem>> -> memref<8x128xf32, #tpu.memory_space<vmem>>
    %dma_wait3A_331 = arith.constant 0 : i32
    %dma_wait3A_332 = arith.constant 0 : i32
    %dma_wait3A_333 = tpu.memref_slice %arg3[%dma_wait3A_327, %dma_wait3A_331, %dma_wait3A_332] : memref<2x8x100000xf32, #tpu.memory_space<hbm>> -> memref<1x8x128xf32, #tpu.memory_space<hbm>>
    %dma_wait3A_334 = tpu.memref_squeeze %dma_wait3A_333 : memref<1x8x128xf32, #tpu.memory_space<hbm>> -> memref<8x128xf32, #tpu.memory_space<hbm>>
    %dma_wait3A_335 = arith.constant 0 : i32
    %dma_wait3A_336 = arith.constant 0 : i32
    %dma_wait3A_337 = tpu.memref_slice %arg9[%dma_wait3A_335, %dma_wait3A_336] : memref<192x128xf32, #tpu.memory_space<vmem>> -> memref<8x128xf32, #tpu.memory_space<vmem>>
    %dma_wait3A_338 = arith.constant 0 : i32
    %dma_wait3A_339 = arith.constant 0 : i32
    %dma_wait3A_340 = tpu.memref_slice %arg3[%dma_wait3A_327, %dma_wait3A_338, %dma_wait3A_339] : memref<2x8x100000xf32, #tpu.memory_space<hbm>> -> memref<1x8x128xf32, #tpu.memory_space<hbm>>
    %dma_wait3A_341 = tpu.memref_squeeze %dma_wait3A_340 : memref<1x8x128xf32, #tpu.memory_space<hbm>> -> memref<8x128xf32, #tpu.memory_space<hbm>>
    tpu.wait_dma2 semaphore(%arg12 : memref<!tpu.dma_semaphore, #tpu.memory_space<semaphore_mem>>) src(%dma_wait3A_341 : memref<8x128xf32, #tpu.memory_space<hbm>>) dst(%dma_wait3A_337 : memref<8x128xf32, #tpu.memory_space<vmem>>)
    %dma_wait3A_342 = arith.constant 0 : i32
    %dma_wait3A_343 = arith.constant 0 : i32
    %dma_wait3A_344 = arith.constant 0 : i32
    %dma_wait3A_345 = tpu.memref_slice %arg9[%dma_wait3A_343, %dma_wait3A_344] : memref<192x128xf32, #tpu.memory_space<vmem>> -> memref<8x128xf32, #tpu.memory_space<vmem>>
    %dma_wait3A_346 = arith.constant 0 : i32
    %dma_wait3A_347 = arith.constant 0 : i32
    %dma_wait3A_348 = tpu.memref_slice %arg3[%dma_wait3A_342, %dma_wait3A_346, %dma_wait3A_347] : memref<2x8x100000xf32, #tpu.memory_space<hbm>> -> memref<1x8x128xf32, #tpu.memory_space<hbm>>
    %dma_wait3A_349 = tpu.memref_squeeze %dma_wait3A_348 : memref<1x8x128xf32, #tpu.memory_space<hbm>> -> memref<8x128xf32, #tpu.memory_space<hbm>>
    %dma_wait3A_350 = arith.constant 0 : i32
    %dma_wait3A_351 = arith.constant 0 : i32
    %dma_wait3A_352 = tpu.memref_slice %arg9[%dma_wait3A_350, %dma_wait3A_351] : memref<192x128xf32, #tpu.memory_space<vmem>> -> memref<8x128xf32, #tpu.memory_space<vmem>>
    %dma_wait3A_353 = arith.constant 0 : i32
    %dma_wait3A_354 = arith.constant 0 : i32
    %dma_wait3A_355 = tpu.memref_slice %arg3[%dma_wait3A_342, %dma_wait3A_353, %dma_wait3A_354] : memref<2x8x100000xf32, #tpu.memory_space<hbm>> -> memref<1x8x128xf32, #tpu.memory_space<hbm>>
    %dma_wait3A_356 = tpu.memref_squeeze %dma_wait3A_355 : memref<1x8x128xf32, #tpu.memory_space<hbm>> -> memref<8x128xf32, #tpu.memory_space<hbm>>
    tpu.wait_dma2 semaphore(%arg12 : memref<!tpu.dma_semaphore, #tpu.memory_space<semaphore_mem>>) src(%dma_wait3A_356 : memref<8x128xf32, #tpu.memory_space<hbm>>) dst(%dma_wait3A_352 : memref<8x128xf32, #tpu.memory_space<vmem>>)
    %dma_wait3A_357 = arith.constant 0 : i32
    %dma_wait3A_358 = arith.constant 0 : i32
    %dma_wait3A_359 = arith.constant 0 : i32
    %dma_wait3A_360 = tpu.memref_slice %arg9[%dma_wait3A_358, %dma_wait3A_359] : memref<192x128xf32, #tpu.memory_space<vmem>> -> memref<8x128xf32, #tpu.memory_space<vmem>>
    %dma_wait3A_361 = arith.constant 0 : i32
    %dma_wait3A_362 = arith.constant 0 : i32
    %dma_wait3A_363 = tpu.memref_slice %arg3[%dma_wait3A_357, %dma_wait3A_361, %dma_wait3A_362] : memref<2x8x100000xf32, #tpu.memory_space<hbm>> -> memref<1x8x128xf32, #tpu.memory_space<hbm>>
    %dma_wait3A_364 = tpu.memref_squeeze %dma_wait3A_363 : memref<1x8x128xf32, #tpu.memory_space<hbm>> -> memref<8x128xf32, #tpu.memory_space<hbm>>
    %dma_wait3A_365 = arith.constant 0 : i32
    %dma_wait3A_366 = arith.constant 0 : i32
    %dma_wait3A_367 = tpu.memref_slice %arg9[%dma_wait3A_365, %dma_wait3A_366] : memref<192x128xf32, #tpu.memory_space<vmem>> -> memref<8x128xf32, #tpu.memory_space<vmem>>
    %dma_wait3A_368 = arith.constant 0 : i32
    %dma_wait3A_369 = arith.constant 0 : i32
    %dma_wait3A_370 = tpu.memref_slice %arg3[%dma_wait3A_357, %dma_wait3A_368, %dma_wait3A_369] : memref<2x8x100000xf32, #tpu.memory_space<hbm>> -> memref<1x8x128xf32, #tpu.memory_space<hbm>>
    %dma_wait3A_371 = tpu.memref_squeeze %dma_wait3A_370 : memref<1x8x128xf32, #tpu.memory_space<hbm>> -> memref<8x128xf32, #tpu.memory_space<hbm>>
    tpu.wait_dma2 semaphore(%arg12 : memref<!tpu.dma_semaphore, #tpu.memory_space<semaphore_mem>>) src(%dma_wait3A_371 : memref<8x128xf32, #tpu.memory_space<hbm>>) dst(%dma_wait3A_367 : memref<8x128xf32, #tpu.memory_space<vmem>>)
    %eq3A = arith.constant 0 : i32
    %eq3A_372 = arith.cmpi eq, %arg1, %eq3A : i32
    %convert_element_type3A = arith.extui %eq3A_372 : i1 to i32
    %cond3A = arith.constant 0 : i32
    %cond3A_373 = arith.cmpi ne, %convert_element_type3A, %cond3A : i32
    scf.if %cond3A_373 {
      "tpu.region"() ({
        %run_scoped3A = tpu.sem_alloc : memref<!tpu.dma_semaphore, #tpu.memory_space<semaphore_mem>>
        %dma_start3A_1034 = arith.constant 0 : i32
        %dma_start3A_1035 = arith.constant 0 : i32
        %dma_start3A_1036 = tpu.memref_slice %arg9[%dma_start3A_1034, %dma_start3A_1035] : memref<192x128xf32, #tpu.memory_space<vmem>> -> memref<8x128xf32, #tpu.memory_space<vmem>>
        %dma_start3A_1037 = arith.constant 0 : i32
        %dma_start3A_1038 = arith.constant 0 : i32
        %dma_start3A_1039 = tpu.memref_slice %arg4[%dma_start3A_1037, %dma_start3A_1038] : memref<16x128xf32, #tpu.memory_space<hbm>> -> memref<8x128xf32, #tpu.memory_space<hbm>>
        %dma_start3A_1040 = arith.constant 0 : i32
        %dma_start3A_1041 = arith.constant 0 : i32
        %dma_start3A_1042 = tpu.memref_slice %arg9[%dma_start3A_1040, %dma_start3A_1041] : memref<192x128xf32, #tpu.memory_space<vmem>> -> memref<8x128xf32, #tpu.memory_space<vmem>>
        %dma_start3A_1043 = arith.constant 0 : i32
        %dma_start3A_1044 = arith.constant 0 : i32
        %dma_start3A_1045 = tpu.memref_slice %arg4[%dma_start3A_1043, %dma_start3A_1044] : memref<16x128xf32, #tpu.memory_space<hbm>> -> memref<8x128xf32, #tpu.memory_space<hbm>>
        tpu.enqueue_dma source(%dma_start3A_1045 : memref<8x128xf32, #tpu.memory_space<hbm>>) target(%dma_start3A_1042 : memref<8x128xf32, #tpu.memory_space<vmem>>) target_semaphore(%run_scoped3A : memref<!tpu.dma_semaphore, #tpu.memory_space<semaphore_mem>>)
        %dma_wait3A_1046 = arith.constant 0 : i32
        %dma_wait3A_1047 = arith.constant 0 : i32
        %dma_wait3A_1048 = tpu.memref_slice %arg9[%dma_wait3A_1046, %dma_wait3A_1047] : memref<192x128xf32, #tpu.memory_space<vmem>> -> memref<8x128xf32, #tpu.memory_space<vmem>>
        %dma_wait3A_1049 = arith.constant 0 : i32
        %dma_wait3A_1050 = arith.constant 0 : i32
        %dma_wait3A_1051 = tpu.memref_slice %arg4[%dma_wait3A_1049, %dma_wait3A_1050] : memref<16x128xf32, #tpu.memory_space<hbm>> -> memref<8x128xf32, #tpu.memory_space<hbm>>
        %dma_wait3A_1052 = arith.constant 0 : i32
        %dma_wait3A_1053 = arith.constant 0 : i32
        %dma_wait3A_1054 = tpu.memref_slice %arg9[%dma_wait3A_1052, %dma_wait3A_1053] : memref<192x128xf32, #tpu.memory_space<vmem>> -> memref<8x128xf32, #tpu.memory_space<vmem>>
        %dma_wait3A_1055 = arith.constant 0 : i32
        %dma_wait3A_1056 = arith.constant 0 : i32
        %dma_wait3A_1057 = tpu.memref_slice %arg4[%dma_wait3A_1055, %dma_wait3A_1056] : memref<16x128xf32, #tpu.memory_space<hbm>> -> memref<8x128xf32, #tpu.memory_space<hbm>>
        tpu.wait_dma2 semaphore(%run_scoped3A : memref<!tpu.dma_semaphore, #tpu.memory_space<semaphore_mem>>) src(%dma_wait3A_1057 : memref<8x128xf32, #tpu.memory_space<hbm>>) dst(%dma_wait3A_1054 : memref<8x128xf32, #tpu.memory_space<vmem>>)
        tpu.yield
      }) : () -> ()
      %dma_start3A_858 = arith.constant 0 : i32
      %dma_start3A_859 = arith.constant 0 : i32
      %dma_start3A_860 = tpu.memref_slice %arg9[%dma_start3A_858, %dma_start3A_859] : memref<192x128xf32, #tpu.memory_space<vmem>> -> memref<1x128xf32, #tpu.memory_space<vmem>>
      %dma_start3A_861 = tpu.memref_squeeze %dma_start3A_860 : memref<1x128xf32, #tpu.memory_space<vmem>> -> memref<128xf32, #tpu.memory_space<vmem>>
      %dma_start3A_862 = arith.constant 99968 : i32
      %dma_start3A_863 = tpu.memref_slice %arg10[%dma_start3A_862] : memref<1601536xf32, #tpu.memory_space<vmem_shared>> -> memref<128xf32, #tpu.memory_space<vmem_shared>>
      %dma_start3A_864 = arith.constant 99968 : i32
      %dma_start3A_865 = tpu.memref_slice %arg10[%dma_start3A_864] : memref<1601536xf32, #tpu.memory_space<vmem_shared>> -> memref<128xf32, #tpu.memory_space<vmem_shared>>
      %dma_start3A_866 = arith.constant 0 : i32
      %dma_start3A_867 = tpu.memref_slice %arg9[%dma_start3A_858, %dma_start3A_866] : memref<192x128xf32, #tpu.memory_space<vmem>> -> memref<1x128xf32, #tpu.memory_space<vmem>>
      %dma_start3A_868 = tpu.memref_squeeze %dma_start3A_867 : memref<1x128xf32, #tpu.memory_space<vmem>> -> memref<128xf32, #tpu.memory_space<vmem>>
      tpu.enqueue_dma source(%dma_start3A_868 : memref<128xf32, #tpu.memory_space<vmem>>) target(%dma_start3A_865 : memref<128xf32, #tpu.memory_space<vmem_shared>>) target_semaphore(%arg12 : memref<!tpu.dma_semaphore, #tpu.memory_space<semaphore_mem>>)
      %dma_start3A_869 = arith.constant 1 : i32
      %dma_start3A_870 = arith.constant 0 : i32
      %dma_start3A_871 = tpu.memref_slice %arg9[%dma_start3A_869, %dma_start3A_870] : memref<192x128xf32, #tpu.memory_space<vmem>> -> memref<1x128xf32, #tpu.memory_space<vmem>>
      %dma_start3A_872 = tpu.memref_squeeze %dma_start3A_871 : memref<1x128xf32, #tpu.memory_space<vmem>> -> memref<128xf32, #tpu.memory_space<vmem>>
      %dma_start3A_873 = arith.constant 200064 : i32
      %dma_start3A_874 = tpu.memref_slice %arg10[%dma_start3A_873] : memref<1601536xf32, #tpu.memory_space<vmem_shared>> -> memref<128xf32, #tpu.memory_space<vmem_shared>>
      %dma_start3A_875 = arith.constant 200064 : i32
      %dma_start3A_876 = tpu.memref_slice %arg10[%dma_start3A_875] : memref<1601536xf32, #tpu.memory_space<vmem_shared>> -> memref<128xf32, #tpu.memory_space<vmem_shared>>
      %dma_start3A_877 = arith.constant 0 : i32
      %dma_start3A_878 = tpu.memref_slice %arg9[%dma_start3A_869, %dma_start3A_877] : memref<192x128xf32, #tpu.memory_space<vmem>> -> memref<1x128xf32, #tpu.memory_space<vmem>>
      %dma_start3A_879 = tpu.memref_squeeze %dma_start3A_878 : memref<1x128xf32, #tpu.memory_space<vmem>> -> memref<128xf32, #tpu.memory_space<vmem>>
      tpu.enqueue_dma source(%dma_start3A_879 : memref<128xf32, #tpu.memory_space<vmem>>) target(%dma_start3A_876 : memref<128xf32, #tpu.memory_space<vmem_shared>>) target_semaphore(%arg12 : memref<!tpu.dma_semaphore, #tpu.memory_space<semaphore_mem>>)
      %dma_start3A_880 = arith.constant 2 : i32
      %dma_start3A_881 = arith.constant 0 : i32
      %dma_start3A_882 = tpu.memref_slice %arg9[%dma_start3A_880, %dma_start3A_881] : memref<192x128xf32, #tpu.memory_space<vmem>> -> memref<1x128xf32, #tpu.memory_space<vmem>>
      %dma_start3A_883 = tpu.memref_squeeze %dma_start3A_882 : memref<1x128xf32, #tpu.memory_space<vmem>> -> memref<128xf32, #tpu.memory_space<vmem>>
      %dma_start3A_884 = arith.constant 300160 : i32
      %dma_start3A_885 = tpu.memref_slice %arg10[%dma_start3A_884] : memref<1601536xf32, #tpu.memory_space<vmem_shared>> -> memref<128xf32, #tpu.memory_space<vmem_shared>>
      %dma_start3A_886 = arith.constant 300160 : i32
      %dma_start3A_887 = tpu.memref_slice %arg10[%dma_start3A_886] : memref<1601536xf32, #tpu.memory_space<vmem_shared>> -> memref<128xf32, #tpu.memory_space<vmem_shared>>
      %dma_start3A_888 = arith.constant 0 : i32
      %dma_start3A_889 = tpu.memref_slice %arg9[%dma_start3A_880, %dma_start3A_888] : memref<192x128xf32, #tpu.memory_space<vmem>> -> memref<1x128xf32, #tpu.memory_space<vmem>>
      %dma_start3A_890 = tpu.memref_squeeze %dma_start3A_889 : memref<1x128xf32, #tpu.memory_space<vmem>> -> memref<128xf32, #tpu.memory_space<vmem>>
      tpu.enqueue_dma source(%dma_start3A_890 : memref<128xf32, #tpu.memory_space<vmem>>) target(%dma_start3A_887 : memref<128xf32, #tpu.memory_space<vmem_shared>>) target_semaphore(%arg12 : memref<!tpu.dma_semaphore, #tpu.memory_space<semaphore_mem>>)
      %dma_start3A_891 = arith.constant 3 : i32
      %dma_start3A_892 = arith.constant 0 : i32
      %dma_start3A_893 = tpu.memref_slice %arg9[%dma_start3A_891, %dma_start3A_892] : memref<192x128xf32, #tpu.memory_space<vmem>> -> memref<1x128xf32, #tpu.memory_space<vmem>>
      %dma_start3A_894 = tpu.memref_squeeze %dma_start3A_893 : memref<1x128xf32, #tpu.memory_space<vmem>> -> memref<128xf32, #tpu.memory_space<vmem>>
      %dma_start3A_895 = arith.constant 400256 : i32
      %dma_start3A_896 = tpu.memref_slice %arg10[%dma_start3A_895] : memref<1601536xf32, #tpu.memory_space<vmem_shared>> -> memref<128xf32, #tpu.memory_space<vmem_shared>>
      %dma_start3A_897 = arith.constant 400256 : i32
      %dma_start3A_898 = tpu.memref_slice %arg10[%dma_start3A_897] : memref<1601536xf32, #tpu.memory_space<vmem_shared>> -> memref<128xf32, #tpu.memory_space<vmem_shared>>
      %dma_start3A_899 = arith.constant 0 : i32
      %dma_start3A_900 = tpu.memref_slice %arg9[%dma_start3A_891, %dma_start3A_899] : memref<192x128xf32, #tpu.memory_space<vmem>> -> memref<1x128xf32, #tpu.memory_space<vmem>>
      %dma_start3A_901 = tpu.memref_squeeze %dma_start3A_900 : memref<1x128xf32, #tpu.memory_space<vmem>> -> memref<128xf32, #tpu.memory_space<vmem>>
      tpu.enqueue_dma source(%dma_start3A_901 : memref<128xf32, #tpu.memory_space<vmem>>) target(%dma_start3A_898 : memref<128xf32, #tpu.memory_space<vmem_shared>>) target_semaphore(%arg12 : memref<!tpu.dma_semaphore, #tpu.memory_space<semaphore_mem>>)
      %dma_start3A_902 = arith.constant 4 : i32
      %dma_start3A_903 = arith.constant 0 : i32
      %dma_start3A_904 = tpu.memref_slice %arg9[%dma_start3A_902, %dma_start3A_903] : memref<192x128xf32, #tpu.memory_space<vmem>> -> memref<1x128xf32, #tpu.memory_space<vmem>>
      %dma_start3A_905 = tpu.memref_squeeze %dma_start3A_904 : memref<1x128xf32, #tpu.memory_space<vmem>> -> memref<128xf32, #tpu.memory_space<vmem>>
      %dma_start3A_906 = arith.constant 500352 : i32
      %dma_start3A_907 = tpu.memref_slice %arg10[%dma_start3A_906] : memref<1601536xf32, #tpu.memory_space<vmem_shared>> -> memref<128xf32, #tpu.memory_space<vmem_shared>>
      %dma_start3A_908 = arith.constant 500352 : i32
      %dma_start3A_909 = tpu.memref_slice %arg10[%dma_start3A_908] : memref<1601536xf32, #tpu.memory_space<vmem_shared>> -> memref<128xf32, #tpu.memory_space<vmem_shared>>
      %dma_start3A_910 = arith.constant 0 : i32
      %dma_start3A_911 = tpu.memref_slice %arg9[%dma_start3A_902, %dma_start3A_910] : memref<192x128xf32, #tpu.memory_space<vmem>> -> memref<1x128xf32, #tpu.memory_space<vmem>>
      %dma_start3A_912 = tpu.memref_squeeze %dma_start3A_911 : memref<1x128xf32, #tpu.memory_space<vmem>> -> memref<128xf32, #tpu.memory_space<vmem>>
      tpu.enqueue_dma source(%dma_start3A_912 : memref<128xf32, #tpu.memory_space<vmem>>) target(%dma_start3A_909 : memref<128xf32, #tpu.memory_space<vmem_shared>>) target_semaphore(%arg12 : memref<!tpu.dma_semaphore, #tpu.memory_space<semaphore_mem>>)
      %dma_start3A_913 = arith.constant 5 : i32
      %dma_start3A_914 = arith.constant 0 : i32
      %dma_start3A_915 = tpu.memref_slice %arg9[%dma_start3A_913, %dma_start3A_914] : memref<192x128xf32, #tpu.memory_space<vmem>> -> memref<1x128xf32, #tpu.memory_space<vmem>>
      %dma_start3A_916 = tpu.memref_squeeze %dma_start3A_915 : memref<1x128xf32, #tpu.memory_space<vmem>> -> memref<128xf32, #tpu.memory_space<vmem>>
      %dma_start3A_917 = arith.constant 600448 : i32
      %dma_start3A_918 = tpu.memref_slice %arg10[%dma_start3A_917] : memref<1601536xf32, #tpu.memory_space<vmem_shared>> -> memref<128xf32, #tpu.memory_space<vmem_shared>>
      %dma_start3A_919 = arith.constant 600448 : i32
      %dma_start3A_920 = tpu.memref_slice %arg10[%dma_start3A_919] : memref<1601536xf32, #tpu.memory_space<vmem_shared>> -> memref<128xf32, #tpu.memory_space<vmem_shared>>
      %dma_start3A_921 = arith.constant 0 : i32
      %dma_start3A_922 = tpu.memref_slice %arg9[%dma_start3A_913, %dma_start3A_921] : memref<192x128xf32, #tpu.memory_space<vmem>> -> memref<1x128xf32, #tpu.memory_space<vmem>>
      %dma_start3A_923 = tpu.memref_squeeze %dma_start3A_922 : memref<1x128xf32, #tpu.memory_space<vmem>> -> memref<128xf32, #tpu.memory_space<vmem>>
      tpu.enqueue_dma source(%dma_start3A_923 : memref<128xf32, #tpu.memory_space<vmem>>) target(%dma_start3A_920 : memref<128xf32, #tpu.memory_space<vmem_shared>>) target_semaphore(%arg12 : memref<!tpu.dma_semaphore, #tpu.memory_space<semaphore_mem>>)
      %dma_start3A_924 = arith.constant 6 : i32
      %dma_start3A_925 = arith.constant 0 : i32
      %dma_start3A_926 = tpu.memref_slice %arg9[%dma_start3A_924, %dma_start3A_925] : memref<192x128xf32, #tpu.memory_space<vmem>> -> memref<1x128xf32, #tpu.memory_space<vmem>>
      %dma_start3A_927 = tpu.memref_squeeze %dma_start3A_926 : memref<1x128xf32, #tpu.memory_space<vmem>> -> memref<128xf32, #tpu.memory_space<vmem>>
      %dma_start3A_928 = arith.constant 700544 : i32
      %dma_start3A_929 = tpu.memref_slice %arg10[%dma_start3A_928] : memref<1601536xf32, #tpu.memory_space<vmem_shared>> -> memref<128xf32, #tpu.memory_space<vmem_shared>>
      %dma_start3A_930 = arith.constant 700544 : i32
      %dma_start3A_931 = tpu.memref_slice %arg10[%dma_start3A_930] : memref<1601536xf32, #tpu.memory_space<vmem_shared>> -> memref<128xf32, #tpu.memory_space<vmem_shared>>
      %dma_start3A_932 = arith.constant 0 : i32
      %dma_start3A_933 = tpu.memref_slice %arg9[%dma_start3A_924, %dma_start3A_932] : memref<192x128xf32, #tpu.memory_space<vmem>> -> memref<1x128xf32, #tpu.memory_space<vmem>>
      %dma_start3A_934 = tpu.memref_squeeze %dma_start3A_933 : memref<1x128xf32, #tpu.memory_space<vmem>> -> memref<128xf32, #tpu.memory_space<vmem>>
      tpu.enqueue_dma source(%dma_start3A_934 : memref<128xf32, #tpu.memory_space<vmem>>) target(%dma_start3A_931 : memref<128xf32, #tpu.memory_space<vmem_shared>>) target_semaphore(%arg12 : memref<!tpu.dma_semaphore, #tpu.memory_space<semaphore_mem>>)
      %dma_start3A_935 = arith.constant 7 : i32
      %dma_start3A_936 = arith.constant 0 : i32
      %dma_start3A_937 = tpu.memref_slice %arg9[%dma_start3A_935, %dma_start3A_936] : memref<192x128xf32, #tpu.memory_space<vmem>> -> memref<1x128xf32, #tpu.memory_space<vmem>>
      %dma_start3A_938 = tpu.memref_squeeze %dma_start3A_937 : memref<1x128xf32, #tpu.memory_space<vmem>> -> memref<128xf32, #tpu.memory_space<vmem>>
      %dma_start3A_939 = arith.constant 800640 : i32
      %dma_start3A_940 = tpu.memref_slice %arg10[%dma_start3A_939] : memref<1601536xf32, #tpu.memory_space<vmem_shared>> -> memref<128xf32, #tpu.memory_space<vmem_shared>>
      %dma_start3A_941 = arith.constant 800640 : i32
      %dma_start3A_942 = tpu.memref_slice %arg10[%dma_start3A_941] : memref<1601536xf32, #tpu.memory_space<vmem_shared>> -> memref<128xf32, #tpu.memory_space<vmem_shared>>
      %dma_start3A_943 = arith.constant 0 : i32
      %dma_start3A_944 = tpu.memref_slice %arg9[%dma_start3A_935, %dma_start3A_943] : memref<192x128xf32, #tpu.memory_space<vmem>> -> memref<1x128xf32, #tpu.memory_space<vmem>>
      %dma_start3A_945 = tpu.memref_squeeze %dma_start3A_944 : memref<1x128xf32, #tpu.memory_space<vmem>> -> memref<128xf32, #tpu.memory_space<vmem>>
      tpu.enqueue_dma source(%dma_start3A_945 : memref<128xf32, #tpu.memory_space<vmem>>) target(%dma_start3A_942 : memref<128xf32, #tpu.memory_space<vmem_shared>>) target_semaphore(%arg12 : memref<!tpu.dma_semaphore, #tpu.memory_space<semaphore_mem>>)
      %dma_wait3A_946 = arith.constant 0 : i32
      %dma_wait3A_947 = arith.constant 0 : i32
      %dma_wait3A_948 = tpu.memref_slice %arg9[%dma_wait3A_946, %dma_wait3A_947] : memref<192x128xf32, #tpu.memory_space<vmem>> -> memref<1x128xf32, #tpu.memory_space<vmem>>
      %dma_wait3A_949 = tpu.memref_squeeze %dma_wait3A_948 : memref<1x128xf32, #tpu.memory_space<vmem>> -> memref<128xf32, #tpu.memory_space<vmem>>
      %dma_wait3A_950 = arith.constant 99968 : i32
      %dma_wait3A_951 = tpu.memref_slice %arg10[%dma_wait3A_950] : memref<1601536xf32, #tpu.memory_space<vmem_shared>> -> memref<128xf32, #tpu.memory_space<vmem_shared>>
      %dma_wait3A_952 = arith.constant 99968 : i32
      %dma_wait3A_953 = tpu.memref_slice %arg10[%dma_wait3A_952] : memref<1601536xf32, #tpu.memory_space<vmem_shared>> -> memref<128xf32, #tpu.memory_space<vmem_shared>>
      %dma_wait3A_954 = arith.constant 0 : i32
      %dma_wait3A_955 = tpu.memref_slice %arg9[%dma_wait3A_946, %dma_wait3A_954] : memref<192x128xf32, #tpu.memory_space<vmem>> -> memref<1x128xf32, #tpu.memory_space<vmem>>
      %dma_wait3A_956 = tpu.memref_squeeze %dma_wait3A_955 : memref<1x128xf32, #tpu.memory_space<vmem>> -> memref<128xf32, #tpu.memory_space<vmem>>
      tpu.wait_dma2 semaphore(%arg12 : memref<!tpu.dma_semaphore, #tpu.memory_space<semaphore_mem>>) src(%dma_wait3A_956 : memref<128xf32, #tpu.memory_space<vmem>>) dst(%dma_wait3A_953 : memref<128xf32, #tpu.memory_space<vmem_shared>>)
      %dma_wait3A_957 = arith.constant 1 : i32
      %dma_wait3A_958 = arith.constant 0 : i32
      %dma_wait3A_959 = tpu.memref_slice %arg9[%dma_wait3A_957, %dma_wait3A_958] : memref<192x128xf32, #tpu.memory_space<vmem>> -> memref<1x128xf32, #tpu.memory_space<vmem>>
      %dma_wait3A_960 = tpu.memref_squeeze %dma_wait3A_959 : memref<1x128xf32, #tpu.memory_space<vmem>> -> memref<128xf32, #tpu.memory_space<vmem>>
      %dma_wait3A_961 = arith.constant 200064 : i32
      %dma_wait3A_962 = tpu.memref_slice %arg10[%dma_wait3A_961] : memref<1601536xf32, #tpu.memory_space<vmem_shared>> -> memref<128xf32, #tpu.memory_space<vmem_shared>>
      %dma_wait3A_963 = arith.constant 200064 : i32
      %dma_wait3A_964 = tpu.memref_slice %arg10[%dma_wait3A_963] : memref<1601536xf32, #tpu.memory_space<vmem_shared>> -> memref<128xf32, #tpu.memory_space<vmem_shared>>
      %dma_wait3A_965 = arith.constant 0 : i32
      %dma_wait3A_966 = tpu.memref_slice %arg9[%dma_wait3A_957, %dma_wait3A_965] : memref<192x128xf32, #tpu.memory_space<vmem>> -> memref<1x128xf32, #tpu.memory_space<vmem>>
      %dma_wait3A_967 = tpu.memref_squeeze %dma_wait3A_966 : memref<1x128xf32, #tpu.memory_space<vmem>> -> memref<128xf32, #tpu.memory_space<vmem>>
      tpu.wait_dma2 semaphore(%arg12 : memref<!tpu.dma_semaphore, #tpu.memory_space<semaphore_mem>>) src(%dma_wait3A_967 : memref<128xf32, #tpu.memory_space<vmem>>) dst(%dma_wait3A_964 : memref<128xf32, #tpu.memory_space<vmem_shared>>)
      %dma_wait3A_968 = arith.constant 2 : i32
      %dma_wait3A_969 = arith.constant 0 : i32
      %dma_wait3A_970 = tpu.memref_slice %arg9[%dma_wait3A_968, %dma_wait3A_969] : memref<192x128xf32, #tpu.memory_space<vmem>> -> memref<1x128xf32, #tpu.memory_space<vmem>>
      %dma_wait3A_971 = tpu.memref_squeeze %dma_wait3A_970 : memref<1x128xf32, #tpu.memory_space<vmem>> -> memref<128xf32, #tpu.memory_space<vmem>>
      %dma_wait3A_972 = arith.constant 300160 : i32
      %dma_wait3A_973 = tpu.memref_slice %arg10[%dma_wait3A_972] : memref<1601536xf32, #tpu.memory_space<vmem_shared>> -> memref<128xf32, #tpu.memory_space<vmem_shared>>
      %dma_wait3A_974 = arith.constant 300160 : i32
      %dma_wait3A_975 = tpu.memref_slice %arg10[%dma_wait3A_974] : memref<1601536xf32, #tpu.memory_space<vmem_shared>> -> memref<128xf32, #tpu.memory_space<vmem_shared>>
      %dma_wait3A_976 = arith.constant 0 : i32
      %dma_wait3A_977 = tpu.memref_slice %arg9[%dma_wait3A_968, %dma_wait3A_976] : memref<192x128xf32, #tpu.memory_space<vmem>> -> memref<1x128xf32, #tpu.memory_space<vmem>>
      %dma_wait3A_978 = tpu.memref_squeeze %dma_wait3A_977 : memref<1x128xf32, #tpu.memory_space<vmem>> -> memref<128xf32, #tpu.memory_space<vmem>>
      tpu.wait_dma2 semaphore(%arg12 : memref<!tpu.dma_semaphore, #tpu.memory_space<semaphore_mem>>) src(%dma_wait3A_978 : memref<128xf32, #tpu.memory_space<vmem>>) dst(%dma_wait3A_975 : memref<128xf32, #tpu.memory_space<vmem_shared>>)
      %dma_wait3A_979 = arith.constant 3 : i32
      %dma_wait3A_980 = arith.constant 0 : i32
      %dma_wait3A_981 = tpu.memref_slice %arg9[%dma_wait3A_979, %dma_wait3A_980] : memref<192x128xf32, #tpu.memory_space<vmem>> -> memref<1x128xf32, #tpu.memory_space<vmem>>
      %dma_wait3A_982 = tpu.memref_squeeze %dma_wait3A_981 : memref<1x128xf32, #tpu.memory_space<vmem>> -> memref<128xf32, #tpu.memory_space<vmem>>
      %dma_wait3A_983 = arith.constant 400256 : i32
      %dma_wait3A_984 = tpu.memref_slice %arg10[%dma_wait3A_983] : memref<1601536xf32, #tpu.memory_space<vmem_shared>> -> memref<128xf32, #tpu.memory_space<vmem_shared>>
      %dma_wait3A_985 = arith.constant 400256 : i32
      %dma_wait3A_986 = tpu.memref_slice %arg10[%dma_wait3A_985] : memref<1601536xf32, #tpu.memory_space<vmem_shared>> -> memref<128xf32, #tpu.memory_space<vmem_shared>>
      %dma_wait3A_987 = arith.constant 0 : i32
      %dma_wait3A_988 = tpu.memref_slice %arg9[%dma_wait3A_979, %dma_wait3A_987] : memref<192x128xf32, #tpu.memory_space<vmem>> -> memref<1x128xf32, #tpu.memory_space<vmem>>
      %dma_wait3A_989 = tpu.memref_squeeze %dma_wait3A_988 : memref<1x128xf32, #tpu.memory_space<vmem>> -> memref<128xf32, #tpu.memory_space<vmem>>
      tpu.wait_dma2 semaphore(%arg12 : memref<!tpu.dma_semaphore, #tpu.memory_space<semaphore_mem>>) src(%dma_wait3A_989 : memref<128xf32, #tpu.memory_space<vmem>>) dst(%dma_wait3A_986 : memref<128xf32, #tpu.memory_space<vmem_shared>>)
      %dma_wait3A_990 = arith.constant 4 : i32
      %dma_wait3A_991 = arith.constant 0 : i32
      %dma_wait3A_992 = tpu.memref_slice %arg9[%dma_wait3A_990, %dma_wait3A_991] : memref<192x128xf32, #tpu.memory_space<vmem>> -> memref<1x128xf32, #tpu.memory_space<vmem>>
      %dma_wait3A_993 = tpu.memref_squeeze %dma_wait3A_992 : memref<1x128xf32, #tpu.memory_space<vmem>> -> memref<128xf32, #tpu.memory_space<vmem>>
      %dma_wait3A_994 = arith.constant 500352 : i32
      %dma_wait3A_995 = tpu.memref_slice %arg10[%dma_wait3A_994] : memref<1601536xf32, #tpu.memory_space<vmem_shared>> -> memref<128xf32, #tpu.memory_space<vmem_shared>>
      %dma_wait3A_996 = arith.constant 500352 : i32
      %dma_wait3A_997 = tpu.memref_slice %arg10[%dma_wait3A_996] : memref<1601536xf32, #tpu.memory_space<vmem_shared>> -> memref<128xf32, #tpu.memory_space<vmem_shared>>
      %dma_wait3A_998 = arith.constant 0 : i32
      %dma_wait3A_999 = tpu.memref_slice %arg9[%dma_wait3A_990, %dma_wait3A_998] : memref<192x128xf32, #tpu.memory_space<vmem>> -> memref<1x128xf32, #tpu.memory_space<vmem>>
      %dma_wait3A_1000 = tpu.memref_squeeze %dma_wait3A_999 : memref<1x128xf32, #tpu.memory_space<vmem>> -> memref<128xf32, #tpu.memory_space<vmem>>
      tpu.wait_dma2 semaphore(%arg12 : memref<!tpu.dma_semaphore, #tpu.memory_space<semaphore_mem>>) src(%dma_wait3A_1000 : memref<128xf32, #tpu.memory_space<vmem>>) dst(%dma_wait3A_997 : memref<128xf32, #tpu.memory_space<vmem_shared>>)
      %dma_wait3A_1001 = arith.constant 5 : i32
      %dma_wait3A_1002 = arith.constant 0 : i32
      %dma_wait3A_1003 = tpu.memref_slice %arg9[%dma_wait3A_1001, %dma_wait3A_1002] : memref<192x128xf32, #tpu.memory_space<vmem>> -> memref<1x128xf32, #tpu.memory_space<vmem>>
      %dma_wait3A_1004 = tpu.memref_squeeze %dma_wait3A_1003 : memref<1x128xf32, #tpu.memory_space<vmem>> -> memref<128xf32, #tpu.memory_space<vmem>>
      %dma_wait3A_1005 = arith.constant 600448 : i32
      %dma_wait3A_1006 = tpu.memref_slice %arg10[%dma_wait3A_1005] : memref<1601536xf32, #tpu.memory_space<vmem_shared>> -> memref<128xf32, #tpu.memory_space<vmem_shared>>
      %dma_wait3A_1007 = arith.constant 600448 : i32
      %dma_wait3A_1008 = tpu.memref_slice %arg10[%dma_wait3A_1007] : memref<1601536xf32, #tpu.memory_space<vmem_shared>> -> memref<128xf32, #tpu.memory_space<vmem_shared>>
      %dma_wait3A_1009 = arith.constant 0 : i32
      %dma_wait3A_1010 = tpu.memref_slice %arg9[%dma_wait3A_1001, %dma_wait3A_1009] : memref<192x128xf32, #tpu.memory_space<vmem>> -> memref<1x128xf32, #tpu.memory_space<vmem>>
      %dma_wait3A_1011 = tpu.memref_squeeze %dma_wait3A_1010 : memref<1x128xf32, #tpu.memory_space<vmem>> -> memref<128xf32, #tpu.memory_space<vmem>>
      tpu.wait_dma2 semaphore(%arg12 : memref<!tpu.dma_semaphore, #tpu.memory_space<semaphore_mem>>) src(%dma_wait3A_1011 : memref<128xf32, #tpu.memory_space<vmem>>) dst(%dma_wait3A_1008 : memref<128xf32, #tpu.memory_space<vmem_shared>>)
      %dma_wait3A_1012 = arith.constant 6 : i32
      %dma_wait3A_1013 = arith.constant 0 : i32
      %dma_wait3A_1014 = tpu.memref_slice %arg9[%dma_wait3A_1012, %dma_wait3A_1013] : memref<192x128xf32, #tpu.memory_space<vmem>> -> memref<1x128xf32, #tpu.memory_space<vmem>>
      %dma_wait3A_1015 = tpu.memref_squeeze %dma_wait3A_1014 : memref<1x128xf32, #tpu.memory_space<vmem>> -> memref<128xf32, #tpu.memory_space<vmem>>
      %dma_wait3A_1016 = arith.constant 700544 : i32
      %dma_wait3A_1017 = tpu.memref_slice %arg10[%dma_wait3A_1016] : memref<1601536xf32, #tpu.memory_space<vmem_shared>> -> memref<128xf32, #tpu.memory_space<vmem_shared>>
      %dma_wait3A_1018 = arith.constant 700544 : i32
      %dma_wait3A_1019 = tpu.memref_slice %arg10[%dma_wait3A_1018] : memref<1601536xf32, #tpu.memory_space<vmem_shared>> -> memref<128xf32, #tpu.memory_space<vmem_shared>>
      %dma_wait3A_1020 = arith.constant 0 : i32
      %dma_wait3A_1021 = tpu.memref_slice %arg9[%dma_wait3A_1012, %dma_wait3A_1020] : memref<192x128xf32, #tpu.memory_space<vmem>> -> memref<1x128xf32, #tpu.memory_space<vmem>>
      %dma_wait3A_1022 = tpu.memref_squeeze %dma_wait3A_1021 : memref<1x128xf32, #tpu.memory_space<vmem>> -> memref<128xf32, #tpu.memory_space<vmem>>
      tpu.wait_dma2 semaphore(%arg12 : memref<!tpu.dma_semaphore, #tpu.memory_space<semaphore_mem>>) src(%dma_wait3A_1022 : memref<128xf32, #tpu.memory_space<vmem>>) dst(%dma_wait3A_1019 : memref<128xf32, #tpu.memory_space<vmem_shared>>)
      %dma_wait3A_1023 = arith.constant 7 : i32
      %dma_wait3A_1024 = arith.constant 0 : i32
      %dma_wait3A_1025 = tpu.memref_slice %arg9[%dma_wait3A_1023, %dma_wait3A_1024] : memref<192x128xf32, #tpu.memory_space<vmem>> -> memref<1x128xf32, #tpu.memory_space<vmem>>
      %dma_wait3A_1026 = tpu.memref_squeeze %dma_wait3A_1025 : memref<1x128xf32, #tpu.memory_space<vmem>> -> memref<128xf32, #tpu.memory_space<vmem>>
      %dma_wait3A_1027 = arith.constant 800640 : i32
      %dma_wait3A_1028 = tpu.memref_slice %arg10[%dma_wait3A_1027] : memref<1601536xf32, #tpu.memory_space<vmem_shared>> -> memref<128xf32, #tpu.memory_space<vmem_shared>>
      %dma_wait3A_1029 = arith.constant 800640 : i32
      %dma_wait3A_1030 = tpu.memref_slice %arg10[%dma_wait3A_1029] : memref<1601536xf32, #tpu.memory_space<vmem_shared>> -> memref<128xf32, #tpu.memory_space<vmem_shared>>
      %dma_wait3A_1031 = arith.constant 0 : i32
      %dma_wait3A_1032 = tpu.memref_slice %arg9[%dma_wait3A_1023, %dma_wait3A_1031] : memref<192x128xf32, #tpu.memory_space<vmem>> -> memref<1x128xf32, #tpu.memory_space<vmem>>
      %dma_wait3A_1033 = tpu.memref_squeeze %dma_wait3A_1032 : memref<1x128xf32, #tpu.memory_space<vmem>> -> memref<128xf32, #tpu.memory_space<vmem>>
      tpu.wait_dma2 semaphore(%arg12 : memref<!tpu.dma_semaphore, #tpu.memory_space<semaphore_mem>>) src(%dma_wait3A_1033 : memref<128xf32, #tpu.memory_space<vmem>>) dst(%dma_wait3A_1030 : memref<128xf32, #tpu.memory_space<vmem_shared>>)
    } else {
    }
    %eq3A_374 = arith.constant 1 : i32
    %eq3A_375 = arith.cmpi eq, %arg1, %eq3A_374 : i32
    %convert_element_type3A_376 = arith.extui %eq3A_375 : i1 to i32
    %cond3A_377 = arith.constant 0 : i32
    %cond3A_378 = arith.cmpi ne, %convert_element_type3A_376, %cond3A_377 : i32
    scf.if %cond3A_378 {
      "tpu.region"() ({
        %run_scoped3A = tpu.sem_alloc : memref<!tpu.dma_semaphore, #tpu.memory_space<semaphore_mem>>
        %dma_start3A_1034 = arith.constant 0 : i32
        %dma_start3A_1035 = arith.constant 0 : i32
        %dma_start3A_1036 = tpu.memref_slice %arg9[%dma_start3A_1034, %dma_start3A_1035] : memref<192x128xf32, #tpu.memory_space<vmem>> -> memref<8x128xf32, #tpu.memory_space<vmem>>
        %dma_start3A_1037 = arith.constant 8 : i32
        %dma_start3A_1038 = arith.constant 0 : i32
        %dma_start3A_1039 = tpu.memref_slice %arg4[%dma_start3A_1037, %dma_start3A_1038] : memref<16x128xf32, #tpu.memory_space<hbm>> -> memref<8x128xf32, #tpu.memory_space<hbm>>
        %dma_start3A_1040 = arith.constant 0 : i32
        %dma_start3A_1041 = arith.constant 0 : i32
        %dma_start3A_1042 = tpu.memref_slice %arg9[%dma_start3A_1040, %dma_start3A_1041] : memref<192x128xf32, #tpu.memory_space<vmem>> -> memref<8x128xf32, #tpu.memory_space<vmem>>
        %dma_start3A_1043 = arith.constant 8 : i32
        %dma_start3A_1044 = arith.constant 0 : i32
        %dma_start3A_1045 = tpu.memref_slice %arg4[%dma_start3A_1043, %dma_start3A_1044] : memref<16x128xf32, #tpu.memory_space<hbm>> -> memref<8x128xf32, #tpu.memory_space<hbm>>
        tpu.enqueue_dma source(%dma_start3A_1045 : memref<8x128xf32, #tpu.memory_space<hbm>>) target(%dma_start3A_1042 : memref<8x128xf32, #tpu.memory_space<vmem>>) target_semaphore(%run_scoped3A : memref<!tpu.dma_semaphore, #tpu.memory_space<semaphore_mem>>)
        %dma_wait3A_1046 = arith.constant 0 : i32
        %dma_wait3A_1047 = arith.constant 0 : i32
        %dma_wait3A_1048 = tpu.memref_slice %arg9[%dma_wait3A_1046, %dma_wait3A_1047] : memref<192x128xf32, #tpu.memory_space<vmem>> -> memref<8x128xf32, #tpu.memory_space<vmem>>
        %dma_wait3A_1049 = arith.constant 8 : i32
        %dma_wait3A_1050 = arith.constant 0 : i32
        %dma_wait3A_1051 = tpu.memref_slice %arg4[%dma_wait3A_1049, %dma_wait3A_1050] : memref<16x128xf32, #tpu.memory_space<hbm>> -> memref<8x128xf32, #tpu.memory_space<hbm>>
        %dma_wait3A_1052 = arith.constant 0 : i32
        %dma_wait3A_1053 = arith.constant 0 : i32
        %dma_wait3A_1054 = tpu.memref_slice %arg9[%dma_wait3A_1052, %dma_wait3A_1053] : memref<192x128xf32, #tpu.memory_space<vmem>> -> memref<8x128xf32, #tpu.memory_space<vmem>>
        %dma_wait3A_1055 = arith.constant 8 : i32
        %dma_wait3A_1056 = arith.constant 0 : i32
        %dma_wait3A_1057 = tpu.memref_slice %arg4[%dma_wait3A_1055, %dma_wait3A_1056] : memref<16x128xf32, #tpu.memory_space<hbm>> -> memref<8x128xf32, #tpu.memory_space<hbm>>
        tpu.wait_dma2 semaphore(%run_scoped3A : memref<!tpu.dma_semaphore, #tpu.memory_space<semaphore_mem>>) src(%dma_wait3A_1057 : memref<8x128xf32, #tpu.memory_space<hbm>>) dst(%dma_wait3A_1054 : memref<8x128xf32, #tpu.memory_space<vmem>>)
        tpu.yield
      }) : () -> ()
      %dma_start3A_858 = arith.constant 0 : i32
      %dma_start3A_859 = arith.constant 0 : i32
      %dma_start3A_860 = tpu.memref_slice %arg9[%dma_start3A_858, %dma_start3A_859] : memref<192x128xf32, #tpu.memory_space<vmem>> -> memref<1x128xf32, #tpu.memory_space<vmem>>
      %dma_start3A_861 = tpu.memref_squeeze %dma_start3A_860 : memref<1x128xf32, #tpu.memory_space<vmem>> -> memref<128xf32, #tpu.memory_space<vmem>>
      %dma_start3A_862 = arith.constant 900736 : i32
      %dma_start3A_863 = tpu.memref_slice %arg10[%dma_start3A_862] : memref<1601536xf32, #tpu.memory_space<vmem_shared>> -> memref<128xf32, #tpu.memory_space<vmem_shared>>
      %dma_start3A_864 = arith.constant 900736 : i32
      %dma_start3A_865 = tpu.memref_slice %arg10[%dma_start3A_864] : memref<1601536xf32, #tpu.memory_space<vmem_shared>> -> memref<128xf32, #tpu.memory_space<vmem_shared>>
      %dma_start3A_866 = arith.constant 0 : i32
      %dma_start3A_867 = tpu.memref_slice %arg9[%dma_start3A_858, %dma_start3A_866] : memref<192x128xf32, #tpu.memory_space<vmem>> -> memref<1x128xf32, #tpu.memory_space<vmem>>
      %dma_start3A_868 = tpu.memref_squeeze %dma_start3A_867 : memref<1x128xf32, #tpu.memory_space<vmem>> -> memref<128xf32, #tpu.memory_space<vmem>>
      tpu.enqueue_dma source(%dma_start3A_868 : memref<128xf32, #tpu.memory_space<vmem>>) target(%dma_start3A_865 : memref<128xf32, #tpu.memory_space<vmem_shared>>) target_semaphore(%arg12 : memref<!tpu.dma_semaphore, #tpu.memory_space<semaphore_mem>>)
      %dma_start3A_869 = arith.constant 1 : i32
      %dma_start3A_870 = arith.constant 0 : i32
      %dma_start3A_871 = tpu.memref_slice %arg9[%dma_start3A_869, %dma_start3A_870] : memref<192x128xf32, #tpu.memory_space<vmem>> -> memref<1x128xf32, #tpu.memory_space<vmem>>
      %dma_start3A_872 = tpu.memref_squeeze %dma_start3A_871 : memref<1x128xf32, #tpu.memory_space<vmem>> -> memref<128xf32, #tpu.memory_space<vmem>>
      %dma_start3A_873 = arith.constant 1000832 : i32
      %dma_start3A_874 = tpu.memref_slice %arg10[%dma_start3A_873] : memref<1601536xf32, #tpu.memory_space<vmem_shared>> -> memref<128xf32, #tpu.memory_space<vmem_shared>>
      %dma_start3A_875 = arith.constant 1000832 : i32
      %dma_start3A_876 = tpu.memref_slice %arg10[%dma_start3A_875] : memref<1601536xf32, #tpu.memory_space<vmem_shared>> -> memref<128xf32, #tpu.memory_space<vmem_shared>>
      %dma_start3A_877 = arith.constant 0 : i32
      %dma_start3A_878 = tpu.memref_slice %arg9[%dma_start3A_869, %dma_start3A_877] : memref<192x128xf32, #tpu.memory_space<vmem>> -> memref<1x128xf32, #tpu.memory_space<vmem>>
      %dma_start3A_879 = tpu.memref_squeeze %dma_start3A_878 : memref<1x128xf32, #tpu.memory_space<vmem>> -> memref<128xf32, #tpu.memory_space<vmem>>
      tpu.enqueue_dma source(%dma_start3A_879 : memref<128xf32, #tpu.memory_space<vmem>>) target(%dma_start3A_876 : memref<128xf32, #tpu.memory_space<vmem_shared>>) target_semaphore(%arg12 : memref<!tpu.dma_semaphore, #tpu.memory_space<semaphore_mem>>)
      %dma_start3A_880 = arith.constant 2 : i32
      %dma_start3A_881 = arith.constant 0 : i32
      %dma_start3A_882 = tpu.memref_slice %arg9[%dma_start3A_880, %dma_start3A_881] : memref<192x128xf32, #tpu.memory_space<vmem>> -> memref<1x128xf32, #tpu.memory_space<vmem>>
      %dma_start3A_883 = tpu.memref_squeeze %dma_start3A_882 : memref<1x128xf32, #tpu.memory_space<vmem>> -> memref<128xf32, #tpu.memory_space<vmem>>
      %dma_start3A_884 = arith.constant 1100928 : i32
      %dma_start3A_885 = tpu.memref_slice %arg10[%dma_start3A_884] : memref<1601536xf32, #tpu.memory_space<vmem_shared>> -> memref<128xf32, #tpu.memory_space<vmem_shared>>
      %dma_start3A_886 = arith.constant 1100928 : i32
      %dma_start3A_887 = tpu.memref_slice %arg10[%dma_start3A_886] : memref<1601536xf32, #tpu.memory_space<vmem_shared>> -> memref<128xf32, #tpu.memory_space<vmem_shared>>
      %dma_start3A_888 = arith.constant 0 : i32
      %dma_start3A_889 = tpu.memref_slice %arg9[%dma_start3A_880, %dma_start3A_888] : memref<192x128xf32, #tpu.memory_space<vmem>> -> memref<1x128xf32, #tpu.memory_space<vmem>>
      %dma_start3A_890 = tpu.memref_squeeze %dma_start3A_889 : memref<1x128xf32, #tpu.memory_space<vmem>> -> memref<128xf32, #tpu.memory_space<vmem>>
      tpu.enqueue_dma source(%dma_start3A_890 : memref<128xf32, #tpu.memory_space<vmem>>) target(%dma_start3A_887 : memref<128xf32, #tpu.memory_space<vmem_shared>>) target_semaphore(%arg12 : memref<!tpu.dma_semaphore, #tpu.memory_space<semaphore_mem>>)
      %dma_start3A_891 = arith.constant 3 : i32
      %dma_start3A_892 = arith.constant 0 : i32
      %dma_start3A_893 = tpu.memref_slice %arg9[%dma_start3A_891, %dma_start3A_892] : memref<192x128xf32, #tpu.memory_space<vmem>> -> memref<1x128xf32, #tpu.memory_space<vmem>>
      %dma_start3A_894 = tpu.memref_squeeze %dma_start3A_893 : memref<1x128xf32, #tpu.memory_space<vmem>> -> memref<128xf32, #tpu.memory_space<vmem>>
      %dma_start3A_895 = arith.constant 1201024 : i32
      %dma_start3A_896 = tpu.memref_slice %arg10[%dma_start3A_895] : memref<1601536xf32, #tpu.memory_space<vmem_shared>> -> memref<128xf32, #tpu.memory_space<vmem_shared>>
      %dma_start3A_897 = arith.constant 1201024 : i32
      %dma_start3A_898 = tpu.memref_slice %arg10[%dma_start3A_897] : memref<1601536xf32, #tpu.memory_space<vmem_shared>> -> memref<128xf32, #tpu.memory_space<vmem_shared>>
      %dma_start3A_899 = arith.constant 0 : i32
      %dma_start3A_900 = tpu.memref_slice %arg9[%dma_start3A_891, %dma_start3A_899] : memref<192x128xf32, #tpu.memory_space<vmem>> -> memref<1x128xf32, #tpu.memory_space<vmem>>
      %dma_start3A_901 = tpu.memref_squeeze %dma_start3A_900 : memref<1x128xf32, #tpu.memory_space<vmem>> -> memref<128xf32, #tpu.memory_space<vmem>>
      tpu.enqueue_dma source(%dma_start3A_901 : memref<128xf32, #tpu.memory_space<vmem>>) target(%dma_start3A_898 : memref<128xf32, #tpu.memory_space<vmem_shared>>) target_semaphore(%arg12 : memref<!tpu.dma_semaphore, #tpu.memory_space<semaphore_mem>>)
      %dma_start3A_902 = arith.constant 4 : i32
      %dma_start3A_903 = arith.constant 0 : i32
      %dma_start3A_904 = tpu.memref_slice %arg9[%dma_start3A_902, %dma_start3A_903] : memref<192x128xf32, #tpu.memory_space<vmem>> -> memref<1x128xf32, #tpu.memory_space<vmem>>
      %dma_start3A_905 = tpu.memref_squeeze %dma_start3A_904 : memref<1x128xf32, #tpu.memory_space<vmem>> -> memref<128xf32, #tpu.memory_space<vmem>>
      %dma_start3A_906 = arith.constant 1301120 : i32
      %dma_start3A_907 = tpu.memref_slice %arg10[%dma_start3A_906] : memref<1601536xf32, #tpu.memory_space<vmem_shared>> -> memref<128xf32, #tpu.memory_space<vmem_shared>>
      %dma_start3A_908 = arith.constant 1301120 : i32
      %dma_start3A_909 = tpu.memref_slice %arg10[%dma_start3A_908] : memref<1601536xf32, #tpu.memory_space<vmem_shared>> -> memref<128xf32, #tpu.memory_space<vmem_shared>>
      %dma_start3A_910 = arith.constant 0 : i32
      %dma_start3A_911 = tpu.memref_slice %arg9[%dma_start3A_902, %dma_start3A_910] : memref<192x128xf32, #tpu.memory_space<vmem>> -> memref<1x128xf32, #tpu.memory_space<vmem>>
      %dma_start3A_912 = tpu.memref_squeeze %dma_start3A_911 : memref<1x128xf32, #tpu.memory_space<vmem>> -> memref<128xf32, #tpu.memory_space<vmem>>
      tpu.enqueue_dma source(%dma_start3A_912 : memref<128xf32, #tpu.memory_space<vmem>>) target(%dma_start3A_909 : memref<128xf32, #tpu.memory_space<vmem_shared>>) target_semaphore(%arg12 : memref<!tpu.dma_semaphore, #tpu.memory_space<semaphore_mem>>)
      %dma_start3A_913 = arith.constant 5 : i32
      %dma_start3A_914 = arith.constant 0 : i32
      %dma_start3A_915 = tpu.memref_slice %arg9[%dma_start3A_913, %dma_start3A_914] : memref<192x128xf32, #tpu.memory_space<vmem>> -> memref<1x128xf32, #tpu.memory_space<vmem>>
      %dma_start3A_916 = tpu.memref_squeeze %dma_start3A_915 : memref<1x128xf32, #tpu.memory_space<vmem>> -> memref<128xf32, #tpu.memory_space<vmem>>
      %dma_start3A_917 = arith.constant 1401216 : i32
      %dma_start3A_918 = tpu.memref_slice %arg10[%dma_start3A_917] : memref<1601536xf32, #tpu.memory_space<vmem_shared>> -> memref<128xf32, #tpu.memory_space<vmem_shared>>
      %dma_start3A_919 = arith.constant 1401216 : i32
      %dma_start3A_920 = tpu.memref_slice %arg10[%dma_start3A_919] : memref<1601536xf32, #tpu.memory_space<vmem_shared>> -> memref<128xf32, #tpu.memory_space<vmem_shared>>
      %dma_start3A_921 = arith.constant 0 : i32
      %dma_start3A_922 = tpu.memref_slice %arg9[%dma_start3A_913, %dma_start3A_921] : memref<192x128xf32, #tpu.memory_space<vmem>> -> memref<1x128xf32, #tpu.memory_space<vmem>>
      %dma_start3A_923 = tpu.memref_squeeze %dma_start3A_922 : memref<1x128xf32, #tpu.memory_space<vmem>> -> memref<128xf32, #tpu.memory_space<vmem>>
      tpu.enqueue_dma source(%dma_start3A_923 : memref<128xf32, #tpu.memory_space<vmem>>) target(%dma_start3A_920 : memref<128xf32, #tpu.memory_space<vmem_shared>>) target_semaphore(%arg12 : memref<!tpu.dma_semaphore, #tpu.memory_space<semaphore_mem>>)
      %dma_start3A_924 = arith.constant 6 : i32
      %dma_start3A_925 = arith.constant 0 : i32
      %dma_start3A_926 = tpu.memref_slice %arg9[%dma_start3A_924, %dma_start3A_925] : memref<192x128xf32, #tpu.memory_space<vmem>> -> memref<1x128xf32, #tpu.memory_space<vmem>>
      %dma_start3A_927 = tpu.memref_squeeze %dma_start3A_926 : memref<1x128xf32, #tpu.memory_space<vmem>> -> memref<128xf32, #tpu.memory_space<vmem>>
      %dma_start3A_928 = arith.constant 1501312 : i32
      %dma_start3A_929 = tpu.memref_slice %arg10[%dma_start3A_928] : memref<1601536xf32, #tpu.memory_space<vmem_shared>> -> memref<128xf32, #tpu.memory_space<vmem_shared>>
      %dma_start3A_930 = arith.constant 1501312 : i32
      %dma_start3A_931 = tpu.memref_slice %arg10[%dma_start3A_930] : memref<1601536xf32, #tpu.memory_space<vmem_shared>> -> memref<128xf32, #tpu.memory_space<vmem_shared>>
      %dma_start3A_932 = arith.constant 0 : i32
      %dma_start3A_933 = tpu.memref_slice %arg9[%dma_start3A_924, %dma_start3A_932] : memref<192x128xf32, #tpu.memory_space<vmem>> -> memref<1x128xf32, #tpu.memory_space<vmem>>
      %dma_start3A_934 = tpu.memref_squeeze %dma_start3A_933 : memref<1x128xf32, #tpu.memory_space<vmem>> -> memref<128xf32, #tpu.memory_space<vmem>>
      tpu.enqueue_dma source(%dma_start3A_934 : memref<128xf32, #tpu.memory_space<vmem>>) target(%dma_start3A_931 : memref<128xf32, #tpu.memory_space<vmem_shared>>) target_semaphore(%arg12 : memref<!tpu.dma_semaphore, #tpu.memory_space<semaphore_mem>>)
      %dma_start3A_935 = arith.constant 7 : i32
      %dma_start3A_936 = arith.constant 0 : i32
      %dma_start3A_937 = tpu.memref_slice %arg9[%dma_start3A_935, %dma_start3A_936] : memref<192x128xf32, #tpu.memory_space<vmem>> -> memref<1x128xf32, #tpu.memory_space<vmem>>
      %dma_start3A_938 = tpu.memref_squeeze %dma_start3A_937 : memref<1x128xf32, #tpu.memory_space<vmem>> -> memref<128xf32, #tpu.memory_space<vmem>>
      %dma_start3A_939 = arith.constant 1601408 : i32
      %dma_start3A_940 = tpu.memref_slice %arg10[%dma_start3A_939] : memref<1601536xf32, #tpu.memory_space<vmem_shared>> -> memref<128xf32, #tpu.memory_space<vmem_shared>>
      %dma_start3A_941 = arith.constant 1601408 : i32
      %dma_start3A_942 = tpu.memref_slice %arg10[%dma_start3A_941] : memref<1601536xf32, #tpu.memory_space<vmem_shared>> -> memref<128xf32, #tpu.memory_space<vmem_shared>>
      %dma_start3A_943 = arith.constant 0 : i32
      %dma_start3A_944 = tpu.memref_slice %arg9[%dma_start3A_935, %dma_start3A_943] : memref<192x128xf32, #tpu.memory_space<vmem>> -> memref<1x128xf32, #tpu.memory_space<vmem>>
      %dma_start3A_945 = tpu.memref_squeeze %dma_start3A_944 : memref<1x128xf32, #tpu.memory_space<vmem>> -> memref<128xf32, #tpu.memory_space<vmem>>
      tpu.enqueue_dma source(%dma_start3A_945 : memref<128xf32, #tpu.memory_space<vmem>>) target(%dma_start3A_942 : memref<128xf32, #tpu.memory_space<vmem_shared>>) target_semaphore(%arg12 : memref<!tpu.dma_semaphore, #tpu.memory_space<semaphore_mem>>)
      %dma_wait3A_946 = arith.constant 0 : i32
      %dma_wait3A_947 = arith.constant 0 : i32
      %dma_wait3A_948 = tpu.memref_slice %arg9[%dma_wait3A_946, %dma_wait3A_947] : memref<192x128xf32, #tpu.memory_space<vmem>> -> memref<1x128xf32, #tpu.memory_space<vmem>>
      %dma_wait3A_949 = tpu.memref_squeeze %dma_wait3A_948 : memref<1x128xf32, #tpu.memory_space<vmem>> -> memref<128xf32, #tpu.memory_space<vmem>>
      %dma_wait3A_950 = arith.constant 900736 : i32
      %dma_wait3A_951 = tpu.memref_slice %arg10[%dma_wait3A_950] : memref<1601536xf32, #tpu.memory_space<vmem_shared>> -> memref<128xf32, #tpu.memory_space<vmem_shared>>
      %dma_wait3A_952 = arith.constant 900736 : i32
      %dma_wait3A_953 = tpu.memref_slice %arg10[%dma_wait3A_952] : memref<1601536xf32, #tpu.memory_space<vmem_shared>> -> memref<128xf32, #tpu.memory_space<vmem_shared>>
      %dma_wait3A_954 = arith.constant 0 : i32
      %dma_wait3A_955 = tpu.memref_slice %arg9[%dma_wait3A_946, %dma_wait3A_954] : memref<192x128xf32, #tpu.memory_space<vmem>> -> memref<1x128xf32, #tpu.memory_space<vmem>>
      %dma_wait3A_956 = tpu.memref_squeeze %dma_wait3A_955 : memref<1x128xf32, #tpu.memory_space<vmem>> -> memref<128xf32, #tpu.memory_space<vmem>>
      tpu.wait_dma2 semaphore(%arg12 : memref<!tpu.dma_semaphore, #tpu.memory_space<semaphore_mem>>) src(%dma_wait3A_956 : memref<128xf32, #tpu.memory_space<vmem>>) dst(%dma_wait3A_953 : memref<128xf32, #tpu.memory_space<vmem_shared>>)
      %dma_wait3A_957 = arith.constant 1 : i32
      %dma_wait3A_958 = arith.constant 0 : i32
      %dma_wait3A_959 = tpu.memref_slice %arg9[%dma_wait3A_957, %dma_wait3A_958] : memref<192x128xf32, #tpu.memory_space<vmem>> -> memref<1x128xf32, #tpu.memory_space<vmem>>
      %dma_wait3A_960 = tpu.memref_squeeze %dma_wait3A_959 : memref<1x128xf32, #tpu.memory_space<vmem>> -> memref<128xf32, #tpu.memory_space<vmem>>
      %dma_wait3A_961 = arith.constant 1000832 : i32
      %dma_wait3A_962 = tpu.memref_slice %arg10[%dma_wait3A_961] : memref<1601536xf32, #tpu.memory_space<vmem_shared>> -> memref<128xf32, #tpu.memory_space<vmem_shared>>
      %dma_wait3A_963 = arith.constant 1000832 : i32
      %dma_wait3A_964 = tpu.memref_slice %arg10[%dma_wait3A_963] : memref<1601536xf32, #tpu.memory_space<vmem_shared>> -> memref<128xf32, #tpu.memory_space<vmem_shared>>
      %dma_wait3A_965 = arith.constant 0 : i32
      %dma_wait3A_966 = tpu.memref_slice %arg9[%dma_wait3A_957, %dma_wait3A_965] : memref<192x128xf32, #tpu.memory_space<vmem>> -> memref<1x128xf32, #tpu.memory_space<vmem>>
      %dma_wait3A_967 = tpu.memref_squeeze %dma_wait3A_966 : memref<1x128xf32, #tpu.memory_space<vmem>> -> memref<128xf32, #tpu.memory_space<vmem>>
      tpu.wait_dma2 semaphore(%arg12 : memref<!tpu.dma_semaphore, #tpu.memory_space<semaphore_mem>>) src(%dma_wait3A_967 : memref<128xf32, #tpu.memory_space<vmem>>) dst(%dma_wait3A_964 : memref<128xf32, #tpu.memory_space<vmem_shared>>)
      %dma_wait3A_968 = arith.constant 2 : i32
      %dma_wait3A_969 = arith.constant 0 : i32
      %dma_wait3A_970 = tpu.memref_slice %arg9[%dma_wait3A_968, %dma_wait3A_969] : memref<192x128xf32, #tpu.memory_space<vmem>> -> memref<1x128xf32, #tpu.memory_space<vmem>>
      %dma_wait3A_971 = tpu.memref_squeeze %dma_wait3A_970 : memref<1x128xf32, #tpu.memory_space<vmem>> -> memref<128xf32, #tpu.memory_space<vmem>>
      %dma_wait3A_972 = arith.constant 1100928 : i32
      %dma_wait3A_973 = tpu.memref_slice %arg10[%dma_wait3A_972] : memref<1601536xf32, #tpu.memory_space<vmem_shared>> -> memref<128xf32, #tpu.memory_space<vmem_shared>>
      %dma_wait3A_974 = arith.constant 1100928 : i32
      %dma_wait3A_975 = tpu.memref_slice %arg10[%dma_wait3A_974] : memref<1601536xf32, #tpu.memory_space<vmem_shared>> -> memref<128xf32, #tpu.memory_space<vmem_shared>>
      %dma_wait3A_976 = arith.constant 0 : i32
      %dma_wait3A_977 = tpu.memref_slice %arg9[%dma_wait3A_968, %dma_wait3A_976] : memref<192x128xf32, #tpu.memory_space<vmem>> -> memref<1x128xf32, #tpu.memory_space<vmem>>
      %dma_wait3A_978 = tpu.memref_squeeze %dma_wait3A_977 : memref<1x128xf32, #tpu.memory_space<vmem>> -> memref<128xf32, #tpu.memory_space<vmem>>
      tpu.wait_dma2 semaphore(%arg12 : memref<!tpu.dma_semaphore, #tpu.memory_space<semaphore_mem>>) src(%dma_wait3A_978 : memref<128xf32, #tpu.memory_space<vmem>>) dst(%dma_wait3A_975 : memref<128xf32, #tpu.memory_space<vmem_shared>>)
      %dma_wait3A_979 = arith.constant 3 : i32
      %dma_wait3A_980 = arith.constant 0 : i32
      %dma_wait3A_981 = tpu.memref_slice %arg9[%dma_wait3A_979, %dma_wait3A_980] : memref<192x128xf32, #tpu.memory_space<vmem>> -> memref<1x128xf32, #tpu.memory_space<vmem>>
      %dma_wait3A_982 = tpu.memref_squeeze %dma_wait3A_981 : memref<1x128xf32, #tpu.memory_space<vmem>> -> memref<128xf32, #tpu.memory_space<vmem>>
      %dma_wait3A_983 = arith.constant 1201024 : i32
      %dma_wait3A_984 = tpu.memref_slice %arg10[%dma_wait3A_983] : memref<1601536xf32, #tpu.memory_space<vmem_shared>> -> memref<128xf32, #tpu.memory_space<vmem_shared>>
      %dma_wait3A_985 = arith.constant 1201024 : i32
      %dma_wait3A_986 = tpu.memref_slice %arg10[%dma_wait3A_985] : memref<1601536xf32, #tpu.memory_space<vmem_shared>> -> memref<128xf32, #tpu.memory_space<vmem_shared>>
      %dma_wait3A_987 = arith.constant 0 : i32
      %dma_wait3A_988 = tpu.memref_slice %arg9[%dma_wait3A_979, %dma_wait3A_987] : memref<192x128xf32, #tpu.memory_space<vmem>> -> memref<1x128xf32, #tpu.memory_space<vmem>>
      %dma_wait3A_989 = tpu.memref_squeeze %dma_wait3A_988 : memref<1x128xf32, #tpu.memory_space<vmem>> -> memref<128xf32, #tpu.memory_space<vmem>>
      tpu.wait_dma2 semaphore(%arg12 : memref<!tpu.dma_semaphore, #tpu.memory_space<semaphore_mem>>) src(%dma_wait3A_989 : memref<128xf32, #tpu.memory_space<vmem>>) dst(%dma_wait3A_986 : memref<128xf32, #tpu.memory_space<vmem_shared>>)
      %dma_wait3A_990 = arith.constant 4 : i32
      %dma_wait3A_991 = arith.constant 0 : i32
      %dma_wait3A_992 = tpu.memref_slice %arg9[%dma_wait3A_990, %dma_wait3A_991] : memref<192x128xf32, #tpu.memory_space<vmem>> -> memref<1x128xf32, #tpu.memory_space<vmem>>
      %dma_wait3A_993 = tpu.memref_squeeze %dma_wait3A_992 : memref<1x128xf32, #tpu.memory_space<vmem>> -> memref<128xf32, #tpu.memory_space<vmem>>
      %dma_wait3A_994 = arith.constant 1301120 : i32
      %dma_wait3A_995 = tpu.memref_slice %arg10[%dma_wait3A_994] : memref<1601536xf32, #tpu.memory_space<vmem_shared>> -> memref<128xf32, #tpu.memory_space<vmem_shared>>
      %dma_wait3A_996 = arith.constant 1301120 : i32
      %dma_wait3A_997 = tpu.memref_slice %arg10[%dma_wait3A_996] : memref<1601536xf32, #tpu.memory_space<vmem_shared>> -> memref<128xf32, #tpu.memory_space<vmem_shared>>
      %dma_wait3A_998 = arith.constant 0 : i32
      %dma_wait3A_999 = tpu.memref_slice %arg9[%dma_wait3A_990, %dma_wait3A_998] : memref<192x128xf32, #tpu.memory_space<vmem>> -> memref<1x128xf32, #tpu.memory_space<vmem>>
      %dma_wait3A_1000 = tpu.memref_squeeze %dma_wait3A_999 : memref<1x128xf32, #tpu.memory_space<vmem>> -> memref<128xf32, #tpu.memory_space<vmem>>
      tpu.wait_dma2 semaphore(%arg12 : memref<!tpu.dma_semaphore, #tpu.memory_space<semaphore_mem>>) src(%dma_wait3A_1000 : memref<128xf32, #tpu.memory_space<vmem>>) dst(%dma_wait3A_997 : memref<128xf32, #tpu.memory_space<vmem_shared>>)
      %dma_wait3A_1001 = arith.constant 5 : i32
      %dma_wait3A_1002 = arith.constant 0 : i32
      %dma_wait3A_1003 = tpu.memref_slice %arg9[%dma_wait3A_1001, %dma_wait3A_1002] : memref<192x128xf32, #tpu.memory_space<vmem>> -> memref<1x128xf32, #tpu.memory_space<vmem>>
      %dma_wait3A_1004 = tpu.memref_squeeze %dma_wait3A_1003 : memref<1x128xf32, #tpu.memory_space<vmem>> -> memref<128xf32, #tpu.memory_space<vmem>>
      %dma_wait3A_1005 = arith.constant 1401216 : i32
      %dma_wait3A_1006 = tpu.memref_slice %arg10[%dma_wait3A_1005] : memref<1601536xf32, #tpu.memory_space<vmem_shared>> -> memref<128xf32, #tpu.memory_space<vmem_shared>>
      %dma_wait3A_1007 = arith.constant 1401216 : i32
      %dma_wait3A_1008 = tpu.memref_slice %arg10[%dma_wait3A_1007] : memref<1601536xf32, #tpu.memory_space<vmem_shared>> -> memref<128xf32, #tpu.memory_space<vmem_shared>>
      %dma_wait3A_1009 = arith.constant 0 : i32
      %dma_wait3A_1010 = tpu.memref_slice %arg9[%dma_wait3A_1001, %dma_wait3A_1009] : memref<192x128xf32, #tpu.memory_space<vmem>> -> memref<1x128xf32, #tpu.memory_space<vmem>>
      %dma_wait3A_1011 = tpu.memref_squeeze %dma_wait3A_1010 : memref<1x128xf32, #tpu.memory_space<vmem>> -> memref<128xf32, #tpu.memory_space<vmem>>
      tpu.wait_dma2 semaphore(%arg12 : memref<!tpu.dma_semaphore, #tpu.memory_space<semaphore_mem>>) src(%dma_wait3A_1011 : memref<128xf32, #tpu.memory_space<vmem>>) dst(%dma_wait3A_1008 : memref<128xf32, #tpu.memory_space<vmem_shared>>)
      %dma_wait3A_1012 = arith.constant 6 : i32
      %dma_wait3A_1013 = arith.constant 0 : i32
      %dma_wait3A_1014 = tpu.memref_slice %arg9[%dma_wait3A_1012, %dma_wait3A_1013] : memref<192x128xf32, #tpu.memory_space<vmem>> -> memref<1x128xf32, #tpu.memory_space<vmem>>
      %dma_wait3A_1015 = tpu.memref_squeeze %dma_wait3A_1014 : memref<1x128xf32, #tpu.memory_space<vmem>> -> memref<128xf32, #tpu.memory_space<vmem>>
      %dma_wait3A_1016 = arith.constant 1501312 : i32
      %dma_wait3A_1017 = tpu.memref_slice %arg10[%dma_wait3A_1016] : memref<1601536xf32, #tpu.memory_space<vmem_shared>> -> memref<128xf32, #tpu.memory_space<vmem_shared>>
      %dma_wait3A_1018 = arith.constant 1501312 : i32
      %dma_wait3A_1019 = tpu.memref_slice %arg10[%dma_wait3A_1018] : memref<1601536xf32, #tpu.memory_space<vmem_shared>> -> memref<128xf32, #tpu.memory_space<vmem_shared>>
      %dma_wait3A_1020 = arith.constant 0 : i32
      %dma_wait3A_1021 = tpu.memref_slice %arg9[%dma_wait3A_1012, %dma_wait3A_1020] : memref<192x128xf32, #tpu.memory_space<vmem>> -> memref<1x128xf32, #tpu.memory_space<vmem>>
      %dma_wait3A_1022 = tpu.memref_squeeze %dma_wait3A_1021 : memref<1x128xf32, #tpu.memory_space<vmem>> -> memref<128xf32, #tpu.memory_space<vmem>>
      tpu.wait_dma2 semaphore(%arg12 : memref<!tpu.dma_semaphore, #tpu.memory_space<semaphore_mem>>) src(%dma_wait3A_1022 : memref<128xf32, #tpu.memory_space<vmem>>) dst(%dma_wait3A_1019 : memref<128xf32, #tpu.memory_space<vmem_shared>>)
      %dma_wait3A_1023 = arith.constant 7 : i32
      %dma_wait3A_1024 = arith.constant 0 : i32
      %dma_wait3A_1025 = tpu.memref_slice %arg9[%dma_wait3A_1023, %dma_wait3A_1024] : memref<192x128xf32, #tpu.memory_space<vmem>> -> memref<1x128xf32, #tpu.memory_space<vmem>>
      %dma_wait3A_1026 = tpu.memref_squeeze %dma_wait3A_1025 : memref<1x128xf32, #tpu.memory_space<vmem>> -> memref<128xf32, #tpu.memory_space<vmem>>
      %dma_wait3A_1027 = arith.constant 1601408 : i32
      %dma_wait3A_1028 = tpu.memref_slice %arg10[%dma_wait3A_1027] : memref<1601536xf32, #tpu.memory_space<vmem_shared>> -> memref<128xf32, #tpu.memory_space<vmem_shared>>
      %dma_wait3A_1029 = arith.constant 1601408 : i32
      %dma_wait3A_1030 = tpu.memref_slice %arg10[%dma_wait3A_1029] : memref<1601536xf32, #tpu.memory_space<vmem_shared>> -> memref<128xf32, #tpu.memory_space<vmem_shared>>
      %dma_wait3A_1031 = arith.constant 0 : i32
      %dma_wait3A_1032 = tpu.memref_slice %arg9[%dma_wait3A_1023, %dma_wait3A_1031] : memref<192x128xf32, #tpu.memory_space<vmem>> -> memref<1x128xf32, #tpu.memory_space<vmem>>
      %dma_wait3A_1033 = tpu.memref_squeeze %dma_wait3A_1032 : memref<1x128xf32, #tpu.memory_space<vmem>> -> memref<128xf32, #tpu.memory_space<vmem>>
      tpu.wait_dma2 semaphore(%arg12 : memref<!tpu.dma_semaphore, #tpu.memory_space<semaphore_mem>>) src(%dma_wait3A_1033 : memref<128xf32, #tpu.memory_space<vmem>>) dst(%dma_wait3A_1030 : memref<128xf32, #tpu.memory_space<vmem_shared>>)
    } else {
    }
    %barrier3A = arith.constant 0 : index
    tpu.barrier barrier_id(%barrier3A)
    %dma_start3A = arith.constant 0 : i32
    %dma_start3A_379 = tpu.memref_slice %arg7[%dma_start3A] : memref<2048xf32, #tpu.memory_space<vmem>> -> memref<512xf32, #tpu.memory_space<vmem>>
    %dma_start3A_380 = arith.constant 0 : i32
    %dma_start3A_381 = tpu.memref_slice %arg10[%dma_start3A_380] : memref<1601536xf32, #tpu.memory_space<vmem_shared>> -> memref<100096xf32, #tpu.memory_space<vmem_shared>>
    %dma_start3A_382 = arith.constant 0 : i32
    %dma_start3A_383 = tpu.memref_slice %dma_start3A_381[%dma_start3A_382] : memref<100096xf32, #tpu.memory_space<vmem_shared>> -> memref<100096xf32, #tpu.memory_space<vmem_shared>>
    tpu.enqueue_indirect_dma source(%dma_start3A_383 : memref<100096xf32, #tpu.memory_space<vmem_shared>>) target(%dma_start3A_379 : memref<512xf32, #tpu.memory_space<vmem>>) offsets(%arg6 : memref<512xi32, #tpu.memory_space<vmem>>) semaphore(%arg13 : memref<!tpu.dma_semaphore, #tpu.memory_space<semaphore_mem>>)
    %dma_start3A_384 = arith.constant 512 : i32
    %dma_start3A_385 = tpu.memref_slice %arg7[%dma_start3A_384] : memref<2048xf32, #tpu.memory_space<vmem>> -> memref<512xf32, #tpu.memory_space<vmem>>
    %dma_start3A_386 = arith.constant 100096 : i32
    %dma_start3A_387 = tpu.memref_slice %arg10[%dma_start3A_386] : memref<1601536xf32, #tpu.memory_space<vmem_shared>> -> memref<100096xf32, #tpu.memory_space<vmem_shared>>
    %dma_start3A_388 = arith.constant 0 : i32
    %dma_start3A_389 = tpu.memref_slice %dma_start3A_387[%dma_start3A_388] : memref<100096xf32, #tpu.memory_space<vmem_shared>> -> memref<100096xf32, #tpu.memory_space<vmem_shared>>
    tpu.enqueue_indirect_dma source(%dma_start3A_389 : memref<100096xf32, #tpu.memory_space<vmem_shared>>) target(%dma_start3A_385 : memref<512xf32, #tpu.memory_space<vmem>>) offsets(%arg6 : memref<512xi32, #tpu.memory_space<vmem>>) semaphore(%arg13 : memref<!tpu.dma_semaphore, #tpu.memory_space<semaphore_mem>>)
    %dma_start3A_390 = arith.constant 1024 : i32
    %dma_start3A_391 = tpu.memref_slice %arg7[%dma_start3A_390] : memref<2048xf32, #tpu.memory_space<vmem>> -> memref<512xf32, #tpu.memory_space<vmem>>
    %dma_start3A_392 = arith.constant 200192 : i32
    %dma_start3A_393 = tpu.memref_slice %arg10[%dma_start3A_392] : memref<1601536xf32, #tpu.memory_space<vmem_shared>> -> memref<100096xf32, #tpu.memory_space<vmem_shared>>
    %dma_start3A_394 = arith.constant 0 : i32
    %dma_start3A_395 = tpu.memref_slice %dma_start3A_393[%dma_start3A_394] : memref<100096xf32, #tpu.memory_space<vmem_shared>> -> memref<100096xf32, #tpu.memory_space<vmem_shared>>
    tpu.enqueue_indirect_dma source(%dma_start3A_395 : memref<100096xf32, #tpu.memory_space<vmem_shared>>) target(%dma_start3A_391 : memref<512xf32, #tpu.memory_space<vmem>>) offsets(%arg6 : memref<512xi32, #tpu.memory_space<vmem>>) semaphore(%arg13 : memref<!tpu.dma_semaphore, #tpu.memory_space<semaphore_mem>>)
    %dma_start3A_396 = arith.constant 1536 : i32
    %dma_start3A_397 = tpu.memref_slice %arg7[%dma_start3A_396] : memref<2048xf32, #tpu.memory_space<vmem>> -> memref<512xf32, #tpu.memory_space<vmem>>
    %dma_start3A_398 = arith.constant 300288 : i32
    %dma_start3A_399 = tpu.memref_slice %arg10[%dma_start3A_398] : memref<1601536xf32, #tpu.memory_space<vmem_shared>> -> memref<100096xf32, #tpu.memory_space<vmem_shared>>
    %dma_start3A_400 = arith.constant 0 : i32
    %dma_start3A_401 = tpu.memref_slice %dma_start3A_399[%dma_start3A_400] : memref<100096xf32, #tpu.memory_space<vmem_shared>> -> memref<100096xf32, #tpu.memory_space<vmem_shared>>
    tpu.enqueue_indirect_dma source(%dma_start3A_401 : memref<100096xf32, #tpu.memory_space<vmem_shared>>) target(%dma_start3A_397 : memref<512xf32, #tpu.memory_space<vmem>>) offsets(%arg6 : memref<512xi32, #tpu.memory_space<vmem>>) semaphore(%arg13 : memref<!tpu.dma_semaphore, #tpu.memory_space<semaphore_mem>>)
    %dma_wait3A_402 = arith.constant 0 : i32
    %dma_wait3A_403 = tpu.memref_slice %arg7[%dma_wait3A_402] : memref<2048xf32, #tpu.memory_space<vmem>> -> memref<512xf32, #tpu.memory_space<vmem>>
    %dma_wait3A_404 = arith.constant 0 : i32
    %dma_wait3A_405 = tpu.memref_slice %arg10[%dma_wait3A_404] : memref<1601536xf32, #tpu.memory_space<vmem_shared>> -> memref<100096xf32, #tpu.memory_space<vmem_shared>>
    %dma_wait3A_406 = arith.constant 0 : i32
    %dma_wait3A_407 = tpu.memref_slice %dma_wait3A_405[%dma_wait3A_406] : memref<100096xf32, #tpu.memory_space<vmem_shared>> -> memref<100096xf32, #tpu.memory_space<vmem_shared>>
    tpu.wait_indirect_dma semaphore(%arg13 : memref<!tpu.dma_semaphore, #tpu.memory_space<semaphore_mem>>) src(%dma_wait3A_407 : memref<100096xf32, #tpu.memory_space<vmem_shared>>) dst(%dma_wait3A_403 : memref<512xf32, #tpu.memory_space<vmem>>)
    %dma_wait3A_408 = arith.constant 512 : i32
    %dma_wait3A_409 = tpu.memref_slice %arg7[%dma_wait3A_408] : memref<2048xf32, #tpu.memory_space<vmem>> -> memref<512xf32, #tpu.memory_space<vmem>>
    %dma_wait3A_410 = arith.constant 100096 : i32
    %dma_wait3A_411 = tpu.memref_slice %arg10[%dma_wait3A_410] : memref<1601536xf32, #tpu.memory_space<vmem_shared>> -> memref<100096xf32, #tpu.memory_space<vmem_shared>>
    %dma_wait3A_412 = arith.constant 0 : i32
    %dma_wait3A_413 = tpu.memref_slice %dma_wait3A_411[%dma_wait3A_412] : memref<100096xf32, #tpu.memory_space<vmem_shared>> -> memref<100096xf32, #tpu.memory_space<vmem_shared>>
    tpu.wait_indirect_dma semaphore(%arg13 : memref<!tpu.dma_semaphore, #tpu.memory_space<semaphore_mem>>) src(%dma_wait3A_413 : memref<100096xf32, #tpu.memory_space<vmem_shared>>) dst(%dma_wait3A_409 : memref<512xf32, #tpu.memory_space<vmem>>)
    %dma_wait3A_414 = arith.constant 1024 : i32
    %dma_wait3A_415 = tpu.memref_slice %arg7[%dma_wait3A_414] : memref<2048xf32, #tpu.memory_space<vmem>> -> memref<512xf32, #tpu.memory_space<vmem>>
    %dma_wait3A_416 = arith.constant 200192 : i32
    %dma_wait3A_417 = tpu.memref_slice %arg10[%dma_wait3A_416] : memref<1601536xf32, #tpu.memory_space<vmem_shared>> -> memref<100096xf32, #tpu.memory_space<vmem_shared>>
    %dma_wait3A_418 = arith.constant 0 : i32
    %dma_wait3A_419 = tpu.memref_slice %dma_wait3A_417[%dma_wait3A_418] : memref<100096xf32, #tpu.memory_space<vmem_shared>> -> memref<100096xf32, #tpu.memory_space<vmem_shared>>
    tpu.wait_indirect_dma semaphore(%arg13 : memref<!tpu.dma_semaphore, #tpu.memory_space<semaphore_mem>>) src(%dma_wait3A_419 : memref<100096xf32, #tpu.memory_space<vmem_shared>>) dst(%dma_wait3A_415 : memref<512xf32, #tpu.memory_space<vmem>>)
    %dma_wait3A_420 = arith.constant 1536 : i32
    %dma_wait3A_421 = tpu.memref_slice %arg7[%dma_wait3A_420] : memref<2048xf32, #tpu.memory_space<vmem>> -> memref<512xf32, #tpu.memory_space<vmem>>
    %dma_wait3A_422 = arith.constant 300288 : i32
    %dma_wait3A_423 = tpu.memref_slice %arg10[%dma_wait3A_422] : memref<1601536xf32, #tpu.memory_space<vmem_shared>> -> memref<100096xf32, #tpu.memory_space<vmem_shared>>
    %dma_wait3A_424 = arith.constant 0 : i32
    %dma_wait3A_425 = tpu.memref_slice %dma_wait3A_423[%dma_wait3A_424] : memref<100096xf32, #tpu.memory_space<vmem_shared>> -> memref<100096xf32, #tpu.memory_space<vmem_shared>>
    tpu.wait_indirect_dma semaphore(%arg13 : memref<!tpu.dma_semaphore, #tpu.memory_space<semaphore_mem>>) src(%dma_wait3A_425 : memref<100096xf32, #tpu.memory_space<vmem_shared>>) dst(%dma_wait3A_421 : memref<512xf32, #tpu.memory_space<vmem>>)
    %dma_start3A_426 = arith.constant 0 : i32
    %dma_start3A_427 = arith.constant 0 : i32
    %dma_start3A_428 = tpu.memref_slice %arg7[%dma_start3A_427] : memref<2048xf32, #tpu.memory_space<vmem>> -> memref<512xf32, #tpu.memory_space<vmem>>
    %dma_start3A_429 = tpu.memref_slice %arg5[%dma_start3A_426, %mul3A_2] : memref<16x16384xf32, #tpu.memory_space<hbm>> -> memref<1x512xf32, #tpu.memory_space<hbm>>
    %dma_start3A_430 = tpu.memref_squeeze %dma_start3A_429 : memref<1x512xf32, #tpu.memory_space<hbm>> -> memref<512xf32, #tpu.memory_space<hbm>>
    %dma_start3A_431 = tpu.memref_slice %arg5[%dma_start3A_426, %mul3A_2] : memref<16x16384xf32, #tpu.memory_space<hbm>> -> memref<1x512xf32, #tpu.memory_space<hbm>>
    %dma_start3A_432 = tpu.memref_squeeze %dma_start3A_431 : memref<1x512xf32, #tpu.memory_space<hbm>> -> memref<512xf32, #tpu.memory_space<hbm>>
    %dma_start3A_433 = arith.constant 0 : i32
    %dma_start3A_434 = tpu.memref_slice %arg7[%dma_start3A_433] : memref<2048xf32, #tpu.memory_space<vmem>> -> memref<512xf32, #tpu.memory_space<vmem>>
    tpu.enqueue_dma source(%dma_start3A_434 : memref<512xf32, #tpu.memory_space<vmem>>) target(%dma_start3A_432 : memref<512xf32, #tpu.memory_space<hbm>>) target_semaphore(%arg12 : memref<!tpu.dma_semaphore, #tpu.memory_space<semaphore_mem>>)
    %dma_start3A_435 = arith.constant 1 : i32
    %dma_start3A_436 = arith.constant 512 : i32
    %dma_start3A_437 = tpu.memref_slice %arg7[%dma_start3A_436] : memref<2048xf32, #tpu.memory_space<vmem>> -> memref<512xf32, #tpu.memory_space<vmem>>
    %dma_start3A_438 = tpu.memref_slice %arg5[%dma_start3A_435, %mul3A_2] : memref<16x16384xf32, #tpu.memory_space<hbm>> -> memref<1x512xf32, #tpu.memory_space<hbm>>
    %dma_start3A_439 = tpu.memref_squeeze %dma_start3A_438 : memref<1x512xf32, #tpu.memory_space<hbm>> -> memref<512xf32, #tpu.memory_space<hbm>>
    %dma_start3A_440 = tpu.memref_slice %arg5[%dma_start3A_435, %mul3A_2] : memref<16x16384xf32, #tpu.memory_space<hbm>> -> memref<1x512xf32, #tpu.memory_space<hbm>>
    %dma_start3A_441 = tpu.memref_squeeze %dma_start3A_440 : memref<1x512xf32, #tpu.memory_space<hbm>> -> memref<512xf32, #tpu.memory_space<hbm>>
    %dma_start3A_442 = arith.constant 512 : i32
    %dma_start3A_443 = tpu.memref_slice %arg7[%dma_start3A_442] : memref<2048xf32, #tpu.memory_space<vmem>> -> memref<512xf32, #tpu.memory_space<vmem>>
    tpu.enqueue_dma source(%dma_start3A_443 : memref<512xf32, #tpu.memory_space<vmem>>) target(%dma_start3A_441 : memref<512xf32, #tpu.memory_space<hbm>>) target_semaphore(%arg12 : memref<!tpu.dma_semaphore, #tpu.memory_space<semaphore_mem>>)
    %dma_start3A_444 = arith.constant 2 : i32
    %dma_start3A_445 = arith.constant 1024 : i32
    %dma_start3A_446 = tpu.memref_slice %arg7[%dma_start3A_445] : memref<2048xf32, #tpu.memory_space<vmem>> -> memref<512xf32, #tpu.memory_space<vmem>>
    %dma_start3A_447 = tpu.memref_slice %arg5[%dma_start3A_444, %mul3A_2] : memref<16x16384xf32, #tpu.memory_space<hbm>> -> memref<1x512xf32, #tpu.memory_space<hbm>>
    %dma_start3A_448 = tpu.memref_squeeze %dma_start3A_447 : memref<1x512xf32, #tpu.memory_space<hbm>> -> memref<512xf32, #tpu.memory_space<hbm>>
    %dma_start3A_449 = tpu.memref_slice %arg5[%dma_start3A_444, %mul3A_2] : memref<16x16384xf32, #tpu.memory_space<hbm>> -> memref<1x512xf32, #tpu.memory_space<hbm>>
    %dma_start3A_450 = tpu.memref_squeeze %dma_start3A_449 : memref<1x512xf32, #tpu.memory_space<hbm>> -> memref<512xf32, #tpu.memory_space<hbm>>
    %dma_start3A_451 = arith.constant 1024 : i32
    %dma_start3A_452 = tpu.memref_slice %arg7[%dma_start3A_451] : memref<2048xf32, #tpu.memory_space<vmem>> -> memref<512xf32, #tpu.memory_space<vmem>>
    tpu.enqueue_dma source(%dma_start3A_452 : memref<512xf32, #tpu.memory_space<vmem>>) target(%dma_start3A_450 : memref<512xf32, #tpu.memory_space<hbm>>) target_semaphore(%arg12 : memref<!tpu.dma_semaphore, #tpu.memory_space<semaphore_mem>>)
    %dma_start3A_453 = arith.constant 3 : i32
    %dma_start3A_454 = arith.constant 1536 : i32
    %dma_start3A_455 = tpu.memref_slice %arg7[%dma_start3A_454] : memref<2048xf32, #tpu.memory_space<vmem>> -> memref<512xf32, #tpu.memory_space<vmem>>
    %dma_start3A_456 = tpu.memref_slice %arg5[%dma_start3A_453, %mul3A_2] : memref<16x16384xf32, #tpu.memory_space<hbm>> -> memref<1x512xf32, #tpu.memory_space<hbm>>
    %dma_start3A_457 = tpu.memref_squeeze %dma_start3A_456 : memref<1x512xf32, #tpu.memory_space<hbm>> -> memref<512xf32, #tpu.memory_space<hbm>>
    %dma_start3A_458 = tpu.memref_slice %arg5[%dma_start3A_453, %mul3A_2] : memref<16x16384xf32, #tpu.memory_space<hbm>> -> memref<1x512xf32, #tpu.memory_space<hbm>>
    %dma_start3A_459 = tpu.memref_squeeze %dma_start3A_458 : memref<1x512xf32, #tpu.memory_space<hbm>> -> memref<512xf32, #tpu.memory_space<hbm>>
    %dma_start3A_460 = arith.constant 1536 : i32
    %dma_start3A_461 = tpu.memref_slice %arg7[%dma_start3A_460] : memref<2048xf32, #tpu.memory_space<vmem>> -> memref<512xf32, #tpu.memory_space<vmem>>
    tpu.enqueue_dma source(%dma_start3A_461 : memref<512xf32, #tpu.memory_space<vmem>>) target(%dma_start3A_459 : memref<512xf32, #tpu.memory_space<hbm>>) target_semaphore(%arg12 : memref<!tpu.dma_semaphore, #tpu.memory_space<semaphore_mem>>)
    %dma_start3A_462 = arith.constant 0 : i32
    %dma_start3A_463 = tpu.memref_slice %arg8[%dma_start3A_462] : memref<2048xf32, #tpu.memory_space<vmem>> -> memref<512xf32, #tpu.memory_space<vmem>>
    %dma_start3A_464 = arith.constant 400384 : i32
    %dma_start3A_465 = tpu.memref_slice %arg10[%dma_start3A_464] : memref<1601536xf32, #tpu.memory_space<vmem_shared>> -> memref<100096xf32, #tpu.memory_space<vmem_shared>>
    %dma_start3A_466 = arith.constant 0 : i32
    %dma_start3A_467 = tpu.memref_slice %dma_start3A_465[%dma_start3A_466] : memref<100096xf32, #tpu.memory_space<vmem_shared>> -> memref<100096xf32, #tpu.memory_space<vmem_shared>>
    tpu.enqueue_indirect_dma source(%dma_start3A_467 : memref<100096xf32, #tpu.memory_space<vmem_shared>>) target(%dma_start3A_463 : memref<512xf32, #tpu.memory_space<vmem>>) offsets(%arg6 : memref<512xi32, #tpu.memory_space<vmem>>) semaphore(%arg13 : memref<!tpu.dma_semaphore, #tpu.memory_space<semaphore_mem>>)
    %dma_start3A_468 = arith.constant 512 : i32
    %dma_start3A_469 = tpu.memref_slice %arg8[%dma_start3A_468] : memref<2048xf32, #tpu.memory_space<vmem>> -> memref<512xf32, #tpu.memory_space<vmem>>
    %dma_start3A_470 = arith.constant 500480 : i32
    %dma_start3A_471 = tpu.memref_slice %arg10[%dma_start3A_470] : memref<1601536xf32, #tpu.memory_space<vmem_shared>> -> memref<100096xf32, #tpu.memory_space<vmem_shared>>
    %dma_start3A_472 = arith.constant 0 : i32
    %dma_start3A_473 = tpu.memref_slice %dma_start3A_471[%dma_start3A_472] : memref<100096xf32, #tpu.memory_space<vmem_shared>> -> memref<100096xf32, #tpu.memory_space<vmem_shared>>
    tpu.enqueue_indirect_dma source(%dma_start3A_473 : memref<100096xf32, #tpu.memory_space<vmem_shared>>) target(%dma_start3A_469 : memref<512xf32, #tpu.memory_space<vmem>>) offsets(%arg6 : memref<512xi32, #tpu.memory_space<vmem>>) semaphore(%arg13 : memref<!tpu.dma_semaphore, #tpu.memory_space<semaphore_mem>>)
    %dma_start3A_474 = arith.constant 1024 : i32
    %dma_start3A_475 = tpu.memref_slice %arg8[%dma_start3A_474] : memref<2048xf32, #tpu.memory_space<vmem>> -> memref<512xf32, #tpu.memory_space<vmem>>
    %dma_start3A_476 = arith.constant 600576 : i32
    %dma_start3A_477 = tpu.memref_slice %arg10[%dma_start3A_476] : memref<1601536xf32, #tpu.memory_space<vmem_shared>> -> memref<100096xf32, #tpu.memory_space<vmem_shared>>
    %dma_start3A_478 = arith.constant 0 : i32
    %dma_start3A_479 = tpu.memref_slice %dma_start3A_477[%dma_start3A_478] : memref<100096xf32, #tpu.memory_space<vmem_shared>> -> memref<100096xf32, #tpu.memory_space<vmem_shared>>
    tpu.enqueue_indirect_dma source(%dma_start3A_479 : memref<100096xf32, #tpu.memory_space<vmem_shared>>) target(%dma_start3A_475 : memref<512xf32, #tpu.memory_space<vmem>>) offsets(%arg6 : memref<512xi32, #tpu.memory_space<vmem>>) semaphore(%arg13 : memref<!tpu.dma_semaphore, #tpu.memory_space<semaphore_mem>>)
    %dma_start3A_480 = arith.constant 1536 : i32
    %dma_start3A_481 = tpu.memref_slice %arg8[%dma_start3A_480] : memref<2048xf32, #tpu.memory_space<vmem>> -> memref<512xf32, #tpu.memory_space<vmem>>
    %dma_start3A_482 = arith.constant 700672 : i32
    %dma_start3A_483 = tpu.memref_slice %arg10[%dma_start3A_482] : memref<1601536xf32, #tpu.memory_space<vmem_shared>> -> memref<100096xf32, #tpu.memory_space<vmem_shared>>
    %dma_start3A_484 = arith.constant 0 : i32
    %dma_start3A_485 = tpu.memref_slice %dma_start3A_483[%dma_start3A_484] : memref<100096xf32, #tpu.memory_space<vmem_shared>> -> memref<100096xf32, #tpu.memory_space<vmem_shared>>
    tpu.enqueue_indirect_dma source(%dma_start3A_485 : memref<100096xf32, #tpu.memory_space<vmem_shared>>) target(%dma_start3A_481 : memref<512xf32, #tpu.memory_space<vmem>>) offsets(%arg6 : memref<512xi32, #tpu.memory_space<vmem>>) semaphore(%arg13 : memref<!tpu.dma_semaphore, #tpu.memory_space<semaphore_mem>>)
    %dma_wait3A_486 = arith.constant 0 : i32
    %dma_wait3A_487 = tpu.memref_slice %arg8[%dma_wait3A_486] : memref<2048xf32, #tpu.memory_space<vmem>> -> memref<512xf32, #tpu.memory_space<vmem>>
    %dma_wait3A_488 = arith.constant 400384 : i32
    %dma_wait3A_489 = tpu.memref_slice %arg10[%dma_wait3A_488] : memref<1601536xf32, #tpu.memory_space<vmem_shared>> -> memref<100096xf32, #tpu.memory_space<vmem_shared>>
    %dma_wait3A_490 = arith.constant 0 : i32
    %dma_wait3A_491 = tpu.memref_slice %dma_wait3A_489[%dma_wait3A_490] : memref<100096xf32, #tpu.memory_space<vmem_shared>> -> memref<100096xf32, #tpu.memory_space<vmem_shared>>
    tpu.wait_indirect_dma semaphore(%arg13 : memref<!tpu.dma_semaphore, #tpu.memory_space<semaphore_mem>>) src(%dma_wait3A_491 : memref<100096xf32, #tpu.memory_space<vmem_shared>>) dst(%dma_wait3A_487 : memref<512xf32, #tpu.memory_space<vmem>>)
    %dma_wait3A_492 = arith.constant 512 : i32
    %dma_wait3A_493 = tpu.memref_slice %arg8[%dma_wait3A_492] : memref<2048xf32, #tpu.memory_space<vmem>> -> memref<512xf32, #tpu.memory_space<vmem>>
    %dma_wait3A_494 = arith.constant 500480 : i32
    %dma_wait3A_495 = tpu.memref_slice %arg10[%dma_wait3A_494] : memref<1601536xf32, #tpu.memory_space<vmem_shared>> -> memref<100096xf32, #tpu.memory_space<vmem_shared>>
    %dma_wait3A_496 = arith.constant 0 : i32
    %dma_wait3A_497 = tpu.memref_slice %dma_wait3A_495[%dma_wait3A_496] : memref<100096xf32, #tpu.memory_space<vmem_shared>> -> memref<100096xf32, #tpu.memory_space<vmem_shared>>
    tpu.wait_indirect_dma semaphore(%arg13 : memref<!tpu.dma_semaphore, #tpu.memory_space<semaphore_mem>>) src(%dma_wait3A_497 : memref<100096xf32, #tpu.memory_space<vmem_shared>>) dst(%dma_wait3A_493 : memref<512xf32, #tpu.memory_space<vmem>>)
    %dma_wait3A_498 = arith.constant 1024 : i32
    %dma_wait3A_499 = tpu.memref_slice %arg8[%dma_wait3A_498] : memref<2048xf32, #tpu.memory_space<vmem>> -> memref<512xf32, #tpu.memory_space<vmem>>
    %dma_wait3A_500 = arith.constant 600576 : i32
    %dma_wait3A_501 = tpu.memref_slice %arg10[%dma_wait3A_500] : memref<1601536xf32, #tpu.memory_space<vmem_shared>> -> memref<100096xf32, #tpu.memory_space<vmem_shared>>
    %dma_wait3A_502 = arith.constant 0 : i32
    %dma_wait3A_503 = tpu.memref_slice %dma_wait3A_501[%dma_wait3A_502] : memref<100096xf32, #tpu.memory_space<vmem_shared>> -> memref<100096xf32, #tpu.memory_space<vmem_shared>>
    tpu.wait_indirect_dma semaphore(%arg13 : memref<!tpu.dma_semaphore, #tpu.memory_space<semaphore_mem>>) src(%dma_wait3A_503 : memref<100096xf32, #tpu.memory_space<vmem_shared>>) dst(%dma_wait3A_499 : memref<512xf32, #tpu.memory_space<vmem>>)
    %dma_wait3A_504 = arith.constant 1536 : i32
    %dma_wait3A_505 = tpu.memref_slice %arg8[%dma_wait3A_504] : memref<2048xf32, #tpu.memory_space<vmem>> -> memref<512xf32, #tpu.memory_space<vmem>>
    %dma_wait3A_506 = arith.constant 700672 : i32
    %dma_wait3A_507 = tpu.memref_slice %arg10[%dma_wait3A_506] : memref<1601536xf32, #tpu.memory_space<vmem_shared>> -> memref<100096xf32, #tpu.memory_space<vmem_shared>>
    %dma_wait3A_508 = arith.constant 0 : i32
    %dma_wait3A_509 = tpu.memref_slice %dma_wait3A_507[%dma_wait3A_508] : memref<100096xf32, #tpu.memory_space<vmem_shared>> -> memref<100096xf32, #tpu.memory_space<vmem_shared>>
    tpu.wait_indirect_dma semaphore(%arg13 : memref<!tpu.dma_semaphore, #tpu.memory_space<semaphore_mem>>) src(%dma_wait3A_509 : memref<100096xf32, #tpu.memory_space<vmem_shared>>) dst(%dma_wait3A_505 : memref<512xf32, #tpu.memory_space<vmem>>)
    %dma_start3A_510 = arith.constant 4 : i32
    %dma_start3A_511 = arith.constant 0 : i32
    %dma_start3A_512 = tpu.memref_slice %arg8[%dma_start3A_511] : memref<2048xf32, #tpu.memory_space<vmem>> -> memref<512xf32, #tpu.memory_space<vmem>>
    %dma_start3A_513 = tpu.memref_slice %arg5[%dma_start3A_510, %mul3A_2] : memref<16x16384xf32, #tpu.memory_space<hbm>> -> memref<1x512xf32, #tpu.memory_space<hbm>>
    %dma_start3A_514 = tpu.memref_squeeze %dma_start3A_513 : memref<1x512xf32, #tpu.memory_space<hbm>> -> memref<512xf32, #tpu.memory_space<hbm>>
    %dma_start3A_515 = tpu.memref_slice %arg5[%dma_start3A_510, %mul3A_2] : memref<16x16384xf32, #tpu.memory_space<hbm>> -> memref<1x512xf32, #tpu.memory_space<hbm>>
    %dma_start3A_516 = tpu.memref_squeeze %dma_start3A_515 : memref<1x512xf32, #tpu.memory_space<hbm>> -> memref<512xf32, #tpu.memory_space<hbm>>
    %dma_start3A_517 = arith.constant 0 : i32
    %dma_start3A_518 = tpu.memref_slice %arg8[%dma_start3A_517] : memref<2048xf32, #tpu.memory_space<vmem>> -> memref<512xf32, #tpu.memory_space<vmem>>
    tpu.enqueue_dma source(%dma_start3A_518 : memref<512xf32, #tpu.memory_space<vmem>>) target(%dma_start3A_516 : memref<512xf32, #tpu.memory_space<hbm>>) target_semaphore(%arg12 : memref<!tpu.dma_semaphore, #tpu.memory_space<semaphore_mem>>)
    %dma_start3A_519 = arith.constant 5 : i32
    %dma_start3A_520 = arith.constant 512 : i32
    %dma_start3A_521 = tpu.memref_slice %arg8[%dma_start3A_520] : memref<2048xf32, #tpu.memory_space<vmem>> -> memref<512xf32, #tpu.memory_space<vmem>>
    %dma_start3A_522 = tpu.memref_slice %arg5[%dma_start3A_519, %mul3A_2] : memref<16x16384xf32, #tpu.memory_space<hbm>> -> memref<1x512xf32, #tpu.memory_space<hbm>>
    %dma_start3A_523 = tpu.memref_squeeze %dma_start3A_522 : memref<1x512xf32, #tpu.memory_space<hbm>> -> memref<512xf32, #tpu.memory_space<hbm>>
    %dma_start3A_524 = tpu.memref_slice %arg5[%dma_start3A_519, %mul3A_2] : memref<16x16384xf32, #tpu.memory_space<hbm>> -> memref<1x512xf32, #tpu.memory_space<hbm>>
    %dma_start3A_525 = tpu.memref_squeeze %dma_start3A_524 : memref<1x512xf32, #tpu.memory_space<hbm>> -> memref<512xf32, #tpu.memory_space<hbm>>
    %dma_start3A_526 = arith.constant 512 : i32
    %dma_start3A_527 = tpu.memref_slice %arg8[%dma_start3A_526] : memref<2048xf32, #tpu.memory_space<vmem>> -> memref<512xf32, #tpu.memory_space<vmem>>
    tpu.enqueue_dma source(%dma_start3A_527 : memref<512xf32, #tpu.memory_space<vmem>>) target(%dma_start3A_525 : memref<512xf32, #tpu.memory_space<hbm>>) target_semaphore(%arg12 : memref<!tpu.dma_semaphore, #tpu.memory_space<semaphore_mem>>)
    %dma_start3A_528 = arith.constant 6 : i32
    %dma_start3A_529 = arith.constant 1024 : i32
    %dma_start3A_530 = tpu.memref_slice %arg8[%dma_start3A_529] : memref<2048xf32, #tpu.memory_space<vmem>> -> memref<512xf32, #tpu.memory_space<vmem>>
    %dma_start3A_531 = tpu.memref_slice %arg5[%dma_start3A_528, %mul3A_2] : memref<16x16384xf32, #tpu.memory_space<hbm>> -> memref<1x512xf32, #tpu.memory_space<hbm>>
    %dma_start3A_532 = tpu.memref_squeeze %dma_start3A_531 : memref<1x512xf32, #tpu.memory_space<hbm>> -> memref<512xf32, #tpu.memory_space<hbm>>
    %dma_start3A_533 = tpu.memref_slice %arg5[%dma_start3A_528, %mul3A_2] : memref<16x16384xf32, #tpu.memory_space<hbm>> -> memref<1x512xf32, #tpu.memory_space<hbm>>
    %dma_start3A_534 = tpu.memref_squeeze %dma_start3A_533 : memref<1x512xf32, #tpu.memory_space<hbm>> -> memref<512xf32, #tpu.memory_space<hbm>>
    %dma_start3A_535 = arith.constant 1024 : i32
    %dma_start3A_536 = tpu.memref_slice %arg8[%dma_start3A_535] : memref<2048xf32, #tpu.memory_space<vmem>> -> memref<512xf32, #tpu.memory_space<vmem>>
    tpu.enqueue_dma source(%dma_start3A_536 : memref<512xf32, #tpu.memory_space<vmem>>) target(%dma_start3A_534 : memref<512xf32, #tpu.memory_space<hbm>>) target_semaphore(%arg12 : memref<!tpu.dma_semaphore, #tpu.memory_space<semaphore_mem>>)
    %dma_start3A_537 = arith.constant 7 : i32
    %dma_start3A_538 = arith.constant 1536 : i32
    %dma_start3A_539 = tpu.memref_slice %arg8[%dma_start3A_538] : memref<2048xf32, #tpu.memory_space<vmem>> -> memref<512xf32, #tpu.memory_space<vmem>>
    %dma_start3A_540 = tpu.memref_slice %arg5[%dma_start3A_537, %mul3A_2] : memref<16x16384xf32, #tpu.memory_space<hbm>> -> memref<1x512xf32, #tpu.memory_space<hbm>>
    %dma_start3A_541 = tpu.memref_squeeze %dma_start3A_540 : memref<1x512xf32, #tpu.memory_space<hbm>> -> memref<512xf32, #tpu.memory_space<hbm>>
    %dma_start3A_542 = tpu.memref_slice %arg5[%dma_start3A_537, %mul3A_2] : memref<16x16384xf32, #tpu.memory_space<hbm>> -> memref<1x512xf32, #tpu.memory_space<hbm>>
    %dma_start3A_543 = tpu.memref_squeeze %dma_start3A_542 : memref<1x512xf32, #tpu.memory_space<hbm>> -> memref<512xf32, #tpu.memory_space<hbm>>
    %dma_start3A_544 = arith.constant 1536 : i32
    %dma_start3A_545 = tpu.memref_slice %arg8[%dma_start3A_544] : memref<2048xf32, #tpu.memory_space<vmem>> -> memref<512xf32, #tpu.memory_space<vmem>>
    tpu.enqueue_dma source(%dma_start3A_545 : memref<512xf32, #tpu.memory_space<vmem>>) target(%dma_start3A_543 : memref<512xf32, #tpu.memory_space<hbm>>) target_semaphore(%arg12 : memref<!tpu.dma_semaphore, #tpu.memory_space<semaphore_mem>>)
    %dma_wait3A_546 = arith.constant 0 : i32
    %dma_wait3A_547 = arith.constant 0 : i32
    %dma_wait3A_548 = tpu.memref_slice %arg7[%dma_wait3A_547] : memref<2048xf32, #tpu.memory_space<vmem>> -> memref<512xf32, #tpu.memory_space<vmem>>
    %dma_wait3A_549 = tpu.memref_slice %arg5[%dma_wait3A_546, %mul3A_2] : memref<16x16384xf32, #tpu.memory_space<hbm>> -> memref<1x512xf32, #tpu.memory_space<hbm>>
    %dma_wait3A_550 = tpu.memref_squeeze %dma_wait3A_549 : memref<1x512xf32, #tpu.memory_space<hbm>> -> memref<512xf32, #tpu.memory_space<hbm>>
    %dma_wait3A_551 = tpu.memref_slice %arg5[%dma_wait3A_546, %mul3A_2] : memref<16x16384xf32, #tpu.memory_space<hbm>> -> memref<1x512xf32, #tpu.memory_space<hbm>>
    %dma_wait3A_552 = tpu.memref_squeeze %dma_wait3A_551 : memref<1x512xf32, #tpu.memory_space<hbm>> -> memref<512xf32, #tpu.memory_space<hbm>>
    %dma_wait3A_553 = arith.constant 0 : i32
    %dma_wait3A_554 = tpu.memref_slice %arg7[%dma_wait3A_553] : memref<2048xf32, #tpu.memory_space<vmem>> -> memref<512xf32, #tpu.memory_space<vmem>>
    tpu.wait_dma2 semaphore(%arg12 : memref<!tpu.dma_semaphore, #tpu.memory_space<semaphore_mem>>) src(%dma_wait3A_554 : memref<512xf32, #tpu.memory_space<vmem>>) dst(%dma_wait3A_552 : memref<512xf32, #tpu.memory_space<hbm>>)
    %dma_wait3A_555 = arith.constant 1 : i32
    %dma_wait3A_556 = arith.constant 512 : i32
    %dma_wait3A_557 = tpu.memref_slice %arg7[%dma_wait3A_556] : memref<2048xf32, #tpu.memory_space<vmem>> -> memref<512xf32, #tpu.memory_space<vmem>>
    %dma_wait3A_558 = tpu.memref_slice %arg5[%dma_wait3A_555, %mul3A_2] : memref<16x16384xf32, #tpu.memory_space<hbm>> -> memref<1x512xf32, #tpu.memory_space<hbm>>
    %dma_wait3A_559 = tpu.memref_squeeze %dma_wait3A_558 : memref<1x512xf32, #tpu.memory_space<hbm>> -> memref<512xf32, #tpu.memory_space<hbm>>
    %dma_wait3A_560 = tpu.memref_slice %arg5[%dma_wait3A_555, %mul3A_2] : memref<16x16384xf32, #tpu.memory_space<hbm>> -> memref<1x512xf32, #tpu.memory_space<hbm>>
    %dma_wait3A_561 = tpu.memref_squeeze %dma_wait3A_560 : memref<1x512xf32, #tpu.memory_space<hbm>> -> memref<512xf32, #tpu.memory_space<hbm>>
    %dma_wait3A_562 = arith.constant 512 : i32
    %dma_wait3A_563 = tpu.memref_slice %arg7[%dma_wait3A_562] : memref<2048xf32, #tpu.memory_space<vmem>> -> memref<512xf32, #tpu.memory_space<vmem>>
    tpu.wait_dma2 semaphore(%arg12 : memref<!tpu.dma_semaphore, #tpu.memory_space<semaphore_mem>>) src(%dma_wait3A_563 : memref<512xf32, #tpu.memory_space<vmem>>) dst(%dma_wait3A_561 : memref<512xf32, #tpu.memory_space<hbm>>)
    %dma_wait3A_564 = arith.constant 2 : i32
    %dma_wait3A_565 = arith.constant 1024 : i32
    %dma_wait3A_566 = tpu.memref_slice %arg7[%dma_wait3A_565] : memref<2048xf32, #tpu.memory_space<vmem>> -> memref<512xf32, #tpu.memory_space<vmem>>
    %dma_wait3A_567 = tpu.memref_slice %arg5[%dma_wait3A_564, %mul3A_2] : memref<16x16384xf32, #tpu.memory_space<hbm>> -> memref<1x512xf32, #tpu.memory_space<hbm>>
    %dma_wait3A_568 = tpu.memref_squeeze %dma_wait3A_567 : memref<1x512xf32, #tpu.memory_space<hbm>> -> memref<512xf32, #tpu.memory_space<hbm>>
    %dma_wait3A_569 = tpu.memref_slice %arg5[%dma_wait3A_564, %mul3A_2] : memref<16x16384xf32, #tpu.memory_space<hbm>> -> memref<1x512xf32, #tpu.memory_space<hbm>>
    %dma_wait3A_570 = tpu.memref_squeeze %dma_wait3A_569 : memref<1x512xf32, #tpu.memory_space<hbm>> -> memref<512xf32, #tpu.memory_space<hbm>>
    %dma_wait3A_571 = arith.constant 1024 : i32
    %dma_wait3A_572 = tpu.memref_slice %arg7[%dma_wait3A_571] : memref<2048xf32, #tpu.memory_space<vmem>> -> memref<512xf32, #tpu.memory_space<vmem>>
    tpu.wait_dma2 semaphore(%arg12 : memref<!tpu.dma_semaphore, #tpu.memory_space<semaphore_mem>>) src(%dma_wait3A_572 : memref<512xf32, #tpu.memory_space<vmem>>) dst(%dma_wait3A_570 : memref<512xf32, #tpu.memory_space<hbm>>)
    %dma_wait3A_573 = arith.constant 3 : i32
    %dma_wait3A_574 = arith.constant 1536 : i32
    %dma_wait3A_575 = tpu.memref_slice %arg7[%dma_wait3A_574] : memref<2048xf32, #tpu.memory_space<vmem>> -> memref<512xf32, #tpu.memory_space<vmem>>
    %dma_wait3A_576 = tpu.memref_slice %arg5[%dma_wait3A_573, %mul3A_2] : memref<16x16384xf32, #tpu.memory_space<hbm>> -> memref<1x512xf32, #tpu.memory_space<hbm>>
    %dma_wait3A_577 = tpu.memref_squeeze %dma_wait3A_576 : memref<1x512xf32, #tpu.memory_space<hbm>> -> memref<512xf32, #tpu.memory_space<hbm>>
    %dma_wait3A_578 = tpu.memref_slice %arg5[%dma_wait3A_573, %mul3A_2] : memref<16x16384xf32, #tpu.memory_space<hbm>> -> memref<1x512xf32, #tpu.memory_space<hbm>>
    %dma_wait3A_579 = tpu.memref_squeeze %dma_wait3A_578 : memref<1x512xf32, #tpu.memory_space<hbm>> -> memref<512xf32, #tpu.memory_space<hbm>>
    %dma_wait3A_580 = arith.constant 1536 : i32
    %dma_wait3A_581 = tpu.memref_slice %arg7[%dma_wait3A_580] : memref<2048xf32, #tpu.memory_space<vmem>> -> memref<512xf32, #tpu.memory_space<vmem>>
    tpu.wait_dma2 semaphore(%arg12 : memref<!tpu.dma_semaphore, #tpu.memory_space<semaphore_mem>>) src(%dma_wait3A_581 : memref<512xf32, #tpu.memory_space<vmem>>) dst(%dma_wait3A_579 : memref<512xf32, #tpu.memory_space<hbm>>)
    %dma_start3A_582 = arith.constant 0 : i32
    %dma_start3A_583 = tpu.memref_slice %arg7[%dma_start3A_582] : memref<2048xf32, #tpu.memory_space<vmem>> -> memref<512xf32, #tpu.memory_space<vmem>>
    %dma_start3A_584 = arith.constant 800768 : i32
    %dma_start3A_585 = tpu.memref_slice %arg10[%dma_start3A_584] : memref<1601536xf32, #tpu.memory_space<vmem_shared>> -> memref<100096xf32, #tpu.memory_space<vmem_shared>>
    %dma_start3A_586 = arith.constant 0 : i32
    %dma_start3A_587 = tpu.memref_slice %dma_start3A_585[%dma_start3A_586] : memref<100096xf32, #tpu.memory_space<vmem_shared>> -> memref<100096xf32, #tpu.memory_space<vmem_shared>>
    tpu.enqueue_indirect_dma source(%dma_start3A_587 : memref<100096xf32, #tpu.memory_space<vmem_shared>>) target(%dma_start3A_583 : memref<512xf32, #tpu.memory_space<vmem>>) offsets(%arg6 : memref<512xi32, #tpu.memory_space<vmem>>) semaphore(%arg13 : memref<!tpu.dma_semaphore, #tpu.memory_space<semaphore_mem>>)
    %dma_start3A_588 = arith.constant 512 : i32
    %dma_start3A_589 = tpu.memref_slice %arg7[%dma_start3A_588] : memref<2048xf32, #tpu.memory_space<vmem>> -> memref<512xf32, #tpu.memory_space<vmem>>
    %dma_start3A_590 = arith.constant 900864 : i32
    %dma_start3A_591 = tpu.memref_slice %arg10[%dma_start3A_590] : memref<1601536xf32, #tpu.memory_space<vmem_shared>> -> memref<100096xf32, #tpu.memory_space<vmem_shared>>
    %dma_start3A_592 = arith.constant 0 : i32
    %dma_start3A_593 = tpu.memref_slice %dma_start3A_591[%dma_start3A_592] : memref<100096xf32, #tpu.memory_space<vmem_shared>> -> memref<100096xf32, #tpu.memory_space<vmem_shared>>
    tpu.enqueue_indirect_dma source(%dma_start3A_593 : memref<100096xf32, #tpu.memory_space<vmem_shared>>) target(%dma_start3A_589 : memref<512xf32, #tpu.memory_space<vmem>>) offsets(%arg6 : memref<512xi32, #tpu.memory_space<vmem>>) semaphore(%arg13 : memref<!tpu.dma_semaphore, #tpu.memory_space<semaphore_mem>>)
    %dma_start3A_594 = arith.constant 1024 : i32
    %dma_start3A_595 = tpu.memref_slice %arg7[%dma_start3A_594] : memref<2048xf32, #tpu.memory_space<vmem>> -> memref<512xf32, #tpu.memory_space<vmem>>
    %dma_start3A_596 = arith.constant 1000960 : i32
    %dma_start3A_597 = tpu.memref_slice %arg10[%dma_start3A_596] : memref<1601536xf32, #tpu.memory_space<vmem_shared>> -> memref<100096xf32, #tpu.memory_space<vmem_shared>>
    %dma_start3A_598 = arith.constant 0 : i32
    %dma_start3A_599 = tpu.memref_slice %dma_start3A_597[%dma_start3A_598] : memref<100096xf32, #tpu.memory_space<vmem_shared>> -> memref<100096xf32, #tpu.memory_space<vmem_shared>>
    tpu.enqueue_indirect_dma source(%dma_start3A_599 : memref<100096xf32, #tpu.memory_space<vmem_shared>>) target(%dma_start3A_595 : memref<512xf32, #tpu.memory_space<vmem>>) offsets(%arg6 : memref<512xi32, #tpu.memory_space<vmem>>) semaphore(%arg13 : memref<!tpu.dma_semaphore, #tpu.memory_space<semaphore_mem>>)
    %dma_start3A_600 = arith.constant 1536 : i32
    %dma_start3A_601 = tpu.memref_slice %arg7[%dma_start3A_600] : memref<2048xf32, #tpu.memory_space<vmem>> -> memref<512xf32, #tpu.memory_space<vmem>>
    %dma_start3A_602 = arith.constant 1101056 : i32
    %dma_start3A_603 = tpu.memref_slice %arg10[%dma_start3A_602] : memref<1601536xf32, #tpu.memory_space<vmem_shared>> -> memref<100096xf32, #tpu.memory_space<vmem_shared>>
    %dma_start3A_604 = arith.constant 0 : i32
    %dma_start3A_605 = tpu.memref_slice %dma_start3A_603[%dma_start3A_604] : memref<100096xf32, #tpu.memory_space<vmem_shared>> -> memref<100096xf32, #tpu.memory_space<vmem_shared>>
    tpu.enqueue_indirect_dma source(%dma_start3A_605 : memref<100096xf32, #tpu.memory_space<vmem_shared>>) target(%dma_start3A_601 : memref<512xf32, #tpu.memory_space<vmem>>) offsets(%arg6 : memref<512xi32, #tpu.memory_space<vmem>>) semaphore(%arg13 : memref<!tpu.dma_semaphore, #tpu.memory_space<semaphore_mem>>)
    %dma_wait3A_606 = arith.constant 0 : i32
    %dma_wait3A_607 = tpu.memref_slice %arg7[%dma_wait3A_606] : memref<2048xf32, #tpu.memory_space<vmem>> -> memref<512xf32, #tpu.memory_space<vmem>>
    %dma_wait3A_608 = arith.constant 800768 : i32
    %dma_wait3A_609 = tpu.memref_slice %arg10[%dma_wait3A_608] : memref<1601536xf32, #tpu.memory_space<vmem_shared>> -> memref<100096xf32, #tpu.memory_space<vmem_shared>>
    %dma_wait3A_610 = arith.constant 0 : i32
    %dma_wait3A_611 = tpu.memref_slice %dma_wait3A_609[%dma_wait3A_610] : memref<100096xf32, #tpu.memory_space<vmem_shared>> -> memref<100096xf32, #tpu.memory_space<vmem_shared>>
    tpu.wait_indirect_dma semaphore(%arg13 : memref<!tpu.dma_semaphore, #tpu.memory_space<semaphore_mem>>) src(%dma_wait3A_611 : memref<100096xf32, #tpu.memory_space<vmem_shared>>) dst(%dma_wait3A_607 : memref<512xf32, #tpu.memory_space<vmem>>)
    %dma_wait3A_612 = arith.constant 512 : i32
    %dma_wait3A_613 = tpu.memref_slice %arg7[%dma_wait3A_612] : memref<2048xf32, #tpu.memory_space<vmem>> -> memref<512xf32, #tpu.memory_space<vmem>>
    %dma_wait3A_614 = arith.constant 900864 : i32
    %dma_wait3A_615 = tpu.memref_slice %arg10[%dma_wait3A_614] : memref<1601536xf32, #tpu.memory_space<vmem_shared>> -> memref<100096xf32, #tpu.memory_space<vmem_shared>>
    %dma_wait3A_616 = arith.constant 0 : i32
    %dma_wait3A_617 = tpu.memref_slice %dma_wait3A_615[%dma_wait3A_616] : memref<100096xf32, #tpu.memory_space<vmem_shared>> -> memref<100096xf32, #tpu.memory_space<vmem_shared>>
    tpu.wait_indirect_dma semaphore(%arg13 : memref<!tpu.dma_semaphore, #tpu.memory_space<semaphore_mem>>) src(%dma_wait3A_617 : memref<100096xf32, #tpu.memory_space<vmem_shared>>) dst(%dma_wait3A_613 : memref<512xf32, #tpu.memory_space<vmem>>)
    %dma_wait3A_618 = arith.constant 1024 : i32
    %dma_wait3A_619 = tpu.memref_slice %arg7[%dma_wait3A_618] : memref<2048xf32, #tpu.memory_space<vmem>> -> memref<512xf32, #tpu.memory_space<vmem>>
    %dma_wait3A_620 = arith.constant 1000960 : i32
    %dma_wait3A_621 = tpu.memref_slice %arg10[%dma_wait3A_620] : memref<1601536xf32, #tpu.memory_space<vmem_shared>> -> memref<100096xf32, #tpu.memory_space<vmem_shared>>
    %dma_wait3A_622 = arith.constant 0 : i32
    %dma_wait3A_623 = tpu.memref_slice %dma_wait3A_621[%dma_wait3A_622] : memref<100096xf32, #tpu.memory_space<vmem_shared>> -> memref<100096xf32, #tpu.memory_space<vmem_shared>>
    tpu.wait_indirect_dma semaphore(%arg13 : memref<!tpu.dma_semaphore, #tpu.memory_space<semaphore_mem>>) src(%dma_wait3A_623 : memref<100096xf32, #tpu.memory_space<vmem_shared>>) dst(%dma_wait3A_619 : memref<512xf32, #tpu.memory_space<vmem>>)
    %dma_wait3A_624 = arith.constant 1536 : i32
    %dma_wait3A_625 = tpu.memref_slice %arg7[%dma_wait3A_624] : memref<2048xf32, #tpu.memory_space<vmem>> -> memref<512xf32, #tpu.memory_space<vmem>>
    %dma_wait3A_626 = arith.constant 1101056 : i32
    %dma_wait3A_627 = tpu.memref_slice %arg10[%dma_wait3A_626] : memref<1601536xf32, #tpu.memory_space<vmem_shared>> -> memref<100096xf32, #tpu.memory_space<vmem_shared>>
    %dma_wait3A_628 = arith.constant 0 : i32
    %dma_wait3A_629 = tpu.memref_slice %dma_wait3A_627[%dma_wait3A_628] : memref<100096xf32, #tpu.memory_space<vmem_shared>> -> memref<100096xf32, #tpu.memory_space<vmem_shared>>
    tpu.wait_indirect_dma semaphore(%arg13 : memref<!tpu.dma_semaphore, #tpu.memory_space<semaphore_mem>>) src(%dma_wait3A_629 : memref<100096xf32, #tpu.memory_space<vmem_shared>>) dst(%dma_wait3A_625 : memref<512xf32, #tpu.memory_space<vmem>>)
    %dma_start3A_630 = arith.constant 8 : i32
    %dma_start3A_631 = arith.constant 0 : i32
    %dma_start3A_632 = tpu.memref_slice %arg7[%dma_start3A_631] : memref<2048xf32, #tpu.memory_space<vmem>> -> memref<512xf32, #tpu.memory_space<vmem>>
    %dma_start3A_633 = tpu.memref_slice %arg5[%dma_start3A_630, %mul3A_2] : memref<16x16384xf32, #tpu.memory_space<hbm>> -> memref<1x512xf32, #tpu.memory_space<hbm>>
    %dma_start3A_634 = tpu.memref_squeeze %dma_start3A_633 : memref<1x512xf32, #tpu.memory_space<hbm>> -> memref<512xf32, #tpu.memory_space<hbm>>
    %dma_start3A_635 = tpu.memref_slice %arg5[%dma_start3A_630, %mul3A_2] : memref<16x16384xf32, #tpu.memory_space<hbm>> -> memref<1x512xf32, #tpu.memory_space<hbm>>
    %dma_start3A_636 = tpu.memref_squeeze %dma_start3A_635 : memref<1x512xf32, #tpu.memory_space<hbm>> -> memref<512xf32, #tpu.memory_space<hbm>>
    %dma_start3A_637 = arith.constant 0 : i32
    %dma_start3A_638 = tpu.memref_slice %arg7[%dma_start3A_637] : memref<2048xf32, #tpu.memory_space<vmem>> -> memref<512xf32, #tpu.memory_space<vmem>>
    tpu.enqueue_dma source(%dma_start3A_638 : memref<512xf32, #tpu.memory_space<vmem>>) target(%dma_start3A_636 : memref<512xf32, #tpu.memory_space<hbm>>) target_semaphore(%arg12 : memref<!tpu.dma_semaphore, #tpu.memory_space<semaphore_mem>>)
    %dma_start3A_639 = arith.constant 9 : i32
    %dma_start3A_640 = arith.constant 512 : i32
    %dma_start3A_641 = tpu.memref_slice %arg7[%dma_start3A_640] : memref<2048xf32, #tpu.memory_space<vmem>> -> memref<512xf32, #tpu.memory_space<vmem>>
    %dma_start3A_642 = tpu.memref_slice %arg5[%dma_start3A_639, %mul3A_2] : memref<16x16384xf32, #tpu.memory_space<hbm>> -> memref<1x512xf32, #tpu.memory_space<hbm>>
    %dma_start3A_643 = tpu.memref_squeeze %dma_start3A_642 : memref<1x512xf32, #tpu.memory_space<hbm>> -> memref<512xf32, #tpu.memory_space<hbm>>
    %dma_start3A_644 = tpu.memref_slice %arg5[%dma_start3A_639, %mul3A_2] : memref<16x16384xf32, #tpu.memory_space<hbm>> -> memref<1x512xf32, #tpu.memory_space<hbm>>
    %dma_start3A_645 = tpu.memref_squeeze %dma_start3A_644 : memref<1x512xf32, #tpu.memory_space<hbm>> -> memref<512xf32, #tpu.memory_space<hbm>>
    %dma_start3A_646 = arith.constant 512 : i32
    %dma_start3A_647 = tpu.memref_slice %arg7[%dma_start3A_646] : memref<2048xf32, #tpu.memory_space<vmem>> -> memref<512xf32, #tpu.memory_space<vmem>>
    tpu.enqueue_dma source(%dma_start3A_647 : memref<512xf32, #tpu.memory_space<vmem>>) target(%dma_start3A_645 : memref<512xf32, #tpu.memory_space<hbm>>) target_semaphore(%arg12 : memref<!tpu.dma_semaphore, #tpu.memory_space<semaphore_mem>>)
    %dma_start3A_648 = arith.constant 10 : i32
    %dma_start3A_649 = arith.constant 1024 : i32
    %dma_start3A_650 = tpu.memref_slice %arg7[%dma_start3A_649] : memref<2048xf32, #tpu.memory_space<vmem>> -> memref<512xf32, #tpu.memory_space<vmem>>
    %dma_start3A_651 = tpu.memref_slice %arg5[%dma_start3A_648, %mul3A_2] : memref<16x16384xf32, #tpu.memory_space<hbm>> -> memref<1x512xf32, #tpu.memory_space<hbm>>
    %dma_start3A_652 = tpu.memref_squeeze %dma_start3A_651 : memref<1x512xf32, #tpu.memory_space<hbm>> -> memref<512xf32, #tpu.memory_space<hbm>>
    %dma_start3A_653 = tpu.memref_slice %arg5[%dma_start3A_648, %mul3A_2] : memref<16x16384xf32, #tpu.memory_space<hbm>> -> memref<1x512xf32, #tpu.memory_space<hbm>>
    %dma_start3A_654 = tpu.memref_squeeze %dma_start3A_653 : memref<1x512xf32, #tpu.memory_space<hbm>> -> memref<512xf32, #tpu.memory_space<hbm>>
    %dma_start3A_655 = arith.constant 1024 : i32
    %dma_start3A_656 = tpu.memref_slice %arg7[%dma_start3A_655] : memref<2048xf32, #tpu.memory_space<vmem>> -> memref<512xf32, #tpu.memory_space<vmem>>
    tpu.enqueue_dma source(%dma_start3A_656 : memref<512xf32, #tpu.memory_space<vmem>>) target(%dma_start3A_654 : memref<512xf32, #tpu.memory_space<hbm>>) target_semaphore(%arg12 : memref<!tpu.dma_semaphore, #tpu.memory_space<semaphore_mem>>)
    %dma_start3A_657 = arith.constant 11 : i32
    %dma_start3A_658 = arith.constant 1536 : i32
    %dma_start3A_659 = tpu.memref_slice %arg7[%dma_start3A_658] : memref<2048xf32, #tpu.memory_space<vmem>> -> memref<512xf32, #tpu.memory_space<vmem>>
    %dma_start3A_660 = tpu.memref_slice %arg5[%dma_start3A_657, %mul3A_2] : memref<16x16384xf32, #tpu.memory_space<hbm>> -> memref<1x512xf32, #tpu.memory_space<hbm>>
    %dma_start3A_661 = tpu.memref_squeeze %dma_start3A_660 : memref<1x512xf32, #tpu.memory_space<hbm>> -> memref<512xf32, #tpu.memory_space<hbm>>
    %dma_start3A_662 = tpu.memref_slice %arg5[%dma_start3A_657, %mul3A_2] : memref<16x16384xf32, #tpu.memory_space<hbm>> -> memref<1x512xf32, #tpu.memory_space<hbm>>
    %dma_start3A_663 = tpu.memref_squeeze %dma_start3A_662 : memref<1x512xf32, #tpu.memory_space<hbm>> -> memref<512xf32, #tpu.memory_space<hbm>>
    %dma_start3A_664 = arith.constant 1536 : i32
    %dma_start3A_665 = tpu.memref_slice %arg7[%dma_start3A_664] : memref<2048xf32, #tpu.memory_space<vmem>> -> memref<512xf32, #tpu.memory_space<vmem>>
    tpu.enqueue_dma source(%dma_start3A_665 : memref<512xf32, #tpu.memory_space<vmem>>) target(%dma_start3A_663 : memref<512xf32, #tpu.memory_space<hbm>>) target_semaphore(%arg12 : memref<!tpu.dma_semaphore, #tpu.memory_space<semaphore_mem>>)
    %dma_wait3A_666 = arith.constant 4 : i32
    %dma_wait3A_667 = arith.constant 0 : i32
    %dma_wait3A_668 = tpu.memref_slice %arg8[%dma_wait3A_667] : memref<2048xf32, #tpu.memory_space<vmem>> -> memref<512xf32, #tpu.memory_space<vmem>>
    %dma_wait3A_669 = tpu.memref_slice %arg5[%dma_wait3A_666, %mul3A_2] : memref<16x16384xf32, #tpu.memory_space<hbm>> -> memref<1x512xf32, #tpu.memory_space<hbm>>
    %dma_wait3A_670 = tpu.memref_squeeze %dma_wait3A_669 : memref<1x512xf32, #tpu.memory_space<hbm>> -> memref<512xf32, #tpu.memory_space<hbm>>
    %dma_wait3A_671 = tpu.memref_slice %arg5[%dma_wait3A_666, %mul3A_2] : memref<16x16384xf32, #tpu.memory_space<hbm>> -> memref<1x512xf32, #tpu.memory_space<hbm>>
    %dma_wait3A_672 = tpu.memref_squeeze %dma_wait3A_671 : memref<1x512xf32, #tpu.memory_space<hbm>> -> memref<512xf32, #tpu.memory_space<hbm>>
    %dma_wait3A_673 = arith.constant 0 : i32
    %dma_wait3A_674 = tpu.memref_slice %arg8[%dma_wait3A_673] : memref<2048xf32, #tpu.memory_space<vmem>> -> memref<512xf32, #tpu.memory_space<vmem>>
    tpu.wait_dma2 semaphore(%arg12 : memref<!tpu.dma_semaphore, #tpu.memory_space<semaphore_mem>>) src(%dma_wait3A_674 : memref<512xf32, #tpu.memory_space<vmem>>) dst(%dma_wait3A_672 : memref<512xf32, #tpu.memory_space<hbm>>)
    %dma_wait3A_675 = arith.constant 5 : i32
    %dma_wait3A_676 = arith.constant 512 : i32
    %dma_wait3A_677 = tpu.memref_slice %arg8[%dma_wait3A_676] : memref<2048xf32, #tpu.memory_space<vmem>> -> memref<512xf32, #tpu.memory_space<vmem>>
    %dma_wait3A_678 = tpu.memref_slice %arg5[%dma_wait3A_675, %mul3A_2] : memref<16x16384xf32, #tpu.memory_space<hbm>> -> memref<1x512xf32, #tpu.memory_space<hbm>>
    %dma_wait3A_679 = tpu.memref_squeeze %dma_wait3A_678 : memref<1x512xf32, #tpu.memory_space<hbm>> -> memref<512xf32, #tpu.memory_space<hbm>>
    %dma_wait3A_680 = tpu.memref_slice %arg5[%dma_wait3A_675, %mul3A_2] : memref<16x16384xf32, #tpu.memory_space<hbm>> -> memref<1x512xf32, #tpu.memory_space<hbm>>
    %dma_wait3A_681 = tpu.memref_squeeze %dma_wait3A_680 : memref<1x512xf32, #tpu.memory_space<hbm>> -> memref<512xf32, #tpu.memory_space<hbm>>
    %dma_wait3A_682 = arith.constant 512 : i32
    %dma_wait3A_683 = tpu.memref_slice %arg8[%dma_wait3A_682] : memref<2048xf32, #tpu.memory_space<vmem>> -> memref<512xf32, #tpu.memory_space<vmem>>
    tpu.wait_dma2 semaphore(%arg12 : memref<!tpu.dma_semaphore, #tpu.memory_space<semaphore_mem>>) src(%dma_wait3A_683 : memref<512xf32, #tpu.memory_space<vmem>>) dst(%dma_wait3A_681 : memref<512xf32, #tpu.memory_space<hbm>>)
    %dma_wait3A_684 = arith.constant 6 : i32
    %dma_wait3A_685 = arith.constant 1024 : i32
    %dma_wait3A_686 = tpu.memref_slice %arg8[%dma_wait3A_685] : memref<2048xf32, #tpu.memory_space<vmem>> -> memref<512xf32, #tpu.memory_space<vmem>>
    %dma_wait3A_687 = tpu.memref_slice %arg5[%dma_wait3A_684, %mul3A_2] : memref<16x16384xf32, #tpu.memory_space<hbm>> -> memref<1x512xf32, #tpu.memory_space<hbm>>
    %dma_wait3A_688 = tpu.memref_squeeze %dma_wait3A_687 : memref<1x512xf32, #tpu.memory_space<hbm>> -> memref<512xf32, #tpu.memory_space<hbm>>
    %dma_wait3A_689 = tpu.memref_slice %arg5[%dma_wait3A_684, %mul3A_2] : memref<16x16384xf32, #tpu.memory_space<hbm>> -> memref<1x512xf32, #tpu.memory_space<hbm>>
    %dma_wait3A_690 = tpu.memref_squeeze %dma_wait3A_689 : memref<1x512xf32, #tpu.memory_space<hbm>> -> memref<512xf32, #tpu.memory_space<hbm>>
    %dma_wait3A_691 = arith.constant 1024 : i32
    %dma_wait3A_692 = tpu.memref_slice %arg8[%dma_wait3A_691] : memref<2048xf32, #tpu.memory_space<vmem>> -> memref<512xf32, #tpu.memory_space<vmem>>
    tpu.wait_dma2 semaphore(%arg12 : memref<!tpu.dma_semaphore, #tpu.memory_space<semaphore_mem>>) src(%dma_wait3A_692 : memref<512xf32, #tpu.memory_space<vmem>>) dst(%dma_wait3A_690 : memref<512xf32, #tpu.memory_space<hbm>>)
    %dma_wait3A_693 = arith.constant 7 : i32
    %dma_wait3A_694 = arith.constant 1536 : i32
    %dma_wait3A_695 = tpu.memref_slice %arg8[%dma_wait3A_694] : memref<2048xf32, #tpu.memory_space<vmem>> -> memref<512xf32, #tpu.memory_space<vmem>>
    %dma_wait3A_696 = tpu.memref_slice %arg5[%dma_wait3A_693, %mul3A_2] : memref<16x16384xf32, #tpu.memory_space<hbm>> -> memref<1x512xf32, #tpu.memory_space<hbm>>
    %dma_wait3A_697 = tpu.memref_squeeze %dma_wait3A_696 : memref<1x512xf32, #tpu.memory_space<hbm>> -> memref<512xf32, #tpu.memory_space<hbm>>
    %dma_wait3A_698 = tpu.memref_slice %arg5[%dma_wait3A_693, %mul3A_2] : memref<16x16384xf32, #tpu.memory_space<hbm>> -> memref<1x512xf32, #tpu.memory_space<hbm>>
    %dma_wait3A_699 = tpu.memref_squeeze %dma_wait3A_698 : memref<1x512xf32, #tpu.memory_space<hbm>> -> memref<512xf32, #tpu.memory_space<hbm>>
    %dma_wait3A_700 = arith.constant 1536 : i32
    %dma_wait3A_701 = tpu.memref_slice %arg8[%dma_wait3A_700] : memref<2048xf32, #tpu.memory_space<vmem>> -> memref<512xf32, #tpu.memory_space<vmem>>
    tpu.wait_dma2 semaphore(%arg12 : memref<!tpu.dma_semaphore, #tpu.memory_space<semaphore_mem>>) src(%dma_wait3A_701 : memref<512xf32, #tpu.memory_space<vmem>>) dst(%dma_wait3A_699 : memref<512xf32, #tpu.memory_space<hbm>>)
    %dma_start3A_702 = arith.constant 0 : i32
    %dma_start3A_703 = tpu.memref_slice %arg8[%dma_start3A_702] : memref<2048xf32, #tpu.memory_space<vmem>> -> memref<512xf32, #tpu.memory_space<vmem>>
    %dma_start3A_704 = arith.constant 1201152 : i32
    %dma_start3A_705 = tpu.memref_slice %arg10[%dma_start3A_704] : memref<1601536xf32, #tpu.memory_space<vmem_shared>> -> memref<100096xf32, #tpu.memory_space<vmem_shared>>
    %dma_start3A_706 = arith.constant 0 : i32
    %dma_start3A_707 = tpu.memref_slice %dma_start3A_705[%dma_start3A_706] : memref<100096xf32, #tpu.memory_space<vmem_shared>> -> memref<100096xf32, #tpu.memory_space<vmem_shared>>
    tpu.enqueue_indirect_dma source(%dma_start3A_707 : memref<100096xf32, #tpu.memory_space<vmem_shared>>) target(%dma_start3A_703 : memref<512xf32, #tpu.memory_space<vmem>>) offsets(%arg6 : memref<512xi32, #tpu.memory_space<vmem>>) semaphore(%arg13 : memref<!tpu.dma_semaphore, #tpu.memory_space<semaphore_mem>>)
    %dma_start3A_708 = arith.constant 512 : i32
    %dma_start3A_709 = tpu.memref_slice %arg8[%dma_start3A_708] : memref<2048xf32, #tpu.memory_space<vmem>> -> memref<512xf32, #tpu.memory_space<vmem>>
    %dma_start3A_710 = arith.constant 1301248 : i32
    %dma_start3A_711 = tpu.memref_slice %arg10[%dma_start3A_710] : memref<1601536xf32, #tpu.memory_space<vmem_shared>> -> memref<100096xf32, #tpu.memory_space<vmem_shared>>
    %dma_start3A_712 = arith.constant 0 : i32
    %dma_start3A_713 = tpu.memref_slice %dma_start3A_711[%dma_start3A_712] : memref<100096xf32, #tpu.memory_space<vmem_shared>> -> memref<100096xf32, #tpu.memory_space<vmem_shared>>
    tpu.enqueue_indirect_dma source(%dma_start3A_713 : memref<100096xf32, #tpu.memory_space<vmem_shared>>) target(%dma_start3A_709 : memref<512xf32, #tpu.memory_space<vmem>>) offsets(%arg6 : memref<512xi32, #tpu.memory_space<vmem>>) semaphore(%arg13 : memref<!tpu.dma_semaphore, #tpu.memory_space<semaphore_mem>>)
    %dma_start3A_714 = arith.constant 1024 : i32
    %dma_start3A_715 = tpu.memref_slice %arg8[%dma_start3A_714] : memref<2048xf32, #tpu.memory_space<vmem>> -> memref<512xf32, #tpu.memory_space<vmem>>
    %dma_start3A_716 = arith.constant 1401344 : i32
    %dma_start3A_717 = tpu.memref_slice %arg10[%dma_start3A_716] : memref<1601536xf32, #tpu.memory_space<vmem_shared>> -> memref<100096xf32, #tpu.memory_space<vmem_shared>>
    %dma_start3A_718 = arith.constant 0 : i32
    %dma_start3A_719 = tpu.memref_slice %dma_start3A_717[%dma_start3A_718] : memref<100096xf32, #tpu.memory_space<vmem_shared>> -> memref<100096xf32, #tpu.memory_space<vmem_shared>>
    tpu.enqueue_indirect_dma source(%dma_start3A_719 : memref<100096xf32, #tpu.memory_space<vmem_shared>>) target(%dma_start3A_715 : memref<512xf32, #tpu.memory_space<vmem>>) offsets(%arg6 : memref<512xi32, #tpu.memory_space<vmem>>) semaphore(%arg13 : memref<!tpu.dma_semaphore, #tpu.memory_space<semaphore_mem>>)
    %dma_start3A_720 = arith.constant 1536 : i32
    %dma_start3A_721 = tpu.memref_slice %arg8[%dma_start3A_720] : memref<2048xf32, #tpu.memory_space<vmem>> -> memref<512xf32, #tpu.memory_space<vmem>>
    %dma_start3A_722 = arith.constant 1501440 : i32
    %dma_start3A_723 = tpu.memref_slice %arg10[%dma_start3A_722] : memref<1601536xf32, #tpu.memory_space<vmem_shared>> -> memref<100096xf32, #tpu.memory_space<vmem_shared>>
    %dma_start3A_724 = arith.constant 0 : i32
    %dma_start3A_725 = tpu.memref_slice %dma_start3A_723[%dma_start3A_724] : memref<100096xf32, #tpu.memory_space<vmem_shared>> -> memref<100096xf32, #tpu.memory_space<vmem_shared>>
    tpu.enqueue_indirect_dma source(%dma_start3A_725 : memref<100096xf32, #tpu.memory_space<vmem_shared>>) target(%dma_start3A_721 : memref<512xf32, #tpu.memory_space<vmem>>) offsets(%arg6 : memref<512xi32, #tpu.memory_space<vmem>>) semaphore(%arg13 : memref<!tpu.dma_semaphore, #tpu.memory_space<semaphore_mem>>)
    %dma_wait3A_726 = arith.constant 0 : i32
    %dma_wait3A_727 = tpu.memref_slice %arg8[%dma_wait3A_726] : memref<2048xf32, #tpu.memory_space<vmem>> -> memref<512xf32, #tpu.memory_space<vmem>>
    %dma_wait3A_728 = arith.constant 1201152 : i32
    %dma_wait3A_729 = tpu.memref_slice %arg10[%dma_wait3A_728] : memref<1601536xf32, #tpu.memory_space<vmem_shared>> -> memref<100096xf32, #tpu.memory_space<vmem_shared>>
    %dma_wait3A_730 = arith.constant 0 : i32
    %dma_wait3A_731 = tpu.memref_slice %dma_wait3A_729[%dma_wait3A_730] : memref<100096xf32, #tpu.memory_space<vmem_shared>> -> memref<100096xf32, #tpu.memory_space<vmem_shared>>
    tpu.wait_indirect_dma semaphore(%arg13 : memref<!tpu.dma_semaphore, #tpu.memory_space<semaphore_mem>>) src(%dma_wait3A_731 : memref<100096xf32, #tpu.memory_space<vmem_shared>>) dst(%dma_wait3A_727 : memref<512xf32, #tpu.memory_space<vmem>>)
    %dma_wait3A_732 = arith.constant 512 : i32
    %dma_wait3A_733 = tpu.memref_slice %arg8[%dma_wait3A_732] : memref<2048xf32, #tpu.memory_space<vmem>> -> memref<512xf32, #tpu.memory_space<vmem>>
    %dma_wait3A_734 = arith.constant 1301248 : i32
    %dma_wait3A_735 = tpu.memref_slice %arg10[%dma_wait3A_734] : memref<1601536xf32, #tpu.memory_space<vmem_shared>> -> memref<100096xf32, #tpu.memory_space<vmem_shared>>
    %dma_wait3A_736 = arith.constant 0 : i32
    %dma_wait3A_737 = tpu.memref_slice %dma_wait3A_735[%dma_wait3A_736] : memref<100096xf32, #tpu.memory_space<vmem_shared>> -> memref<100096xf32, #tpu.memory_space<vmem_shared>>
    tpu.wait_indirect_dma semaphore(%arg13 : memref<!tpu.dma_semaphore, #tpu.memory_space<semaphore_mem>>) src(%dma_wait3A_737 : memref<100096xf32, #tpu.memory_space<vmem_shared>>) dst(%dma_wait3A_733 : memref<512xf32, #tpu.memory_space<vmem>>)
    %dma_wait3A_738 = arith.constant 1024 : i32
    %dma_wait3A_739 = tpu.memref_slice %arg8[%dma_wait3A_738] : memref<2048xf32, #tpu.memory_space<vmem>> -> memref<512xf32, #tpu.memory_space<vmem>>
    %dma_wait3A_740 = arith.constant 1401344 : i32
    %dma_wait3A_741 = tpu.memref_slice %arg10[%dma_wait3A_740] : memref<1601536xf32, #tpu.memory_space<vmem_shared>> -> memref<100096xf32, #tpu.memory_space<vmem_shared>>
    %dma_wait3A_742 = arith.constant 0 : i32
    %dma_wait3A_743 = tpu.memref_slice %dma_wait3A_741[%dma_wait3A_742] : memref<100096xf32, #tpu.memory_space<vmem_shared>> -> memref<100096xf32, #tpu.memory_space<vmem_shared>>
    tpu.wait_indirect_dma semaphore(%arg13 : memref<!tpu.dma_semaphore, #tpu.memory_space<semaphore_mem>>) src(%dma_wait3A_743 : memref<100096xf32, #tpu.memory_space<vmem_shared>>) dst(%dma_wait3A_739 : memref<512xf32, #tpu.memory_space<vmem>>)
    %dma_wait3A_744 = arith.constant 1536 : i32
    %dma_wait3A_745 = tpu.memref_slice %arg8[%dma_wait3A_744] : memref<2048xf32, #tpu.memory_space<vmem>> -> memref<512xf32, #tpu.memory_space<vmem>>
    %dma_wait3A_746 = arith.constant 1501440 : i32
    %dma_wait3A_747 = tpu.memref_slice %arg10[%dma_wait3A_746] : memref<1601536xf32, #tpu.memory_space<vmem_shared>> -> memref<100096xf32, #tpu.memory_space<vmem_shared>>
    %dma_wait3A_748 = arith.constant 0 : i32
    %dma_wait3A_749 = tpu.memref_slice %dma_wait3A_747[%dma_wait3A_748] : memref<100096xf32, #tpu.memory_space<vmem_shared>> -> memref<100096xf32, #tpu.memory_space<vmem_shared>>
    tpu.wait_indirect_dma semaphore(%arg13 : memref<!tpu.dma_semaphore, #tpu.memory_space<semaphore_mem>>) src(%dma_wait3A_749 : memref<100096xf32, #tpu.memory_space<vmem_shared>>) dst(%dma_wait3A_745 : memref<512xf32, #tpu.memory_space<vmem>>)
    %dma_start3A_750 = arith.constant 12 : i32
    %dma_start3A_751 = arith.constant 0 : i32
    %dma_start3A_752 = tpu.memref_slice %arg8[%dma_start3A_751] : memref<2048xf32, #tpu.memory_space<vmem>> -> memref<512xf32, #tpu.memory_space<vmem>>
    %dma_start3A_753 = tpu.memref_slice %arg5[%dma_start3A_750, %mul3A_2] : memref<16x16384xf32, #tpu.memory_space<hbm>> -> memref<1x512xf32, #tpu.memory_space<hbm>>
    %dma_start3A_754 = tpu.memref_squeeze %dma_start3A_753 : memref<1x512xf32, #tpu.memory_space<hbm>> -> memref<512xf32, #tpu.memory_space<hbm>>
    %dma_start3A_755 = tpu.memref_slice %arg5[%dma_start3A_750, %mul3A_2] : memref<16x16384xf32, #tpu.memory_space<hbm>> -> memref<1x512xf32, #tpu.memory_space<hbm>>
    %dma_start3A_756 = tpu.memref_squeeze %dma_start3A_755 : memref<1x512xf32, #tpu.memory_space<hbm>> -> memref<512xf32, #tpu.memory_space<hbm>>
    %dma_start3A_757 = arith.constant 0 : i32
    %dma_start3A_758 = tpu.memref_slice %arg8[%dma_start3A_757] : memref<2048xf32, #tpu.memory_space<vmem>> -> memref<512xf32, #tpu.memory_space<vmem>>
    tpu.enqueue_dma source(%dma_start3A_758 : memref<512xf32, #tpu.memory_space<vmem>>) target(%dma_start3A_756 : memref<512xf32, #tpu.memory_space<hbm>>) target_semaphore(%arg12 : memref<!tpu.dma_semaphore, #tpu.memory_space<semaphore_mem>>)
    %dma_start3A_759 = arith.constant 13 : i32
    %dma_start3A_760 = arith.constant 512 : i32
    %dma_start3A_761 = tpu.memref_slice %arg8[%dma_start3A_760] : memref<2048xf32, #tpu.memory_space<vmem>> -> memref<512xf32, #tpu.memory_space<vmem>>
    %dma_start3A_762 = tpu.memref_slice %arg5[%dma_start3A_759, %mul3A_2] : memref<16x16384xf32, #tpu.memory_space<hbm>> -> memref<1x512xf32, #tpu.memory_space<hbm>>
    %dma_start3A_763 = tpu.memref_squeeze %dma_start3A_762 : memref<1x512xf32, #tpu.memory_space<hbm>> -> memref<512xf32, #tpu.memory_space<hbm>>
    %dma_start3A_764 = tpu.memref_slice %arg5[%dma_start3A_759, %mul3A_2] : memref<16x16384xf32, #tpu.memory_space<hbm>> -> memref<1x512xf32, #tpu.memory_space<hbm>>
    %dma_start3A_765 = tpu.memref_squeeze %dma_start3A_764 : memref<1x512xf32, #tpu.memory_space<hbm>> -> memref<512xf32, #tpu.memory_space<hbm>>
    %dma_start3A_766 = arith.constant 512 : i32
    %dma_start3A_767 = tpu.memref_slice %arg8[%dma_start3A_766] : memref<2048xf32, #tpu.memory_space<vmem>> -> memref<512xf32, #tpu.memory_space<vmem>>
    tpu.enqueue_dma source(%dma_start3A_767 : memref<512xf32, #tpu.memory_space<vmem>>) target(%dma_start3A_765 : memref<512xf32, #tpu.memory_space<hbm>>) target_semaphore(%arg12 : memref<!tpu.dma_semaphore, #tpu.memory_space<semaphore_mem>>)
    %dma_start3A_768 = arith.constant 14 : i32
    %dma_start3A_769 = arith.constant 1024 : i32
    %dma_start3A_770 = tpu.memref_slice %arg8[%dma_start3A_769] : memref<2048xf32, #tpu.memory_space<vmem>> -> memref<512xf32, #tpu.memory_space<vmem>>
    %dma_start3A_771 = tpu.memref_slice %arg5[%dma_start3A_768, %mul3A_2] : memref<16x16384xf32, #tpu.memory_space<hbm>> -> memref<1x512xf32, #tpu.memory_space<hbm>>
    %dma_start3A_772 = tpu.memref_squeeze %dma_start3A_771 : memref<1x512xf32, #tpu.memory_space<hbm>> -> memref<512xf32, #tpu.memory_space<hbm>>
    %dma_start3A_773 = tpu.memref_slice %arg5[%dma_start3A_768, %mul3A_2] : memref<16x16384xf32, #tpu.memory_space<hbm>> -> memref<1x512xf32, #tpu.memory_space<hbm>>
    %dma_start3A_774 = tpu.memref_squeeze %dma_start3A_773 : memref<1x512xf32, #tpu.memory_space<hbm>> -> memref<512xf32, #tpu.memory_space<hbm>>
    %dma_start3A_775 = arith.constant 1024 : i32
    %dma_start3A_776 = tpu.memref_slice %arg8[%dma_start3A_775] : memref<2048xf32, #tpu.memory_space<vmem>> -> memref<512xf32, #tpu.memory_space<vmem>>
    tpu.enqueue_dma source(%dma_start3A_776 : memref<512xf32, #tpu.memory_space<vmem>>) target(%dma_start3A_774 : memref<512xf32, #tpu.memory_space<hbm>>) target_semaphore(%arg12 : memref<!tpu.dma_semaphore, #tpu.memory_space<semaphore_mem>>)
    %dma_start3A_777 = arith.constant 15 : i32
    %dma_start3A_778 = arith.constant 1536 : i32
    %dma_start3A_779 = tpu.memref_slice %arg8[%dma_start3A_778] : memref<2048xf32, #tpu.memory_space<vmem>> -> memref<512xf32, #tpu.memory_space<vmem>>
    %dma_start3A_780 = tpu.memref_slice %arg5[%dma_start3A_777, %mul3A_2] : memref<16x16384xf32, #tpu.memory_space<hbm>> -> memref<1x512xf32, #tpu.memory_space<hbm>>
    %dma_start3A_781 = tpu.memref_squeeze %dma_start3A_780 : memref<1x512xf32, #tpu.memory_space<hbm>> -> memref<512xf32, #tpu.memory_space<hbm>>
    %dma_start3A_782 = tpu.memref_slice %arg5[%dma_start3A_777, %mul3A_2] : memref<16x16384xf32, #tpu.memory_space<hbm>> -> memref<1x512xf32, #tpu.memory_space<hbm>>
    %dma_start3A_783 = tpu.memref_squeeze %dma_start3A_782 : memref<1x512xf32, #tpu.memory_space<hbm>> -> memref<512xf32, #tpu.memory_space<hbm>>
    %dma_start3A_784 = arith.constant 1536 : i32
    %dma_start3A_785 = tpu.memref_slice %arg8[%dma_start3A_784] : memref<2048xf32, #tpu.memory_space<vmem>> -> memref<512xf32, #tpu.memory_space<vmem>>
    tpu.enqueue_dma source(%dma_start3A_785 : memref<512xf32, #tpu.memory_space<vmem>>) target(%dma_start3A_783 : memref<512xf32, #tpu.memory_space<hbm>>) target_semaphore(%arg12 : memref<!tpu.dma_semaphore, #tpu.memory_space<semaphore_mem>>)
    %dma_wait3A_786 = arith.constant 8 : i32
    %dma_wait3A_787 = arith.constant 0 : i32
    %dma_wait3A_788 = tpu.memref_slice %arg7[%dma_wait3A_787] : memref<2048xf32, #tpu.memory_space<vmem>> -> memref<512xf32, #tpu.memory_space<vmem>>
    %dma_wait3A_789 = tpu.memref_slice %arg5[%dma_wait3A_786, %mul3A_2] : memref<16x16384xf32, #tpu.memory_space<hbm>> -> memref<1x512xf32, #tpu.memory_space<hbm>>
    %dma_wait3A_790 = tpu.memref_squeeze %dma_wait3A_789 : memref<1x512xf32, #tpu.memory_space<hbm>> -> memref<512xf32, #tpu.memory_space<hbm>>
    %dma_wait3A_791 = tpu.memref_slice %arg5[%dma_wait3A_786, %mul3A_2] : memref<16x16384xf32, #tpu.memory_space<hbm>> -> memref<1x512xf32, #tpu.memory_space<hbm>>
    %dma_wait3A_792 = tpu.memref_squeeze %dma_wait3A_791 : memref<1x512xf32, #tpu.memory_space<hbm>> -> memref<512xf32, #tpu.memory_space<hbm>>
    %dma_wait3A_793 = arith.constant 0 : i32
    %dma_wait3A_794 = tpu.memref_slice %arg7[%dma_wait3A_793] : memref<2048xf32, #tpu.memory_space<vmem>> -> memref<512xf32, #tpu.memory_space<vmem>>
    tpu.wait_dma2 semaphore(%arg12 : memref<!tpu.dma_semaphore, #tpu.memory_space<semaphore_mem>>) src(%dma_wait3A_794 : memref<512xf32, #tpu.memory_space<vmem>>) dst(%dma_wait3A_792 : memref<512xf32, #tpu.memory_space<hbm>>)
    %dma_wait3A_795 = arith.constant 9 : i32
    %dma_wait3A_796 = arith.constant 512 : i32
    %dma_wait3A_797 = tpu.memref_slice %arg7[%dma_wait3A_796] : memref<2048xf32, #tpu.memory_space<vmem>> -> memref<512xf32, #tpu.memory_space<vmem>>
    %dma_wait3A_798 = tpu.memref_slice %arg5[%dma_wait3A_795, %mul3A_2] : memref<16x16384xf32, #tpu.memory_space<hbm>> -> memref<1x512xf32, #tpu.memory_space<hbm>>
    %dma_wait3A_799 = tpu.memref_squeeze %dma_wait3A_798 : memref<1x512xf32, #tpu.memory_space<hbm>> -> memref<512xf32, #tpu.memory_space<hbm>>
    %dma_wait3A_800 = tpu.memref_slice %arg5[%dma_wait3A_795, %mul3A_2] : memref<16x16384xf32, #tpu.memory_space<hbm>> -> memref<1x512xf32, #tpu.memory_space<hbm>>
    %dma_wait3A_801 = tpu.memref_squeeze %dma_wait3A_800 : memref<1x512xf32, #tpu.memory_space<hbm>> -> memref<512xf32, #tpu.memory_space<hbm>>
    %dma_wait3A_802 = arith.constant 512 : i32
    %dma_wait3A_803 = tpu.memref_slice %arg7[%dma_wait3A_802] : memref<2048xf32, #tpu.memory_space<vmem>> -> memref<512xf32, #tpu.memory_space<vmem>>
    tpu.wait_dma2 semaphore(%arg12 : memref<!tpu.dma_semaphore, #tpu.memory_space<semaphore_mem>>) src(%dma_wait3A_803 : memref<512xf32, #tpu.memory_space<vmem>>) dst(%dma_wait3A_801 : memref<512xf32, #tpu.memory_space<hbm>>)
    %dma_wait3A_804 = arith.constant 10 : i32
    %dma_wait3A_805 = arith.constant 1024 : i32
    %dma_wait3A_806 = tpu.memref_slice %arg7[%dma_wait3A_805] : memref<2048xf32, #tpu.memory_space<vmem>> -> memref<512xf32, #tpu.memory_space<vmem>>
    %dma_wait3A_807 = tpu.memref_slice %arg5[%dma_wait3A_804, %mul3A_2] : memref<16x16384xf32, #tpu.memory_space<hbm>> -> memref<1x512xf32, #tpu.memory_space<hbm>>
    %dma_wait3A_808 = tpu.memref_squeeze %dma_wait3A_807 : memref<1x512xf32, #tpu.memory_space<hbm>> -> memref<512xf32, #tpu.memory_space<hbm>>
    %dma_wait3A_809 = tpu.memref_slice %arg5[%dma_wait3A_804, %mul3A_2] : memref<16x16384xf32, #tpu.memory_space<hbm>> -> memref<1x512xf32, #tpu.memory_space<hbm>>
    %dma_wait3A_810 = tpu.memref_squeeze %dma_wait3A_809 : memref<1x512xf32, #tpu.memory_space<hbm>> -> memref<512xf32, #tpu.memory_space<hbm>>
    %dma_wait3A_811 = arith.constant 1024 : i32
    %dma_wait3A_812 = tpu.memref_slice %arg7[%dma_wait3A_811] : memref<2048xf32, #tpu.memory_space<vmem>> -> memref<512xf32, #tpu.memory_space<vmem>>
    tpu.wait_dma2 semaphore(%arg12 : memref<!tpu.dma_semaphore, #tpu.memory_space<semaphore_mem>>) src(%dma_wait3A_812 : memref<512xf32, #tpu.memory_space<vmem>>) dst(%dma_wait3A_810 : memref<512xf32, #tpu.memory_space<hbm>>)
    %dma_wait3A_813 = arith.constant 11 : i32
    %dma_wait3A_814 = arith.constant 1536 : i32
    %dma_wait3A_815 = tpu.memref_slice %arg7[%dma_wait3A_814] : memref<2048xf32, #tpu.memory_space<vmem>> -> memref<512xf32, #tpu.memory_space<vmem>>
    %dma_wait3A_816 = tpu.memref_slice %arg5[%dma_wait3A_813, %mul3A_2] : memref<16x16384xf32, #tpu.memory_space<hbm>> -> memref<1x512xf32, #tpu.memory_space<hbm>>
    %dma_wait3A_817 = tpu.memref_squeeze %dma_wait3A_816 : memref<1x512xf32, #tpu.memory_space<hbm>> -> memref<512xf32, #tpu.memory_space<hbm>>
    %dma_wait3A_818 = tpu.memref_slice %arg5[%dma_wait3A_813, %mul3A_2] : memref<16x16384xf32, #tpu.memory_space<hbm>> -> memref<1x512xf32, #tpu.memory_space<hbm>>
    %dma_wait3A_819 = tpu.memref_squeeze %dma_wait3A_818 : memref<1x512xf32, #tpu.memory_space<hbm>> -> memref<512xf32, #tpu.memory_space<hbm>>
    %dma_wait3A_820 = arith.constant 1536 : i32
    %dma_wait3A_821 = tpu.memref_slice %arg7[%dma_wait3A_820] : memref<2048xf32, #tpu.memory_space<vmem>> -> memref<512xf32, #tpu.memory_space<vmem>>
    tpu.wait_dma2 semaphore(%arg12 : memref<!tpu.dma_semaphore, #tpu.memory_space<semaphore_mem>>) src(%dma_wait3A_821 : memref<512xf32, #tpu.memory_space<vmem>>) dst(%dma_wait3A_819 : memref<512xf32, #tpu.memory_space<hbm>>)
    %dma_wait3A_822 = arith.constant 12 : i32
    %dma_wait3A_823 = arith.constant 0 : i32
    %dma_wait3A_824 = tpu.memref_slice %arg8[%dma_wait3A_823] : memref<2048xf32, #tpu.memory_space<vmem>> -> memref<512xf32, #tpu.memory_space<vmem>>
    %dma_wait3A_825 = tpu.memref_slice %arg5[%dma_wait3A_822, %mul3A_2] : memref<16x16384xf32, #tpu.memory_space<hbm>> -> memref<1x512xf32, #tpu.memory_space<hbm>>
    %dma_wait3A_826 = tpu.memref_squeeze %dma_wait3A_825 : memref<1x512xf32, #tpu.memory_space<hbm>> -> memref<512xf32, #tpu.memory_space<hbm>>
    %dma_wait3A_827 = tpu.memref_slice %arg5[%dma_wait3A_822, %mul3A_2] : memref<16x16384xf32, #tpu.memory_space<hbm>> -> memref<1x512xf32, #tpu.memory_space<hbm>>
    %dma_wait3A_828 = tpu.memref_squeeze %dma_wait3A_827 : memref<1x512xf32, #tpu.memory_space<hbm>> -> memref<512xf32, #tpu.memory_space<hbm>>
    %dma_wait3A_829 = arith.constant 0 : i32
    %dma_wait3A_830 = tpu.memref_slice %arg8[%dma_wait3A_829] : memref<2048xf32, #tpu.memory_space<vmem>> -> memref<512xf32, #tpu.memory_space<vmem>>
    tpu.wait_dma2 semaphore(%arg12 : memref<!tpu.dma_semaphore, #tpu.memory_space<semaphore_mem>>) src(%dma_wait3A_830 : memref<512xf32, #tpu.memory_space<vmem>>) dst(%dma_wait3A_828 : memref<512xf32, #tpu.memory_space<hbm>>)
    %dma_wait3A_831 = arith.constant 13 : i32
    %dma_wait3A_832 = arith.constant 512 : i32
    %dma_wait3A_833 = tpu.memref_slice %arg8[%dma_wait3A_832] : memref<2048xf32, #tpu.memory_space<vmem>> -> memref<512xf32, #tpu.memory_space<vmem>>
    %dma_wait3A_834 = tpu.memref_slice %arg5[%dma_wait3A_831, %mul3A_2] : memref<16x16384xf32, #tpu.memory_space<hbm>> -> memref<1x512xf32, #tpu.memory_space<hbm>>
    %dma_wait3A_835 = tpu.memref_squeeze %dma_wait3A_834 : memref<1x512xf32, #tpu.memory_space<hbm>> -> memref<512xf32, #tpu.memory_space<hbm>>
    %dma_wait3A_836 = tpu.memref_slice %arg5[%dma_wait3A_831, %mul3A_2] : memref<16x16384xf32, #tpu.memory_space<hbm>> -> memref<1x512xf32, #tpu.memory_space<hbm>>
    %dma_wait3A_837 = tpu.memref_squeeze %dma_wait3A_836 : memref<1x512xf32, #tpu.memory_space<hbm>> -> memref<512xf32, #tpu.memory_space<hbm>>
    %dma_wait3A_838 = arith.constant 512 : i32
    %dma_wait3A_839 = tpu.memref_slice %arg8[%dma_wait3A_838] : memref<2048xf32, #tpu.memory_space<vmem>> -> memref<512xf32, #tpu.memory_space<vmem>>
    tpu.wait_dma2 semaphore(%arg12 : memref<!tpu.dma_semaphore, #tpu.memory_space<semaphore_mem>>) src(%dma_wait3A_839 : memref<512xf32, #tpu.memory_space<vmem>>) dst(%dma_wait3A_837 : memref<512xf32, #tpu.memory_space<hbm>>)
    %dma_wait3A_840 = arith.constant 14 : i32
    %dma_wait3A_841 = arith.constant 1024 : i32
    %dma_wait3A_842 = tpu.memref_slice %arg8[%dma_wait3A_841] : memref<2048xf32, #tpu.memory_space<vmem>> -> memref<512xf32, #tpu.memory_space<vmem>>
    %dma_wait3A_843 = tpu.memref_slice %arg5[%dma_wait3A_840, %mul3A_2] : memref<16x16384xf32, #tpu.memory_space<hbm>> -> memref<1x512xf32, #tpu.memory_space<hbm>>
    %dma_wait3A_844 = tpu.memref_squeeze %dma_wait3A_843 : memref<1x512xf32, #tpu.memory_space<hbm>> -> memref<512xf32, #tpu.memory_space<hbm>>
    %dma_wait3A_845 = tpu.memref_slice %arg5[%dma_wait3A_840, %mul3A_2] : memref<16x16384xf32, #tpu.memory_space<hbm>> -> memref<1x512xf32, #tpu.memory_space<hbm>>
    %dma_wait3A_846 = tpu.memref_squeeze %dma_wait3A_845 : memref<1x512xf32, #tpu.memory_space<hbm>> -> memref<512xf32, #tpu.memory_space<hbm>>
    %dma_wait3A_847 = arith.constant 1024 : i32
    %dma_wait3A_848 = tpu.memref_slice %arg8[%dma_wait3A_847] : memref<2048xf32, #tpu.memory_space<vmem>> -> memref<512xf32, #tpu.memory_space<vmem>>
    tpu.wait_dma2 semaphore(%arg12 : memref<!tpu.dma_semaphore, #tpu.memory_space<semaphore_mem>>) src(%dma_wait3A_848 : memref<512xf32, #tpu.memory_space<vmem>>) dst(%dma_wait3A_846 : memref<512xf32, #tpu.memory_space<hbm>>)
    %dma_wait3A_849 = arith.constant 15 : i32
    %dma_wait3A_850 = arith.constant 1536 : i32
    %dma_wait3A_851 = tpu.memref_slice %arg8[%dma_wait3A_850] : memref<2048xf32, #tpu.memory_space<vmem>> -> memref<512xf32, #tpu.memory_space<vmem>>
    %dma_wait3A_852 = tpu.memref_slice %arg5[%dma_wait3A_849, %mul3A_2] : memref<16x16384xf32, #tpu.memory_space<hbm>> -> memref<1x512xf32, #tpu.memory_space<hbm>>
    %dma_wait3A_853 = tpu.memref_squeeze %dma_wait3A_852 : memref<1x512xf32, #tpu.memory_space<hbm>> -> memref<512xf32, #tpu.memory_space<hbm>>
    %dma_wait3A_854 = tpu.memref_slice %arg5[%dma_wait3A_849, %mul3A_2] : memref<16x16384xf32, #tpu.memory_space<hbm>> -> memref<1x512xf32, #tpu.memory_space<hbm>>
    %dma_wait3A_855 = tpu.memref_squeeze %dma_wait3A_854 : memref<1x512xf32, #tpu.memory_space<hbm>> -> memref<512xf32, #tpu.memory_space<hbm>>
    %dma_wait3A_856 = arith.constant 1536 : i32
    %dma_wait3A_857 = tpu.memref_slice %arg8[%dma_wait3A_856] : memref<2048xf32, #tpu.memory_space<vmem>> -> memref<512xf32, #tpu.memory_space<vmem>>
    tpu.wait_dma2 semaphore(%arg12 : memref<!tpu.dma_semaphore, #tpu.memory_space<semaphore_mem>>) src(%dma_wait3A_857 : memref<512xf32, #tpu.memory_space<vmem>>) dst(%dma_wait3A_855 : memref<512xf32, #tpu.memory_space<hbm>>)
    return
  }
}

</mosaic_0001>

<sc_bundles>
// kernel: kernel.3.cloned.1.call-start
scs
__scs_entry_jumppad:
0x0: {  	(pc) =	sbr.rel $0x88, $3  }
0x1: {  	(tag) =	ssettag $0x0;
	lr =	simm.s32 $0x1  }
0x2: {  	[smem:$0x3F9F] =	sst lr;
	_ =	strace $0xD0000000  }
0x3: {  	_ = 	snop  }
0x4: {  	_ = 	snop  }
0x5: {  	_ = 	snop  }
0x6: {  	_ = 	snop  }
0x7: {  	_ = 	snop  }
__scs_overlays_trampoline_lowered:
0x8: {  	[smem:$0x3FAE] =	sst s0  }
0x9: {  	[smem:$0x3FAF] =	sst s1  }
0xa: {  	[smem:$0x3FB0] =	sst s2  }
0xb: {  	[smem:$0x3FB1] =	sst s3  }
0xc: {  	[smem:$0x3FB2] =	sst s4  }
0xd: {  	[smem:$0x3FB3] =	sst s5  }
0xe: {  	[smem:$0x3FB4] =	sst s6  }
0xf: {  	[smem:$0x3FB5] =	sst s7  }
0x10: {  	[smem:$0x3FB6] =	sst s8  }
0x11: {  	[smem:$0x3FB7] =	sst s9;
	s0 =	simm.s32 @!p0 $0x0  }
0x12: {  	s1 =	sld [smem:$0x3F9D];
	s0 =	simm.s32 @p0 $0x1  }
0x13: {  	[smem:$0x3FB8] =	sst s0;
	s0 =	simm.s32 @!p1 $0x0  }
0x14: {  	s2 =	sld [smem:$0x3F9C];
	s0 =	simm.s32 @p1 $0x1  }
0x15: {  	[smem:$0x3FB9] =	sst s0;
	s0 =	simm.s32 @!p2 $0x0  }
0x16: {  	s3 =	sld [smem:$0x3FDB];
	s0 =	simm.s32 @p2 $0x1  }
0x17: {  	s4 =	simm.s32 $0x1BF5;
	[smem:$0x3FBB] =	sst s0  }
0x18: {  	s0 =	sld [smem:$0x3F9E];
	_ =	swait.ge [sflag:s4], $0x0  }
0x19: {  	s7 =	sld [smem:$0x3F9F]  }
0x1a: {  	s8 =	sadd.s32 $0xFFFFE003, lr  }
0x1b: {  	s9 =	sadd.s32 $0xFFFFFEF7, lr;
	s5 =	simm.s32 $0xFFFFFFFF;
	p2 =	slt.u32 s8, $0xFFFFF086  }
0x1c: {  	p1 =	slt.u32 s9, $0xF7A;
	s5 =	simm.s32 @!p2 $0x0  }
0x1d: {  	s5 =	simm.s32 @p1 $0x1;
	p0 =	seq.s32 s7, s2  }
0x1e: {  	s7 =	smul.u32 @!p0 $0xF7A, s2;
	p2 =	seq.s32 @!p0 s5, $0x0  }
0x1f: {  	s9 =	smul.u32 $0xF7A, s1;
	s8 =	simm.s32 @!p0 $0x1BF5;
	p2 =	por !p2, p0  }
0x20: {  	[sflag:s8] =	ssyncset.s32 @!p0 $0xFFFFF086;
	s6 =	sadd.s32 @!p0 s3, s7;
	s7 =	simm.s32 @!p0 $0x108  }
0x21: {  	s3 =	sadd.s32 s3, s9;
	s6 =	sadd.s32 @!p0 $0x88, s6;
	s7 =	simm.s32 @p2 $0x1082  }
0x22: {  	[simem:s7], [sflag:s8] =	dma.local @!p0 [hbm:s6], $0xF7A  }
0x23: {  	s9 =	sor.u32 $0xD0000000, s2;
	s6 =	simm.s32 $0x108;
	_ =	swait.ge @!p0 [sflag:s8], $0x0  }
0x24: {  	s3 =	sadd.s32 $0x88, s3;
	s6 =	simm.s32 @!p1 $0x1082;
	[sflag:s4] =	ssyncset.s32 $0xFFFFF086  }
0x25: {  	[simem:s6], [sflag:s4] =	dma.local [hbm:s3], $0xF7A  }
0x26: {  	[smem:$0x3F9F] =	sst s1;
	(tag) =	ssettag s2;
	_ =	strace s9  }
0x27: {  	s1 =	sld [smem:$0x3FAF]  }
0x28: {  	s2 =	sld [smem:$0x3FB0]  }
0x29: {  	s4 =	sld [smem:$0x3FB2]  }
0x2a: {  	p0 =	seq.s32 s5, $0x0;
	s5 =	sld [smem:$0x3FB3]  }
0x2b: {  	s6 =	sld [smem:$0x3FB4]  }
0x2c: {  	s7 =	sld [smem:$0x3FB5]  }
0x2d: {  	s3 =	simm.s32 $0x108;
	s8 =	sld [smem:$0x3FB6]  }
0x2e: {  	s3 =	simm.s32 @!p0 $0x1082;
	s9 =	sld [smem:$0x3FB7]  }
0x2f: {  	lr =	sadd.s32 s0, s3;
	s0 =	sld [smem:$0x3FAE]  }
0x30: {  	s3 =	sld [smem:$0x3FB1]  }
0x31: {  	[smem:$0x3FBA] =	sst s10  }
0x32: {  	s10 =	sld [smem:$0x3FB8];
	_ =	sdelay $0x3  }
0x33: {  	p0 =	seq.s32 s10, $0x1;
	s10 =	sld [smem:$0x3FBA];
	_ =	sdelay $0x3  }
0x34: {  	[smem:$0x3FBA] =	sst s10  }
0x35: {  	s10 =	sld [smem:$0x3FB9];
	_ =	sdelay $0x3  }
0x36: {  	p1 =	seq.s32 s10, $0x1;
	s10 =	sld [smem:$0x3FBA];
	_ =	sdelay $0x3  }
0x37: {  	[smem:$0x3FBA] =	sst s10  }
0x38: {  	s10 =	sld [smem:$0x3FBB]  }
0x39: {  	_ = 	snop;
	(pc) =	sbr.ind lr, $3  }
0x3a: {  	_ = 	snop  }
0x3b: {  	_ = 	snop  }
0x3c: {  	p2 =	seq.s32 s10, $0x1;
	s10 =	sld [smem:$0x3FBA]  }
0x3d: {  	_ =	shalt  }
0x3e: {  	_ =	shalt  }
0x3f: {  	_ =	shalt  }
0x40: {  	_ =	shalt  }
0x41: {  	_ =	shalt  }
0x42: {  	_ =	shalt  }
0x43: {  	_ =	shalt  }
0x44: {  	_ =	shalt  }
0x45: {  	_ =	shalt  }
0x46: {  	_ =	shalt  }
0x47: {  	_ =	shalt  }
0x48: {  	_ =	shalt  }
0x49: {  	_ =	shalt  }
0x4a: {  	_ =	shalt  }
0x4b: {  	_ =	shalt  }
0x4c: {  	_ =	shalt  }
0x4d: {  	_ =	shalt  }
0x4e: {  	_ =	shalt  }
0x4f: {  	_ =	shalt  }
0x50: {  	_ =	shalt  }
0x51: {  	_ =	shalt  }
0x52: {  	_ =	shalt  }
0x53: {  	_ =	shalt  }
0x54: {  	_ =	shalt  }
0x55: {  	_ =	shalt  }
0x56: {  	_ =	shalt  }
0x57: {  	_ =	shalt  }
0x58: {  	_ =	shalt  }
0x59: {  	_ =	shalt  }
0x5a: {  	_ =	shalt  }
0x5b: {  	_ =	shalt  }
0x5c: {  	_ =	shalt  }
0x5d: {  	_ =	shalt  }
0x5e: {  	_ =	shalt  }
0x5f: {  	_ =	shalt  }
0x60: {  	_ =	shalt  }
0x61: {  	_ =	shalt  }
0x62: {  	_ =	shalt  }
0x63: {  	_ =	shalt  }
0x64: {  	_ =	shalt  }
0x65: {  	_ =	shalt  }
0x66: {  	_ =	shalt  }
0x67: {  	_ =	shalt  }
0x68: {  	_ =	shalt  }
0x69: {  	_ =	shalt  }
0x6a: {  	_ =	shalt  }
0x6b: {  	_ =	shalt  }
0x6c: {  	_ =	shalt  }
0x6d: {  	_ =	shalt  }
0x6e: {  	_ =	shalt  }
0x6f: {  	_ =	shalt  }
0x70: {  	_ =	shalt  }
0x71: {  	_ =	shalt  }
0x72: {  	_ =	shalt  }
0x73: {  	_ =	shalt  }
0x74: {  	_ =	shalt  }
0x75: {  	_ =	shalt  }
0x76: {  	_ =	shalt  }
0x77: {  	_ =	shalt  }
0x78: {  	_ =	shalt  }
0x79: {  	_ =	shalt  }
0x7a: {  	_ =	shalt  }
0x7b: {  	_ =	shalt  }
0x7c: {  	_ =	shalt  }
0x7d: {  	_ =	shalt  }
0x7e: {  	_ =	shalt  }
0x7f: {  	_ =	shalt  }
0x80: {  	_ =	shalt  }
0x81: {  	_ =	shalt  }
0x82: {  	_ =	shalt  }
0x83: {  	_ =	shalt  }
0x84: {  	_ =	shalt  }
0x85: {  	_ =	shalt  }
0x86: {  	_ =	shalt  }
0x87: {  	_ =	shalt  }
.Lfunc_end0:
.L_simem_size_0:
called_computation_lowered:
.L_overlay_start_0:
0x88: {  	s2 =	sld [smem:$0x3FD9]  }
0x89: {  	s3 =	sld [smem:$0x3FFE];
	_ =	sdelay $0x1  }
0x8a: {  	s1 =	srdreg.scid  }
0x8b: {  	s0 =	sand.u32 $0x1, s1  }
0x8c: {  	s17 =	sshll.u32 s0, $0xA;
	s2 =	sadd.s32 s3, s2  }
0x8d: {  	s2 =	sadd.s32 s2, s17  }
0x8e: {  	[smem:$0x3FC6] =	sst s2  }
0x8f: {  	_ = 	snop  }
0x90: {  	s2 =	sld [smem:$0x3FC9]  }
0x91: {  	s18 =	sld [smem:$0x3FC8]  }
0x92: {  	s4 =	sld [smem:$0x3FD0];
	(tm) =	ssettm $0x1  }
0x93: {  	s5 =	sld [smem:$0x3FFB];
	_ =	sdelay $0x3  }
0x94: {  	_ =	strace s5  }
0x95: {  	s5 =	sld [smem:$0x3FFC];
	_ =	sdelay $0x3  }
0x96: {  	_ =	strace s5  }
0x97: {  	s5 =	sld [smem:$0x3FFD];
	_ =	sdelay $0x3  }
0x98: {  	_ =	strace s5  }
0x99: {  	_ =	strace $0x8FFFFFFF  }
0x9a: {  	s19 =	sld [smem:$0x3FDB];
	_ =	sdelay $0x1  }
0x9b: {  	s6 =	simm.s32 $_scs_section_size  }
0x9c: {  	s7 =	simm.s32 $_size__tile_overlayer_lowered;
	s8 =	simm.s32 $_tile_overlayer_lowered  }
0x9d: {  	s22 =	simm.s32 $0x1BFF;
	s21 =	sshll.u32 s8, $0x1;
	s5 =	sadd.s32 s6, s19  }
0x9e: {  	s9 =	simm.s32 $0x0;
	s20 =	sshll.u32 s7, $0x1;
	s7 =	sadd.s32 s21, s5  }
0x9f: {  	[timem:s9], [sflag:s22] =	dma.local [hbm:s7], s20  }
0xa0: {  	_ =	swait.ge [sflag:s22], s20  }
0xa1: {  	s6 =	ssub.s32 $0x0, s20;
	[sflag:s22] =	ssyncset.done $0x0  }
0xa2: {  	[sflag:s22] =	ssyncadd.s32 s6;
	_ =	sdelay $0x1  }
0xa3: {  	s23 =	simm.s32 $0x1B8B  }
0xa4: {  	_ =	swait.ge [sflag:s23], $0x1  }
0xa5: {  	[sflag:s23] =	ssyncset.done $0x0  }
0xa6: {  	s25 =	simm.s32 $0x1B8E;
	s24 =	sld [smem:$0x3FFE];
	[sflag:s23] =	ssyncadd.s32 $0xFFFFFFFF  }
0xa7: {  	s26 =	simm.s32 $execute0_lowered;
	[smem:$0x3FD2] =	sst s25  }
0xa8: {  	s7 =	sshll.u32 s26, $0x1;
	_ =	strace $0x80000046;
	[dreg:$0x1] =	wrdreg $0xFFFFFFFF  }
0xa9: {  	s28 =	simm.s32 $_size_execute0_lowered;
	s5 =	sadd.s32 s5, s7;
	[dreg:$0x0] =	wrdreg $0x0  }
0xaa: {  	s7 =	sshll.u32 s28, $0x1;
	[dreg:$0x2] =	wrdreg s5  }
0xab: {  	[dreg:$0x3] =	wrdreg s7  }
0xac: {  	[dreg:$0x4] =	wrdreg $0xC0  }
0xad: {  	_ =	task [dreg:s9], $0x5FFFF  }
0xae: {  	[dreg:$0x1] =	wrdreg $0xFFFFFFFF  }
0xaf: {  	[dreg:$0x0] =	wrdreg $0x60  }
0xb0: {  	[dreg:$0x2] =	wrdreg s2  }
0xb1: {  	[dreg:$0x3] =	wrdreg s18  }
0xb2: {  	[dreg:$0x4] =	wrdreg s24  }
0xb3: {  	[dreg:$0x5] =	wrdreg s4  }
0xb4: {  	[dreg:$0x6] =	wrdreg $0x72000  }
0xb5: {  	[dreg:$0x7] =	wrdreg $0x9  }
0xb6: {  	_ =	task.clear_ibuf [dreg:s9], $0x8FFFF;
	_ =	strace $0x90000046  }
0xb7: {  	s29 =	simm.s32 $0x9;
	_ =	strace $0x80000048  }
0xb8: {  	_ =	swait.ge [sflag:s29], $0x1  }
0xb9: {  	[sflag:s29] =	ssyncadd.s32 $0xFFFFFFFF  }
0xba: {  	_ =	strace $0x90000048  }
0xbb: {  	_ =	sfence  }
0xbc: {  	s30 =	sld [smem:$0x0];
	_ =	sdelay $0x2  }
0xbd: {  	s31 =	sshll.u32 s1, $0xD;
	s1 =	sshrl.u32 s1, $0x2  }
0xbe: {  	s3 =	sand.u32 $0x4000, s31;
	s1 =	sadd.s32 s1, s30  }
0xbf: {  	s0 =	sor.u32 s3, s0;
	s1 =	sshll.u32 s1, $0x11  }
0xc0: {  	s0 =	sor.u32 s1, s0  }
0xc1: {  	s0 =	sadd.s32 $0x8F2B, s0  }
0xc2: {  	[sflag:s0] =	ssyncadd.remote.s32 $0x1  }
0xc3: {  	_ =	sfence.sel $0xFFFF  }
0xc4: {  	[dreg:$0x0] =	wrdreg $0xFFFFFFFF;
	(pc) =	sbr.abs _section_cstart, $3  }
0xc5: {  	[dreg:$0x1] =	wrdreg $0xFFFFFFFF  }
0xc6: {  	_ =	task.clear_ibuf [dreg:s9], $0x2FFFF;
	_ =	strace $0x9FFFFFFF  }
0xc7: {  	(tm) =	ssettm $0x7FFFFFFF  }
tec
execute0_lowered:
.L_overlay_start_1:
0x0: {  	(tag) =	ssettag $0x1  }
0x1: {  	s0 =	rddreg [dreg:$0x0]  }
0x2: {  	s1 =	rddreg [dreg:$0x1]  }
0x3: {  	s2 =	rddreg [dreg:$0x2]  }
0x4: {  	s4 =	rddreg [dreg:$0x3]  }
0x5: {  	s17 =	rddreg [dreg:$0x4];
	s3 =	simm.s32 $0x0  }
0x6: {  	[smem:$0x7FF] =	sst s3;
	s6 =	sadd.s32 $0x400, s2  }
0x7: {  	s24 =	sadd.s32 $0x480, s2;
	_ =	strace $0x80000047;
	[dreg:$0x6] =	wrdreg s6  }
0x8: {  	s25 =	sadd.s32 $0xDBE80, s17;
	[dreg:$0x8] =	wrdreg s24  }
0x9: {  	s5 =	srdreg.scid;
	s26 =	sadd.s32 $0xF4580, s17;
	[dreg:$0x9] =	wrdreg s25  }
0xa: {  	s18 =	stileid.u32;
	s29 =	sadd.s32 $0x10CC80, s17;
	[dreg:$0xa] =	wrdreg s26  }
0xb: {  	s5 =	sand.u32 $0x1, s5;
	s30 =	sadd.s32 $0x125380, s17;
	[dreg:$0xb] =	wrdreg s29  }
0xc: {  	s9 =	sand.u32 $0x1, s18;
	s2 =	sadd.s32 $0x13DA80, s17;
	[dreg:$0xc] =	wrdreg s30  }
0xd: {  	s23 =	sshrl.u32 s18, $0x1;
	s19 =	sadd.s32 $0x186F80, s17;
	[dreg:$0xd] =	wrdreg s2  }
0xe: {  	s20 =	sadd.s32 $0x18680, s17;
	p0 =	seq.s32 s9, $0x1;
	[dreg:$0x12] =	wrdreg s19  }
0xf: {  	s9 =	smul.u32 $0x62, s23;
	[dreg:$0x13] =	wrdreg s20;
	s23 =	sadd.s32 $0x61B80, s17  }
0x10: {  	s21 =	sshll.u32 s18, $0xA;
	s24 =	sadd.s32 $0x7A280, s17;
	[dreg:$0x16] =	wrdreg s23  }
0x11: {  	p1 =	sne.s32 s18, $0x1;
	s25 =	sadd.s32 $0x92980, s17;
	[dreg:$0x17] =	wrdreg s24  }
0x12: {  	s7 =	ssub.s32 $0x2, s5;
	s26 =	sadd.s32 $0xAB080, s17;
	[dreg:$0x18] =	wrdreg s25  }
0x13: {  	s5 =	sshll.u32 s5, $0x9;
	s29 =	sadd.s32 $0xC3780, s17;
	[dreg:$0x19] =	wrdreg s26  }
0x14: {  	s6 =	simm.s32 $0xC3800;
	s30 =	sadd.s32 $0x18700, s17;
	[dreg:$0x1a] =	wrdreg s29  }
0x15: {  	s20 =	sadd.s32 $0x61C00, s17;
	s6 =	simm.s32 @!p0 $0x0;
	[dreg:$0x1b] =	wrdreg s30  }
0x16: {  	p0 =	seq.s32 s18, $0x0;
	s18 =	sadd.s32 $0x16E880, s17;
	[smem:$0x7E6] =	sst s20  }
0x17: {  	s5 =	sor.u32 s5, s21;
	s21 =	sadd.s32 $0x30D80, s17;
	[dreg:$0x11] =	wrdreg s18  }
0x18: {  	s23 =	sadd.s32 $0xAB100, s17;
	[dreg:$0x14] =	wrdreg s21  }
0x19: {  	s29 =	sadd.s32 $0xC3800, s17;
	[smem:$0x7E9] =	sst s23  }
0x1a: {  	s30 =	sadd.s32 $0xDBF00, s17;
	[smem:$0x7ED] =	sst s29  }
0x1b: {  	s8 =	sshrl.u32 s7, $0x1;
	s21 =	sadd.s32 $0x7A300, s17;
	[smem:$0x7EE] =	sst s30  }
0x1c: {  	s22 =	sshrl.u32 s5, $0x3;
	s23 =	sadd.s32 $0x13DB00, s17;
	[smem:$0x7E7] =	sst s21  }
0x1d: {  	s7 =	ssub.s32 s7, s8;
	s0 =	sadd.s32 s0, s22;
	[smem:$0x7F7] =	sst s23  }
0x1e: {  	s7 =	smax.u32 s7, $0x1;
	[dreg:$0x7] =	wrdreg s0  }
0x1f: {  	s22 =	sadd.s32 $0x49480, s17;
	[dreg:$0x10] =	wrdreg s7  }
0x20: {  	s21 =	sadd.s32 $0x125400, s17;
	[dreg:$0x15] =	wrdreg s22  }
0x21: {  	s0 =	sadd.s32 s4, s5;
	s5 =	sadd.s32 $0x156180, s17;
	[smem:$0x7F5] =	sst s21  }
0x22: {  	s4 =	sadd.s32 $0x30E00, s17;
	[dreg:$0xf] =	wrdreg s5  }
0x23: {  	s22 =	sadd.s32 $0x92A00, s17;
	[dreg:$0x1c] =	wrdreg s4  }
0x24: {  	[smem:$0x7E8] =	sst s22  }
0x25: {  	s5 =	sadd.s32 $0x49500, s17;
	[dreg:$0xe] =	wrdreg s0  }
0x26: {  	s7 =	sadd.s32 $0x10, s0;
	[dreg:$0x1d] =	wrdreg s5  }
0x27: {  	s18 =	sadd.s32 $0x20, s0;
	[dreg:$0x1e] =	wrdreg s7  }
0x28: {  	s19 =	sadd.s32 $0x30, s0;
	[dreg:$0x1f] =	wrdreg s18  }
0x29: {  	s24 =	sadd.s32 $0x40, s0;
	[smem:$0x7E5] =	sst s19  }
0x2a: {  	s25 =	sadd.s32 $0x50, s0;
	[smem:$0x7EA] =	sst s24  }
0x2b: {  	s31 =	simm.s32 $0x4;
	s26 =	sadd.s32 $0x70, s0;
	[smem:$0x7EB] =	sst s25  }
0x2c: {  	s28 =	simm.s32 $0x1200;
	s4 =	sadd.s32 $0xF4600, s17;
	[smem:$0x7EC] =	sst s26  }
0x2d: {  	s2 =	simm.s32 $0x1000;
	s20 =	sadd.s32 $0x4030, s0;
	[smem:$0x7EF] =	sst s4  }
0x2e: {  	s8 =	sadd.s32 s6, s17;
	s22 =	sadd.s32 $0x60, s0;
	[smem:$0x7F4] =	sst s20  }
0x2f: {  	s10 =	sadd.s32 $0x18700, s8;
	s29 =	sadd.s32 $0x4050, s0;
	[smem:$0x7F6] =	sst s22  }
0x30: {  	s11 =	sadd.s32 $0x30E00, s8;
	s30 =	sadd.s32 $0x4060, s0;
	[smem:$0x7FB] =	sst s29  }
0x31: {  	s12 =	sadd.s32 $0x49500, s8;
	s5 =	sadd.s32 $0x10CD00, s17;
	[smem:$0x7FC] =	sst s30  }
0x32: {  	s13 =	sadd.s32 $0x61C00, s8;
	s7 =	sadd.s32 $0x4000, s0;
	[smem:$0x7F0] =	sst s5  }
0x33: {  	s14 =	sadd.s32 $0x7A300, s8;
	s18 =	sadd.s32 $0x4010, s0;
	[smem:$0x7F1] =	sst s7  }
0x34: {  	s15 =	sadd.s32 $0x92A00, s8;
	s19 =	sadd.s32 $0x4020, s0;
	[smem:$0x7F2] =	sst s18  }
0x35: {  	s16 =	sadd.s32 $0xAB100, s8;
	s24 =	sadd.s32 $0x156200, s17;
	[smem:$0x7F3] =	sst s19  }
.Ltmp0:
0x36: {  	s25 =	sadd.s32 $0x16E900, s17;
	[smem:$0x7F8] =	sst s24;
	(pc) =	sbr.rel .LBB2_1-.Ltmp0, $4  }
0x37: {  	s21 =	simm.s32 $0x400;
	s26 =	sadd.s32 $0x4040, s0;
	[smem:$0x7F9] =	sst s25  }
0x38: {  	s0 =	sadd.s32 $0x4070, s0;
	s20 =	simm.s32 $0x2;
	[smem:$0x7FA] =	sst s26  }
0x39: {  	s4 =	simm.s32 $0x200;
	[smem:$0x7FD] =	sst s0;
	s0 =	simm.s32 $0x1  }
0x3a: {  	s18 =	simm.s32 $0x3;
	s24 =	simm.s32 $0x80;
	s5 =	simm.s32 $0x0  }
.LBB2_10:
0x3b: {  	[tilespmem:s28], [sflag:$0x4] =	stream.linear.gather [hbm4b:s29+s3], $0x400, $0x38;
	[tilespmem:$0x1F900] =	vst v63  }
0x3c: {  	_ =	swait.ge [sflag:s31], $0x400  }
0x3d: {  	[sflag:s31] =	ssyncset.done $0x0  }
0x3e: {  	[sflag:s31] =	ssyncadd.s32 $0xFFFFFC00  }
0x3f: {  	[spmem:s7] =	stream.linear.scatter [tilespmem:s28], [sflag:$0x2], $0x80, $0x38;
	[tilespmem:$0x1F900] =	vst v63  }
0x40: {  	s29 =	simm.s32 $0x1280  }
0x41: {  	[spmem:s25] =	stream.linear.scatter [tilespmem:s29], [sflag:$0x2], $0x80, $0x38;
	[tilespmem:$0x1F900] =	vst v63  }
0x42: {  	s29 =	simm.s32 $0x1300  }
0x43: {  	[spmem:s30] =	stream.linear.scatter [tilespmem:s29], [sflag:$0x2], $0x80, $0x38;
	[tilespmem:$0x1F900] =	vst v63  }
0x44: {  	s30 =	simm.s32 $0x1380  }
0x45: {  	[spmem:s23] =	stream.linear.scatter [tilespmem:s30], [sflag:$0x2], $0x80, $0x38;
	[tilespmem:$0x1F900] =	vst v63  }
0x46: {  	s23 =	simm.s32 $0x1400  }
0x47: {  	[spmem:s17] =	stream.linear.scatter [tilespmem:s23], [sflag:$0x2], $0x80, $0x38;
	[tilespmem:$0x1F900] =	vst v63  }
0x48: {  	s25 =	simm.s32 $0x1480  }
0x49: {  	[spmem:s22] =	stream.linear.scatter [tilespmem:s25], [sflag:$0x2], $0x80, $0x38;
	[tilespmem:$0x1F900] =	vst v63  }
0x4a: {  	s29 =	simm.s32 $0x1500  }
0x4b: {  	[spmem:s19] =	stream.linear.scatter [tilespmem:s29], [sflag:$0x2], $0x80, $0x38;
	[tilespmem:$0x1F900] =	vst v63  }
0x4c: {  	s30 =	simm.s32 $0x1580  }
0x4d: {  	[spmem:s26] =	stream.linear.scatter [tilespmem:s30], [sflag:$0x2], $0x80, $0x38;
	[tilespmem:$0x1F900] =	vst v63  }
0x4e: {  	_ =	swait.ge [sflag:s20], $0x80  }
0x4f: {  	[sflag:s20] =	ssyncset.done $0x0  }
0x50: {  	[sflag:s20] =	ssyncadd.s32 $0xFFFFFF80  }
0x51: {  	_ =	swait.ge [sflag:s20], $0x80  }
0x52: {  	[sflag:s20] =	ssyncset.done $0x0  }
0x53: {  	[sflag:s20] =	ssyncadd.s32 $0xFFFFFF80  }
0x54: {  	_ =	swait.ge [sflag:s20], $0x80  }
0x55: {  	[sflag:s20] =	ssyncset.done $0x0  }
0x56: {  	[sflag:s20] =	ssyncadd.s32 $0xFFFFFF80  }
0x57: {  	_ =	swait.ge [sflag:s20], $0x80  }
0x58: {  	[sflag:s20] =	ssyncset.done $0x0  }
0x59: {  	[sflag:s20] =	ssyncadd.s32 $0xFFFFFF80  }
0x5a: {  	_ =	swait.ge [sflag:s20], $0x80  }
0x5b: {  	[sflag:s20] =	ssyncset.done $0x0  }
0x5c: {  	[sflag:s20] =	ssyncadd.s32 $0xFFFFFF80  }
0x5d: {  	_ =	swait.ge [sflag:s20], $0x80  }
0x5e: {  	[sflag:s20] =	ssyncset.done $0x0  }
0x5f: {  	[sflag:s20] =	ssyncadd.s32 $0xFFFFFF80  }
0x60: {  	_ =	swait.ge [sflag:s20], $0x80  }
0x61: {  	[sflag:s20] =	ssyncset.done $0x0  }
0x62: {  	[sflag:s20] =	ssyncadd.s32 $0xFFFFFF80  }
0x63: {  	_ =	swait.ge [sflag:s20], $0x80  }
0x64: {  	[sflag:s20] =	ssyncset.done $0x0  }
0x65: {  	[sflag:s20] =	ssyncadd.s32 $0xFFFFFF80  }
.LBB2_11:
0x66: {  	[bflag:$0x0] =	sbarrier.arrive $0xFFFF  }
0x67: {  	s7 =	rddreg [dreg:$0x4]  }
0x68: {  	[tilespmem:s4], [sflag:$0x3] =	stream.indirect.gather [spmem:s7], $0x1, s3, s4, $0xb8;
	[tilespmem:$0x1F900] =	vst v63  }
0x69: {  	s25 =	rddreg [dreg:$0x1b]  }
0x6a: {  	[tilespmem:s21], [sflag:$0x3] =	stream.indirect.gather [spmem:s25], $0x1, s3, s4, $0xb8;
	[tilespmem:$0x1F900] =	vst v63  }
0x6b: {  	s17 =	simm.s32 $0x600;
	s26 =	rddreg [dreg:$0x1c]  }
0x6c: {  	[tilespmem:s17], [sflag:$0x3] =	stream.indirect.gather [spmem:s26], $0x1, s3, s4, $0xb8;
	[tilespmem:$0x1F900] =	vst v63  }
0x6d: {  	s19 =	simm.s32 $0x800;
	s29 =	rddreg [dreg:$0x1d]  }
0x6e: {  	[tilespmem:s19], [sflag:$0x3] =	stream.indirect.gather [spmem:s29], $0x1, s3, s4, $0xb8;
	[tilespmem:$0x1F900] =	vst v63  }
0x6f: {  	_ =	swait.ge [sflag:s18], $0x200  }
0x70: {  	[sflag:s18] =	ssyncset.done $0x0  }
0x71: {  	[sflag:s18] =	ssyncadd.s32 $0xFFFFFE00  }
0x72: {  	_ =	swait.ge [sflag:s18], $0x200  }
0x73: {  	[sflag:s18] =	ssyncset.done $0x0  }
0x74: {  	[sflag:s18] =	ssyncadd.s32 $0xFFFFFE00  }
0x75: {  	_ =	swait.ge [sflag:s18], $0x200  }
0x76: {  	[sflag:s18] =	ssyncset.done $0x0  }
0x77: {  	[sflag:s18] =	ssyncadd.s32 $0xFFFFFE00  }
0x78: {  	_ =	swait.ge [sflag:s18], $0x200  }
0x79: {  	[sflag:s18] =	ssyncset.done $0x0;
	s30 =	rddreg [dreg:$0xe]  }
0x7a: {  	s22 =	rddreg [dreg:$0x1e];
	[sflag:s18] =	ssyncadd.s32 $0xFFFFFE00  }
0x7b: {  	[hbm4b:s30+s24] =	stream.strided.scatter [tilespmem:s4], [sflag:$0x2], $0x200, s21, s24, $0x38;
	[tilespmem:$0x1F900] =	vst v63  }
0x7c: {  	s23 =	rddreg [dreg:$0x1f]  }
0x7d: {  	[hbm4b:s22+s24] =	stream.strided.scatter [tilespmem:s21], [sflag:$0x2], $0x200, s21, s24, $0x38;
	[tilespmem:$0x1F900] =	vst v63  }
0x7e: {  	s25 =	sld [smem:$0x7E5]  }
0x7f: {  	[hbm4b:s23+s24] =	stream.strided.scatter [tilespmem:s17], [sflag:$0x2], $0x200, s21, s24, $0x38;
	[tilespmem:$0x1F900] =	vst v63  }
0x80: {  	s26 =	sld [smem:$0x7E6]  }
0x81: {  	[hbm4b:s25+s24] =	stream.strided.scatter [tilespmem:s19], [sflag:$0x2], $0x200, s21, s24, $0x38;
	[tilespmem:$0x1F900] =	vst v63  }
0x82: {  	s29 =	sld [smem:$0x7E7];
	s22 =	simm.s32 $0xA00  }
0x83: {  	[tilespmem:s22], [sflag:$0x3] =	stream.indirect.gather [spmem:s26], $0x1, s3, s4, $0xb8;
	[tilespmem:$0x1F900] =	vst v63  }
0x84: {  	s30 =	sld [smem:$0x7E8];
	s23 =	simm.s32 $0xC00  }
0x85: {  	[tilespmem:s23], [sflag:$0x3] =	stream.indirect.gather [spmem:s29], $0x1, s3, s4, $0xb8;
	[tilespmem:$0x1F900] =	vst v63  }
0x86: {  	s25 =	simm.s32 $0xE00;
	s26 =	sld [smem:$0x7E9]  }
0x87: {  	[tilespmem:s25], [sflag:$0x3] =	stream.indirect.gather [spmem:s30], $0x1, s3, s4, $0xb8;
	[tilespmem:$0x1F900] =	vst v63  }
0x88: {  	_ = 	snop  }
0x89: {  	[tilespmem:s2], [sflag:$0x3] =	stream.indirect.gather [spmem:s26], $0x1, s3, s4, $0xb8;
	[tilespmem:$0x1F900] =	vst v63  }
0x8a: {  	_ =	swait.ge [sflag:s18], $0x200  }
0x8b: {  	[sflag:s18] =	ssyncset.done $0x0  }
0x8c: {  	[sflag:s18] =	ssyncadd.s32 $0xFFFFFE00  }
0x8d: {  	_ =	swait.ge [sflag:s18], $0x200  }
0x8e: {  	[sflag:s18] =	ssyncset.done $0x0  }
0x8f: {  	[sflag:s18] =	ssyncadd.s32 $0xFFFFFE00  }
0x90: {  	_ =	swait.ge [sflag:s18], $0x200  }
0x91: {  	[sflag:s18] =	ssyncset.done $0x0  }
0x92: {  	[sflag:s18] =	ssyncadd.s32 $0xFFFFFE00  }
0x93: {  	_ =	swait.ge [sflag:s18], $0x200  }
0x94: {  	s29 =	sld [smem:$0x7EA]  }
0x95: {  	[sflag:s18] =	ssyncset.done $0x0  }
0x96: {  	s30 =	sld [smem:$0x7EB];
	[sflag:s18] =	ssyncadd.s32 $0xFFFFFE00  }
0x97: {  	[hbm4b:s29+s24] =	stream.strided.scatter [tilespmem:s22], [sflag:$0x2], $0x200, s21, s24, $0x38;
	[tilespmem:$0x1F900] =	vst v63  }
0x98: {  	s26 =	sld [smem:$0x7F6]  }
0x99: {  	[hbm4b:s30+s24] =	stream.strided.scatter [tilespmem:s23], [sflag:$0x2], $0x200, s21, s24, $0x38;
	[tilespmem:$0x1F900] =	vst v63  }
0x9a: {  	s29 =	sld [smem:$0x7EC]  }
0x9b: {  	[hbm4b:s26+s24] =	stream.strided.scatter [tilespmem:s25], [sflag:$0x2], $0x200, s21, s24, $0x38;
	[tilespmem:$0x1F900] =	vst v63  }
0x9c: {  	_ = 	snop  }
0x9d: {  	[hbm4b:s29+s24] =	stream.strided.scatter [tilespmem:s2], [sflag:$0x2], $0x200, s21, s24, $0x38;
	[tilespmem:$0x1F900] =	vst v63  }
0x9e: {  	_ =	swait.ge [sflag:s20], $0x200  }
0x9f: {  	[sflag:s20] =	ssyncset.done $0x0  }
0xa0: {  	[sflag:s20] =	ssyncadd.s32 $0xFFFFFE00  }
0xa1: {  	_ =	swait.ge [sflag:s20], $0x200  }
0xa2: {  	[sflag:s20] =	ssyncset.done $0x0  }
0xa3: {  	[sflag:s20] =	ssyncadd.s32 $0xFFFFFE00  }
0xa4: {  	_ =	swait.ge [sflag:s20], $0x200  }
0xa5: {  	[sflag:s20] =	ssyncset.done $0x0  }
0xa6: {  	[sflag:s20] =	ssyncadd.s32 $0xFFFFFE00  }
0xa7: {  	_ =	swait.ge [sflag:s20], $0x200  }
0xa8: {  	s30 =	sld [smem:$0x7ED]  }
0xa9: {  	[sflag:s20] =	ssyncset.done $0x0  }
0xaa: {  	s26 =	sld [smem:$0x7EE];
	[sflag:s20] =	ssyncadd.s32 $0xFFFFFE00  }
0xab: {  	[tilespmem:s4], [sflag:$0x3] =	stream.indirect.gather [spmem:s30], $0x1, s3, s4, $0xb8;
	[tilespmem:$0x1F900] =	vst v63  }
0xac: {  	s29 =	sld [smem:$0x7EF]  }
0xad: {  	[tilespmem:s21], [sflag:$0x3] =	stream.indirect.gather [spmem:s26], $0x1, s3, s4, $0xb8;
	[tilespmem:$0x1F900] =	vst v63  }
0xae: {  	s30 =	sld [smem:$0x7F0]  }
0xaf: {  	[tilespmem:s17], [sflag:$0x3] =	stream.indirect.gather [spmem:s29], $0x1, s3, s4, $0xb8;
	[tilespmem:$0x1F900] =	vst v63  }
0xb0: {  	_ = 	snop  }
0xb1: {  	[tilespmem:s19], [sflag:$0x3] =	stream.indirect.gather [spmem:s30], $0x1, s3, s4, $0xb8;
	[tilespmem:$0x1F900] =	vst v63  }
0xb2: {  	_ =	swait.ge [sflag:s18], $0x200  }
0xb3: {  	[sflag:s18] =	ssyncset.done $0x0  }
0xb4: {  	[sflag:s18] =	ssyncadd.s32 $0xFFFFFE00  }
0xb5: {  	_ =	swait.ge [sflag:s18], $0x200  }
0xb6: {  	[sflag:s18] =	ssyncset.done $0x0  }
0xb7: {  	[sflag:s18] =	ssyncadd.s32 $0xFFFFFE00  }
0xb8: {  	_ =	swait.ge [sflag:s18], $0x200  }
0xb9: {  	[sflag:s18] =	ssyncset.done $0x0  }
0xba: {  	[sflag:s18] =	ssyncadd.s32 $0xFFFFFE00  }
0xbb: {  	_ =	swait.ge [sflag:s18], $0x200  }
0xbc: {  	s26 =	sld [smem:$0x7F1]  }
0xbd: {  	[sflag:s18] =	ssyncset.done $0x0  }
0xbe: {  	s29 =	sld [smem:$0x7F2];
	[sflag:s18] =	ssyncadd.s32 $0xFFFFFE00  }
0xbf: {  	[hbm4b:s26+s24] =	stream.strided.scatter [tilespmem:s4], [sflag:$0x2], $0x200, s21, s24, $0x38;
	[tilespmem:$0x1F900] =	vst v63  }
0xc0: {  	s30 =	sld [smem:$0x7F3]  }
0xc1: {  	[hbm4b:s29+s24] =	stream.strided.scatter [tilespmem:s21], [sflag:$0x2], $0x200, s21, s24, $0x38;
	[tilespmem:$0x1F900] =	vst v63  }
0xc2: {  	_ = 	snop  }
0xc3: {  	[hbm4b:s30+s24] =	stream.strided.scatter [tilespmem:s17], [sflag:$0x2], $0x200, s21, s24, $0x38;
	[tilespmem:$0x1F900] =	vst v63  }
0xc4: {  	s17 =	sld [smem:$0x7F4];
	_ =	sdelay $0x2  }
0xc5: {  	[hbm4b:s17+s24] =	stream.strided.scatter [tilespmem:s19], [sflag:$0x2], $0x200, s21, s24, $0x38;
	[tilespmem:$0x1F900] =	vst v63  }
0xc6: {  	_ =	swait.ge [sflag:s20], $0x200  }
0xc7: {  	[sflag:s20] =	ssyncset.done $0x0  }
0xc8: {  	[sflag:s20] =	ssyncadd.s32 $0xFFFFFE00  }
0xc9: {  	_ =	swait.ge [sflag:s20], $0x200  }
0xca: {  	[sflag:s20] =	ssyncset.done $0x0  }
0xcb: {  	[sflag:s20] =	ssyncadd.s32 $0xFFFFFE00  }
0xcc: {  	_ =	swait.ge [sflag:s20], $0x200  }
0xcd: {  	[sflag:s20] =	ssyncset.done $0x0  }
0xce: {  	[sflag:s20] =	ssyncadd.s32 $0xFFFFFE00  }
0xcf: {  	_ =	swait.ge [sflag:s20], $0x200  }
0xd0: {  	s26 =	sld [smem:$0x7F5]  }
0xd1: {  	[sflag:s20] =	ssyncset.done $0x0  }
0xd2: {  	s29 =	sld [smem:$0x7F7];
	[sflag:s20] =	ssyncadd.s32 $0xFFFFFE00  }
0xd3: {  	[tilespmem:s22], [sflag:$0x3] =	stream.indirect.gather [spmem:s26], $0x1, s3, s4, $0xb8;
	[tilespmem:$0x1F900] =	vst v63  }
0xd4: {  	s30 =	sld [smem:$0x7F8]  }
0xd5: {  	[tilespmem:s23], [sflag:$0x3] =	stream.indirect.gather [spmem:s29], $0x1, s3, s4, $0xb8;
	[tilespmem:$0x1F900] =	vst v63  }
0xd6: {  	s17 =	sld [smem:$0x7F9]  }
0xd7: {  	[tilespmem:s25], [sflag:$0x3] =	stream.indirect.gather [spmem:s30], $0x1, s3, s4, $0xb8;
	[tilespmem:$0x1F900] =	vst v63  }
0xd8: {  	_ = 	snop  }
0xd9: {  	[tilespmem:s2], [sflag:$0x3] =	stream.indirect.gather [spmem:s17], $0x1, s3, s4, $0xb8;
	[tilespmem:$0x1F900] =	vst v63  }
0xda: {  	_ =	swait.ge [sflag:s18], $0x200  }
0xdb: {  	[sflag:s18] =	ssyncset.done $0x0  }
0xdc: {  	[sflag:s18] =	ssyncadd.s32 $0xFFFFFE00  }
0xdd: {  	_ =	swait.ge [sflag:s18], $0x200  }
0xde: {  	[sflag:s18] =	ssyncset.done $0x0  }
0xdf: {  	[sflag:s18] =	ssyncadd.s32 $0xFFFFFE00  }
0xe0: {  	_ =	swait.ge [sflag:s18], $0x200  }
0xe1: {  	[sflag:s18] =	ssyncset.done $0x0  }
0xe2: {  	[sflag:s18] =	ssyncadd.s32 $0xFFFFFE00  }
0xe3: {  	_ =	swait.ge [sflag:s18], $0x200  }
0xe4: {  	s19 =	sld [smem:$0x7FA]  }
0xe5: {  	[sflag:s18] =	ssyncset.done $0x0  }
0xe6: {  	[sflag:s18] =	ssyncadd.s32 $0xFFFFFE00  }
0xe7: {  	[hbm4b:s19+s24] =	stream.strided.scatter [tilespmem:s22], [sflag:$0x2], $0x200, s21, s24, $0x38;
	[tilespmem:$0x1F900] =	vst v63  }
0xe8: {  	s22 =	sld [smem:$0x7FB];
	_ =	sdelay $0x1  }
0xe9: {  	s26 =	sld [smem:$0x7FC]  }
0xea: {  	[hbm4b:s22+s24] =	stream.strided.scatter [tilespmem:s23], [sflag:$0x2], $0x200, s21, s24, $0x38;
	[tilespmem:$0x1F900] =	vst v63  }
0xeb: {  	s29 =	sld [smem:$0x7FD]  }
0xec: {  	[hbm4b:s26+s24] =	stream.strided.scatter [tilespmem:s25], [sflag:$0x2], $0x200, s21, s24, $0x38;
	[tilespmem:$0x1F900] =	vst v63  }
0xed: {  	_ = 	snop  }
0xee: {  	[hbm4b:s29+s24] =	stream.strided.scatter [tilespmem:s2], [sflag:$0x2], $0x200, s21, s24, $0x38;
	[tilespmem:$0x1F900] =	vst v63  }
0xef: {  	_ =	swait.ge [sflag:s20], $0x200  }
0xf0: {  	[sflag:s20] =	ssyncset.done $0x0  }
0xf1: {  	[sflag:s20] =	ssyncadd.s32 $0xFFFFFE00  }
0xf2: {  	_ =	swait.ge [sflag:s20], $0x200  }
0xf3: {  	[sflag:s20] =	ssyncset.done $0x0  }
0xf4: {  	[sflag:s20] =	ssyncadd.s32 $0xFFFFFE00  }
0xf5: {  	_ =	swait.ge [sflag:s20], $0x200  }
0xf6: {  	[sflag:s20] =	ssyncset.done $0x0  }
0xf7: {  	[sflag:s20] =	ssyncadd.s32 $0xFFFFFE00  }
0xf8: {  	_ =	swait.ge [sflag:s20], $0x200  }
0xf9: {  	[sflag:s20] =	ssyncset.done $0x0  }
0xfa: {  	[sflag:s20] =	ssyncadd.s32 $0xFFFFFE00  }
0xfb: {  	_ =	swait.ge [sflag:s20], $0x200  }
0xfc: {  	[sflag:s20] =	ssyncset.done $0x0  }
0xfd: {  	[sflag:s20] =	ssyncadd.s32 $0xFFFFFE00  }
0xfe: {  	_ =	swait.ge [sflag:s20], $0x200  }
0xff: {  	[sflag:s20] =	ssyncset.done $0x0  }
0x100: {  	[sflag:s20] =	ssyncadd.s32 $0xFFFFFE00  }
0x101: {  	_ =	swait.ge [sflag:s20], $0x200  }
0x102: {  	[sflag:s20] =	ssyncset.done $0x0  }
0x103: {  	[sflag:s20] =	ssyncadd.s32 $0xFFFFFE00  }
0x104: {  	_ =	swait.ge [sflag:s20], $0x200  }
0x105: {  	s5 =	sadd.s32 $0x1, s5;
	s30 =	rddreg [dreg:$0x10]  }
0x106: {  	p2 =	sne.s32 s5, s30  }
.Ltmp1:
0x107: {  	_ = 	snop;
	(pc) =	sbr.rel @!p2 .LBB2_12-.Ltmp1, $3  }
0x108: {  	_ =	sdelay $0x1  }
0x109: {  	[sflag:s20] =	ssyncset.done $0x0  }
0x10a: {  	[sflag:s20] =	ssyncadd.s32 $0xFFFFFE00  }
.LBB2_1:
.Ltmp2:
0x10b: {  	s7 =	rddreg [dreg:$0x7];
	(pc) =	sbr.rel .LBB2_2-.Ltmp2, $4  }
0x10c: {  	[tilespmem:s3], [sflag:$0x4] =	stream.linear.gather [hbm4b:s7+s3], $0x200, $0x38;
	[tilespmem:$0x1F900] =	vst v63  }
0x10d: {  	_ =	swait.ge [sflag:s31], $0x200  }
0x10e: {  	[sflag:s31] =	ssyncset.done $0x0  }
0x10f: {  	s7 =	simm.s32 $0x0;
	[sflag:s31] =	ssyncadd.s32 $0xFFFFFE00  }
.LBB2_5:
0x110: {  	s19 =	sadd.s32 s7, s9  }
0x111: {  	s19 =	smin.u32 s19, $0x30C  }
0x112: {  	s19 =	sshll.u32 s19, $0xA  }
0x113: {  	s17 =	sshll.u32 s17, $0xA;
	s19 =	sadd.s32 s6, s19  }
0x114: {  	s17 =	sand.u32 $0x3FFFFC00, s17;
	s19 =	sshrl.u32 s19, $0x3  }
0x115: {  	s17 =	sadd.s32 $0x1200, s17;
	s19 =	sadd.s32 s1, s19  }
0x116: {  	[tilespmem:s17], [sflag:$0x1] =	stream.linear.gather [hbm4b:s19+s3], $0x400, $0x38;
	[tilespmem:$0x1F900] =	vst v63  }
.LBB2_6:
0x117: {  	s7 =	sadd.s32 $0x1, s7  }
0x118: {  	p2 =	sne.s32 s7, $0x76  }
.Ltmp3:
0x119: {  	_ = 	snop;
	(pc) =	sbr.rel @!p2 .LBB2_7-.Ltmp3, $1  }
0x11a: {  	_ =	sdelay $0x3  }
.LBB2_2:
0x11b: {  	p2 =	slt.u32 s7, $0x14  }
.Ltmp4:
0x11c: {  	_ = 	snop;
	(pc) =	sbr.rel @p2 .LBB2_5-.Ltmp4, $2  }
0x11d: {  	_ =	sdelay $0x2  }
0x11e: {  	s17 =	smov.u32 s7  }
0x11f: {  	s17 =	sadd.s32 $0xFFFFFFEC, s7  }
0x120: {  	s19 =	sand.u32 $0xFF, s17  }
0x121: {  	s19 =	smul.u32 $0xAB, s19;
	_ =	sdelay $0x1  }
0x122: {  	s19 =	sshrl.u32 s19, $0xC  }
0x123: {  	s19 =	smul.u32 $0x18, s19;
	_ =	sdelay $0x1  }
0x124: {  	s19 =	ssub.s32 s17, s19;
	s17 =	sadd.s32 s9, s17  }
0x125: {  	_ =	swait.ge [sflag:s0], $0x400;
	s19 =	sand.u32 $0xFF, s19;
	s17 =	smin.u32 s17, $0x30C  }
0x126: {  	[sflag:s0] =	ssyncset.done $0x0;
	s17 =	sshll.u32 s17, $0x7;
	s19 =	sshll.u32 s19, $0xA  }
0x127: {  	[sflag:s0] =	ssyncadd.s32 $0xFFFFFC00;
	s22 =	sadd.s32 s17, s8;
	s23 =	sadd.s32 $0x1200, s19  }
0x128: {  	[spmem:s22] =	stream.linear.scatter [tilespmem:s23], [sflag:$0x2], $0x80, $0x38;
	[tilespmem:$0x1F900] =	vst v63  }
0x129: {  	s25 =	sadd.s32 s17, s10;
	s26 =	sadd.s32 $0x1280, s19  }
0x12a: {  	[spmem:s25] =	stream.linear.scatter [tilespmem:s26], [sflag:$0x2], $0x80, $0x38;
	[tilespmem:$0x1F900] =	vst v63  }
0x12b: {  	s29 =	sadd.s32 s17, s11;
	s30 =	sadd.s32 $0x1300, s19  }
0x12c: {  	[spmem:s29] =	stream.linear.scatter [tilespmem:s30], [sflag:$0x2], $0x80, $0x38;
	[tilespmem:$0x1F900] =	vst v63  }
0x12d: {  	s25 =	sadd.s32 s17, s12;
	s26 =	sadd.s32 $0x1380, s19  }
0x12e: {  	[spmem:s25] =	stream.linear.scatter [tilespmem:s26], [sflag:$0x2], $0x80, $0x38;
	[tilespmem:$0x1F900] =	vst v63  }
0x12f: {  	s29 =	sadd.s32 s17, s13;
	s30 =	sadd.s32 $0x1400, s19  }
0x130: {  	[spmem:s29] =	stream.linear.scatter [tilespmem:s30], [sflag:$0x2], $0x80, $0x38;
	[tilespmem:$0x1F900] =	vst v63  }
0x131: {  	p2 =	sgt.u32 s7, $0x61;
	s25 =	sadd.s32 s17, s14;
	s26 =	sadd.s32 $0x1480, s19  }
0x132: {  	[spmem:s25] =	stream.linear.scatter [tilespmem:s26], [sflag:$0x2], $0x80, $0x38;
	[tilespmem:$0x1F900] =	vst v63  }
.Ltmp5:
0x133: {  	_ = 	snop;
	(pc) =	sbr.rel @p2 .LBB2_6-.Ltmp5, $4  }
0x134: {  	s29 =	sadd.s32 s17, s15;
	s30 =	sadd.s32 $0x1500, s19  }
0x135: {  	[spmem:s29] =	stream.linear.scatter [tilespmem:s30], [sflag:$0x2], $0x80, $0x38;
	[tilespmem:$0x1F900] =	vst v63  }
0x136: {  	s17 =	sadd.s32 s17, s16;
	s19 =	sadd.s32 $0x1580, s19  }
0x137: {  	[spmem:s17] =	stream.linear.scatter [tilespmem:s19], [sflag:$0x2], $0x80, $0x38;
	[tilespmem:$0x1F900] =	vst v63  }
0x138: {  	s17 =	smul.u32 $0xAB, s7;
	_ =	sdelay $0x1  }
0x139: {  	s17 =	sshrl.u32 s17, $0xC  }
.Ltmp6:
0x13a: {  	p2 =	slt.u32 s7, $0x18;
	s17 =	sand.u32 $0xF, s17;
	(pc) =	sbr.rel .LBB2_5-.Ltmp6, $4  }
0x13b: {  	s19 =	simm.s32 @!p2 $0x2;
	s17 =	smul.u32 $0x18, s17  }
0x13c: {  	_ =	swait.ge @!p2 [sflag:s19], $0x400  }
0x13d: {  	[sflag:s19] =	ssyncset.done @!p2 $0x0;
	s17 =	ssub.s32 s7, s17  }
0x13e: {  	[sflag:s19] =	ssyncadd.s32 @!p2 $0xFFFFFC00;
	s17 =	sand.u32 $0xFF, s17  }
.LBB2_7:
0x13f: {  	_ =	swait.ge [sflag:s20], $0x400  }
0x140: {  	[sflag:s20] =	ssyncset.done $0x0  }
0x141: {  	[sflag:s20] =	ssyncadd.s32 $0xFFFFFC00  }
0x142: {  	_ =	swait.ge [sflag:s20], $0x400  }
0x143: {  	[sflag:s20] =	ssyncset.done $0x0  }
0x144: {  	[sflag:s20] =	ssyncadd.s32 $0xFFFFFC00  }
0x145: {  	_ =	swait.ge [sflag:s20], $0x400  }
0x146: {  	[sflag:s20] =	ssyncset.done $0x0  }
0x147: {  	[sflag:s20] =	ssyncadd.s32 $0xFFFFFC00  }
0x148: {  	_ =	swait.ge [sflag:s20], $0x400  }
0x149: {  	[sflag:s20] =	ssyncset.done $0x0  }
0x14a: {  	[sflag:s20] =	ssyncadd.s32 $0xFFFFFC00  }
0x14b: {  	_ =	swait.ge [sflag:s20], $0x400  }
0x14c: {  	[sflag:s20] =	ssyncset.done $0x0  }
0x14d: {  	[sflag:s20] =	ssyncadd.s32 $0xFFFFFC00  }
0x14e: {  	_ =	swait.ge [sflag:s20], $0x400  }
0x14f: {  	[sflag:s20] =	ssyncset.done $0x0  }
0x150: {  	[sflag:s20] =	ssyncadd.s32 $0xFFFFFC00  }
0x151: {  	_ =	swait.ge [sflag:s20], $0x400  }
0x152: {  	[sflag:s20] =	ssyncset.done $0x0  }
0x153: {  	[sflag:s20] =	ssyncadd.s32 $0xFFFFFC00  }
0x154: {  	_ =	swait.ge [sflag:s20], $0x400  }
0x155: {  	[sflag:s20] =	ssyncset.done $0x0  }
0x156: {  	[sflag:s20] =	ssyncadd.s32 $0xFFFFFC00  }
0x157: {  	_ =	swait.ge [sflag:s20], $0x400  }
0x158: {  	[sflag:s20] =	ssyncset.done $0x0  }
0x159: {  	[sflag:s20] =	ssyncadd.s32 $0xFFFFFC00  }
0x15a: {  	_ =	swait.ge [sflag:s20], $0x400  }
0x15b: {  	[sflag:s20] =	ssyncset.done $0x0  }
0x15c: {  	[sflag:s20] =	ssyncadd.s32 $0xFFFFFC00  }
0x15d: {  	_ =	swait.ge [sflag:s20], $0x400  }
0x15e: {  	[sflag:s20] =	ssyncset.done $0x0  }
0x15f: {  	[sflag:s20] =	ssyncadd.s32 $0xFFFFFC00  }
0x160: {  	_ =	swait.ge [sflag:s20], $0x400  }
0x161: {  	[sflag:s20] =	ssyncset.done $0x0  }
0x162: {  	[sflag:s20] =	ssyncadd.s32 $0xFFFFFC00  }
0x163: {  	_ =	swait.ge [sflag:s20], $0x400  }
0x164: {  	[sflag:s20] =	ssyncset.done $0x0  }
0x165: {  	[sflag:s20] =	ssyncadd.s32 $0xFFFFFC00  }
0x166: {  	_ =	swait.ge [sflag:s20], $0x400  }
0x167: {  	[sflag:s20] =	ssyncset.done $0x0  }
0x168: {  	[sflag:s20] =	ssyncadd.s32 $0xFFFFFC00  }
0x169: {  	_ =	swait.ge [sflag:s20], $0x400  }
0x16a: {  	[sflag:s20] =	ssyncset.done $0x0  }
0x16b: {  	[sflag:s20] =	ssyncadd.s32 $0xFFFFFC00  }
0x16c: {  	_ =	swait.ge [sflag:s20], $0x400  }
0x16d: {  	[sflag:s20] =	ssyncset.done $0x0  }
0x16e: {  	[sflag:s20] =	ssyncadd.s32 $0xFFFFFC00  }
0x16f: {  	_ =	swait.ge [sflag:s20], $0x400  }
0x170: {  	[sflag:s20] =	ssyncset.done $0x0  }
0x171: {  	[sflag:s20] =	ssyncadd.s32 $0xFFFFFC00  }
0x172: {  	_ =	swait.ge [sflag:s20], $0x400  }
0x173: {  	[sflag:s20] =	ssyncset.done $0x0  }
0x174: {  	[sflag:s20] =	ssyncadd.s32 $0xFFFFFC00  }
0x175: {  	_ =	swait.ge [sflag:s20], $0x400  }
0x176: {  	[sflag:s20] =	ssyncset.done $0x0  }
0x177: {  	[sflag:s20] =	ssyncadd.s32 $0xFFFFFC00  }
0x178: {  	_ =	swait.ge [sflag:s20], $0x400  }
0x179: {  	[sflag:s20] =	ssyncset.done $0x0  }
0x17a: {  	[sflag:s20] =	ssyncadd.s32 $0xFFFFFC00  }
0x17b: {  	_ =	swait.ge [sflag:s20], $0x400  }
0x17c: {  	[sflag:s20] =	ssyncset.done $0x0  }
0x17d: {  	[sflag:s20] =	ssyncadd.s32 $0xFFFFFC00  }
0x17e: {  	_ =	swait.ge [sflag:s20], $0x400  }
0x17f: {  	[sflag:s20] =	ssyncset.done $0x0  }
0x180: {  	[sflag:s20] =	ssyncadd.s32 $0xFFFFFC00  }
0x181: {  	_ =	swait.ge [sflag:s20], $0x400  }
0x182: {  	[sflag:s20] =	ssyncset.done $0x0  }
0x183: {  	[sflag:s20] =	ssyncadd.s32 $0xFFFFFC00  }
0x184: {  	_ =	swait.ge [sflag:s20], $0x400  }
0x185: {  	s29 =	rddreg [dreg:$0x6]  }
0x186: {  	s7 =	rddreg [dreg:$0x13]  }
0x187: {  	s25 =	rddreg [dreg:$0x14]  }
0x188: {  	s30 =	rddreg [dreg:$0x15]  }
.Ltmp7:
0x189: {  	s23 =	rddreg [dreg:$0x16];
	(pc) =	sbr.rel @p0 .LBB2_10-.Ltmp7, $4  }
0x18a: {  	s17 =	rddreg [dreg:$0x17]  }
0x18b: {  	s22 =	rddreg [dreg:$0x18]  }
0x18c: {  	[sflag:s20] =	ssyncset.done $0x0;
	s19 =	rddreg [dreg:$0x19]  }
0x18d: {  	s26 =	rddreg [dreg:$0x1a];
	[sflag:s20] =	ssyncadd.s32 $0xFFFFFC00  }
.Ltmp8:
0x18e: {  	(pc) =	sbr.rel @p1 .LBB2_11-.Ltmp8, $1  }
0x18f: {  	_ =	sdelay $0x3  }
0x190: {  	s29 =	rddreg [dreg:$0x8]  }
0x191: {  	s7 =	rddreg [dreg:$0x9]  }
0x192: {  	s25 =	rddreg [dreg:$0xa]  }
0x193: {  	s30 =	rddreg [dreg:$0xb]  }
.Ltmp9:
0x194: {  	s23 =	rddreg [dreg:$0xc];
	(pc) =	sbr.rel .LBB2_10-.Ltmp9, $4  }
0x195: {  	s17 =	rddreg [dreg:$0xd]  }
0x196: {  	s22 =	rddreg [dreg:$0xf]  }
0x197: {  	s19 =	rddreg [dreg:$0x11]  }
0x198: {  	s26 =	rddreg [dreg:$0x12]  }
.LBB2_12:
0x199: {  	_ =	sfence.sel $0x180000  }
0x19a: {  	[bflag:$0x0] =	sbarrier.arrive $0xFFFF  }
0x19b: {  	_ =	strace $0x90000047  }
0x19c: {  	s0 =	stileid.u32;
	[bflag:$0x2] =	sbarrier.arrive $0xFFFF  }
0x19d: {  	p0 =	sne.s32 s0, $0x0;
	s0 =	rddreg [dreg:$0x5]  }
0x19e: {  	s0 =	sadd.s32 @!p0 $0x100000, s0  }
0x19f: {  	[sflag:s0] =	ssyncadd.tile.s32 @!p0 $0x1;
	_ =	shalt  }
.Lfunc_end2:
_tile_overlayer_lowered:
.L_overlay_start_2:
0x1a0: {  	(tag) =	ssettag $0x2  }
0x1a1: {  	s0 =	rddreg [dreg:$0x0];
	s2 =	stileid.u32  }
0x1a2: {  	s1 =	rddreg [dreg:$0x1];
	p0 =	sne.s32 s2, $0x0  }
0x1a3: {  	s3 =	rddreg [dreg:$0x2];
	[bflag:$0x3] =	sbarrier.arrive $0xFFFF;
	s2 =	simm.s32 @!p0 $0x1C04  }
0x1a4: {  	[timem:s3], [sflag:s2] =	dma.local @!p0 [hbm:s0], s1  }
0x1a5: {  	s0 =	simm.s32 @!p0 $0x4  }
0x1a6: {  	_ =	swait.ge @!p0 [sflag:s0], s1  }
0x1a7: {  	s1 =	ssub.s32 @!p0 $0x0, s1;
	[sflag:s0] =	ssyncset.done @!p0 $0x0  }
0x1a8: {  	[sflag:s0] =	ssyncadd.s32 @!p0 s1  }
0x1a9: {  	[bflag:$0x3] =	sbarrier.arrive $0xFFFF  }
0x1aa: {  	_ =	shalt  }

</sc_bundles>
